<compile_context>
chip_gen: v7x
topology: tpu7x:2x2x1
jax: 0.10.2.dev20260603
libtpu: 0.0.44.dev20260713+nightly
codegen_flags: <defaults>
</compile_context>

<pallas_src>
import functools

import jax
import jax.numpy as jnp
from jax import lax
from jax.experimental import pallas as pl
from jax.experimental.pallas import tpu as pltpu
from jax.experimental.pallas import tpu_sc as plsc

N = 10000
NP = 10240
E = 320000
D = 128
DEPTH = 4

NC = 2
NS = 16
NW = NC * NS
EPW = E // NW
CH = 40
NB = 5
NCHUNK = EPW // CH
RPT = NP // NS

_mesh = plsc.VectorSubcoreMesh(core_axis_name="c", subcore_axis_name="s")



def _sc_degree_body(dst_hbm, deg_out, didx_v, cnt_v):
    c = lax.axis_index("c")
    s = lax.axis_index("s")
    wid = s * NC + c
    pltpu.sync_copy(dst_hbm.at[wid], didx_v)
    zeros16 = jnp.zeros((16,), jnp.float32)
    ones16 = jnp.ones((16,), jnp.float32)

    def zero(i, _):
        cnt_v[pl.ds(i * 16, 16)] = zeros16
        return 0

    lax.fori_loop(0, NP // 16, zero, 0)

    def hist(i, _):
        dvec = didx_v[pl.ds(i * 16, 16)]
        plsc.addupdate_scatter(cnt_v, [dvec], ones16)
        return 0

    lax.fori_loop(0, EPW // 16, hist, 0)
    pltpu.sync_copy(cnt_v, deg_out.at[wid])


def _sc_aggregate_body(hn_hbm, src_hbm, dst_hbm, zeros_hbm, out_hbm,
                  sidx_v, didx_v, b0, b1, b2, b3, b4, acc_sh,
                  g0, g1, g2, g3, g4, s0, s1, s2, s3, s4):
    bufs = (b0, b1, b2, b3, b4)
    gsems = (g0, g1, g2, g3, g4)
    ssems = (s0, s1, s2, s3, s4)
    c = lax.axis_index("c")
    s = lax.axis_index("s")
    wid = s * NC + c
    pltpu.sync_copy(src_hbm.at[wid], sidx_v)

    def sidx(j):
        return sidx_v.at[pl.ds(j * CH, CH)]

    def didx(j):
        return didx_v.at[pl.ds(j * CH, CH)]

    for k in range(NB):
        pltpu.async_copy(hn_hbm.at[sidx(k)], bufs[k], gsems[k])
    pltpu.sync_copy(dst_hbm.at[wid], didx_v)
    pltpu.sync_copy(zeros_hbm, acc_sh.at[pl.ds(s * RPT, RPT)])
    plsc.subcore_barrier()

    def block(i, _):
        c0 = i * NB
        for k in range(NB):
            pltpu.make_async_copy(hn_hbm.at[sidx(c0 + k)], bufs[k],
                                  gsems[k]).wait()
            pltpu.async_copy(bufs[k], acc_sh.at[didx(c0 + k)], ssems[k],
                             add=True)
        for k in range(NB):
            pltpu.make_async_copy(bufs[k], acc_sh.at[didx(c0 + k)],
                                  ssems[k]).wait()

            @pl.when(c0 + NB + k < NCHUNK)
            def _():
                pltpu.async_copy(hn_hbm.at[sidx(c0 + NB + k)], bufs[k],
                                 gsems[k])

        return 0

    lax.fori_loop(0, NCHUNK // NB, block, 0)
    plsc.subcore_barrier()
    pltpu.sync_copy(acc_sh.at[pl.ds(s * RPT, RPT)],
                    out_hbm.at[c, pl.ds(s * RPT, RPT)])


_sc_degree = functools.partial(
    pl.kernel,
    out_type=jax.ShapeDtypeStruct((NW, NP), jnp.float32),
    mesh=_mesh,
    scratch_types=[
        pltpu.VMEM((EPW,), jnp.int32),
        pltpu.VMEM((NP,), jnp.float32),
    ],
    compiler_params=pltpu.CompilerParams(needs_layout_passes=False),
)(_sc_degree_body)

_sc_aggregate = functools.partial(
    pl.kernel,
    out_type=jax.ShapeDtypeStruct((NC, NP, D), jnp.float32),
    mesh=_mesh,
    scratch_types=(
        [pltpu.VMEM((EPW,), jnp.int32),
         pltpu.VMEM((EPW,), jnp.int32)]
        + [pltpu.VMEM((CH, D), jnp.float32)] * NB
        + [pltpu.VMEM_SHARED((NP, D), jnp.float32)]
        + [pltpu.SemaphoreType.DMA] * (2 * NB)
    ),
)(_sc_aggregate_body)



_RB = 1024
_GRID = NP // _RB


def _tc_proj_in_body(h_ref, w_ref, b_ref, deg_ref, hn_ref, nb_ref):
    deg = jnp.sum(deg_ref[...], axis=0)
    norm = lax.rsqrt(jnp.maximum(deg, 1.0))
    h0 = jnp.dot(h_ref[...], w_ref[...],
                 preferred_element_type=jnp.float32) + b_ref[...]
    normb = jnp.broadcast_to(norm[:, None], (_RB, D))
    hn_ref[...] = h0 * normb
    nb_ref[...] = normb


def _tc_layer_body(parts_ref, nb_ref, w_ref, b_ref, hn_ref):
    agg = (parts_ref[0] + parts_ref[1]) * nb_ref[...]
    t = jnp.dot(agg, w_ref[...], preferred_element_type=jnp.float32) + b_ref[...]
    h = t * jax.nn.sigmoid(t)
    hn_ref[...] = h * nb_ref[...]


def _tc_last_body(parts_ref, nb_ref, w_ref, b_ref, wo_ref, bo_ref, out_ref):
    agg = (parts_ref[0] + parts_ref[1]) * nb_ref[...]
    t = jnp.dot(agg, w_ref[...], preferred_element_type=jnp.float32) + b_ref[...]
    h = t * jax.nn.sigmoid(t)
    out_ref[...] = jnp.dot(h, wo_ref[...],
                           preferred_element_type=jnp.float32) + bo_ref[...]


_spec_rows = pl.BlockSpec((_RB, D), lambda i: (i, 0))
_spec_parts = pl.BlockSpec((NC, _RB, D), lambda i: (0, i, 0))
_spec_w = pl.BlockSpec((D, D), lambda i: (0, 0))
_spec_b = pl.BlockSpec((1, D), lambda i: (0, 0))
_spec_deg = pl.BlockSpec((NW, _RB), lambda i: (0, i))

_proj_in_call = pl.pallas_call(
    _tc_proj_in_body,
    grid=(_GRID,),
    in_specs=[_spec_rows, _spec_w, _spec_b, _spec_deg],
    out_specs=[_spec_rows, _spec_rows],
    out_shape=[jax.ShapeDtypeStruct((NP, D), jnp.float32),
               jax.ShapeDtypeStruct((NP, D), jnp.float32)],
)

_layer_call = pl.pallas_call(
    _tc_layer_body,
    grid=(_GRID,),
    in_specs=[_spec_parts, _spec_rows, _spec_w, _spec_b],
    out_specs=_spec_rows,
    out_shape=jax.ShapeDtypeStruct((NP, D), jnp.float32),
)

_last_call = pl.pallas_call(
    _tc_last_body,
    grid=(_GRID,),
    in_specs=[_spec_parts, _spec_rows, _spec_w, _spec_b, _spec_w, _spec_b],
    out_specs=_spec_rows,
    out_shape=jax.ShapeDtypeStruct((N, D), jnp.float32),
)



@jax.jit
def kernel(h, edge_index, W_in, b_in, W_layers, b_layers, W_out, b_out):
    src = edge_index[0].reshape(NW, EPW)
    dst = edge_index[1].reshape(NW, EPW)
    zeros_d = jnp.zeros((RPT, D), jnp.float32)

    deg_parts = _sc_degree(dst)
    hn, normb = _proj_in_call(h, W_in, b_in.reshape(1, D), deg_parts)
    for i in range(DEPTH - 1):
        parts = _sc_aggregate(hn, src, dst, zeros_d)
        hn = _layer_call(parts, normb, W_layers[i], b_layers[i].reshape(1, D))
    parts = _sc_aggregate(hn, src, dst, zeros_d)
    return _last_call(parts, normb, W_layers[DEPTH - 1],
                      b_layers[DEPTH - 1].reshape(1, D),
                      W_out, b_out.reshape(1, D))

# --- scband reference (transcript-rebuilt; emitter-appended) ---
"""Pipeline reference for scband-unwrapped-structural-model-90005334655867 (READ-ONLY COPY).

The authoritative reference and input builder live on the scoring server;
editing this copy changes nothing except your own understanding.
"""

import jax, jax.numpy as jnp
import numpy as np

N = 10000
E = 320000
D_IN = 128
D_HID = 128
D_OUT = 128
DEPTH = 4


def setup_inputs(seed: int = 0) -> dict:
    key = jax.random.key(seed)
    ks = jax.random.split(key, 10)
    h = jax.random.normal(ks[0], (N, D_IN), dtype=jnp.float32)
    edge_index = jax.random.randint(ks[1], (2, E), 0, N, dtype=jnp.int32)
    s = 1.0 / np.sqrt(D_HID)
    W_in = jax.random.normal(ks[2], (D_IN, D_HID), dtype=jnp.float32) * s
    b_in = jnp.zeros((D_HID,), jnp.float32)
    W_layers = jax.random.normal(ks[3], (DEPTH, D_HID, D_HID), dtype=jnp.float32) * s
    b_layers = jnp.zeros((DEPTH, D_HID), jnp.float32)
    W_out = jax.random.normal(ks[4], (D_HID, D_OUT), dtype=jnp.float32) * s
    b_out = jnp.zeros((D_OUT,), jnp.float32)
    return {"h": h, "edge_index": edge_index, "W_in": W_in, "b_in": b_in,
            "W_layers": W_layers, "b_layers": b_layers, "W_out": W_out, "b_out": b_out}


def reference(h, edge_index, W_in, b_in, W_layers, b_layers, W_out, b_out):
    # UnwrappedStructuralModel._mp: proj_in -> depth x (GCN message passing + SiLU) -> proj_out
    src = edge_index[0]
    dst = edge_index[1]
    # symmetric-normalized GCN aggregation (DGL GraphConv style)
    deg = jnp.zeros((N,), jnp.float32).at[dst].add(1.0)
    norm = jax.lax.rsqrt(jnp.maximum(deg, 1.0))
    # proj_in
    h = h @ W_in + b_in
    for i in range(DEPTH):
        m = (h * norm[:, None])[src]                      # gather (SparseCore)
        agg = jnp.zeros((N, D_HID), h.dtype).at[dst].add(m)  # scatter-add
        h = agg * norm[:, None]
        h = h @ W_layers[i] + b_layers[i]
        h = jax.nn.silu(h)                                # SiLU activation
    # proj_out
    h = h @ W_out + b_out
    return h

if __name__ == "__main__":
    import jax
    _d = setup_inputs()
    print(jax.jit(kernel)(*tuple(_d.values())))

</pallas_src>

<mosaic_0001>
#map = affine_map<(d0, d1) -> (0, 0)>
module attributes {stable_mosaic.version = 14 : i64} {
  func.func @_sc_degree_body(%arg0: i32, %arg1: i32, %arg2: memref<32x10000xi32, #tpu.memory_space<hbm>>, %arg3: memref<32x10240xf32, #tpu.memory_space<hbm>>, %arg4: memref<10000xi32, #tpu.memory_space<vmem>>, %arg5: memref<10240xf32, #tpu.memory_space<vmem>>) attributes {dimension_semantics = [#tpu.dimension_semantics<core_parallel>, #tpu.dimension_semantics<subcore_parallel>], iteration_bounds = array<i64: 2, 16>, scalar_prefetch = 0 : i64, scratch_operands = 2 : i64, tpu.core_type = #tpu.core_type<sc_vector_subcore>, window_params = [{transform_indices = #map}, {transform_indices = #map}]} {
    %mul3A = arith.constant 2 : i32
    %mul3A_0 = arith.muli %arg1, %mul3A : i32
    %add3A = arith.addi %mul3A_0, %arg0 : i32
    "tpu.region"() ({
      %run_scoped3A = tpu.sem_alloc : memref<!tpu.dma_semaphore, #tpu.memory_space<semaphore_mem>>
      %dma_start3A = arith.constant 0 : i32
      %dma_start3A_17 = tpu.memref_slice %arg2[%add3A, %dma_start3A] : memref<32x10000xi32, #tpu.memory_space<hbm>> -> memref<1x10000xi32, #tpu.memory_space<hbm>>
      %dma_start3A_18 = tpu.memref_squeeze %dma_start3A_17 : memref<1x10000xi32, #tpu.memory_space<hbm>> -> memref<10000xi32, #tpu.memory_space<hbm>>
      %dma_start3A_19 = arith.constant 0 : i32
      %dma_start3A_20 = tpu.memref_slice %arg2[%add3A, %dma_start3A_19] : memref<32x10000xi32, #tpu.memory_space<hbm>> -> memref<1x10000xi32, #tpu.memory_space<hbm>>
      %dma_start3A_21 = tpu.memref_squeeze %dma_start3A_20 : memref<1x10000xi32, #tpu.memory_space<hbm>> -> memref<10000xi32, #tpu.memory_space<hbm>>
      tpu.enqueue_dma source(%dma_start3A_21 : memref<10000xi32, #tpu.memory_space<hbm>>) target(%arg4 : memref<10000xi32, #tpu.memory_space<vmem>>) target_semaphore(%run_scoped3A : memref<!tpu.dma_semaphore, #tpu.memory_space<semaphore_mem>>)
      %dma_wait3A = arith.constant 0 : i32
      %dma_wait3A_22 = tpu.memref_slice %arg2[%add3A, %dma_wait3A] : memref<32x10000xi32, #tpu.memory_space<hbm>> -> memref<1x10000xi32, #tpu.memory_space<hbm>>
      %dma_wait3A_23 = tpu.memref_squeeze %dma_wait3A_22 : memref<1x10000xi32, #tpu.memory_space<hbm>> -> memref<10000xi32, #tpu.memory_space<hbm>>
      %dma_wait3A_24 = arith.constant 0 : i32
      %dma_wait3A_25 = tpu.memref_slice %arg2[%add3A, %dma_wait3A_24] : memref<32x10000xi32, #tpu.memory_space<hbm>> -> memref<1x10000xi32, #tpu.memory_space<hbm>>
      %dma_wait3A_26 = tpu.memref_squeeze %dma_wait3A_25 : memref<1x10000xi32, #tpu.memory_space<hbm>> -> memref<10000xi32, #tpu.memory_space<hbm>>
      tpu.wait_dma2 semaphore(%run_scoped3A : memref<!tpu.dma_semaphore, #tpu.memory_space<semaphore_mem>>) src(%dma_wait3A_26 : memref<10000xi32, #tpu.memory_space<hbm>>) dst(%arg4 : memref<10000xi32, #tpu.memory_space<vmem>>)
      tpu.yield
    }) : () -> ()
    %broadcast_in_dim3A = arith.constant 0.000000e+00 : f32
    %broadcast_in_dim3A_1 = vector.broadcast %broadcast_in_dim3A : f32 to vector<16xf32>
    %broadcast_in_dim3A_2 = arith.constant 1.000000e+00 : f32
    %broadcast_in_dim3A_3 = vector.broadcast %broadcast_in_dim3A_2 : f32 to vector<16xf32>
    %scan3A = arith.constant 0 : i32
    %scan3A_4 = arith.constant 0 : i32
    %scan3A_5 = arith.constant 640 : i32
    %scan3A_6 = arith.addi %scan3A_4, %scan3A_5 : i32
    %scan3A_7 = arith.constant 1 : i32
    %scan3A_8 = scf.for %scan3A_17 = %scan3A_4 to %scan3A_6 step %scan3A_7 iter_args(%scan3A_18 = %scan3A) -> (i32)  : i32 {
      %mul3A_19 = arith.constant 16 : i32
      %mul3A_20 = arith.muli %scan3A_17, %mul3A_19 : i32
      %swap3A = arith.index_cast %mul3A_20 : i32 to index
      %swap3A_21 = tpu.vector_load %arg5[%swap3A] {strides = array<i32>} : memref<10240xf32, #tpu.memory_space<vmem>>, vector<16xf32>,
      tpu.vector_store %arg5[%swap3A], %broadcast_in_dim3A_1 {strides = array<i32>} : memref<10240xf32, #tpu.memory_space<vmem>>, vector<16xf32>,
      %scan3A_22 = arith.constant 0 : i32
      scf.yield %scan3A_22 : i32
    }
    %scan3A_9 = arith.constant 640 : i32
    %scan3A_10 = arith.constant 0 : i32
    %scan3A_11 = arith.constant 0 : i32
    %scan3A_12 = arith.constant 625 : i32
    %scan3A_13 = arith.addi %scan3A_11, %scan3A_12 : i32
    %scan3A_14 = arith.constant 1 : i32
    %scan3A_15 = scf.for %scan3A_17 = %scan3A_11 to %scan3A_13 step %scan3A_14 iter_args(%scan3A_18 = %scan3A_10) -> (i32)  : i32 {
      %mul3A_19 = arith.constant 16 : i32
      %mul3A_20 = arith.muli %scan3A_17, %mul3A_19 : i32
      %get3A = arith.index_cast %mul3A_20 : i32 to index
      %get3A_21 = tpu.vector_load %arg4[%get3A] {strides = array<i32>} : memref<10000xi32, #tpu.memory_space<vmem>>, vector<16xi32>,
      tpu.vector_store_idx %arg5[%get3A_21], %broadcast_in_dim3A_3 {add = true} : memref<10240xf32, #tpu.memory_space<vmem>>[vector<16xi32>], vector<16xf32>,
      %scan3A_22 = arith.constant 0 : i32
      scf.yield %scan3A_22 : i32
    }
    %scan3A_16 = arith.constant 625 : i32
    "tpu.region"() ({
      %run_scoped3A = tpu.sem_alloc : memref<!tpu.dma_semaphore, #tpu.memory_space<semaphore_mem>>
      %dma_start3A = arith.constant 0 : i32
      %dma_start3A_17 = tpu.memref_slice %arg3[%add3A, %dma_start3A] : memref<32x10240xf32, #tpu.memory_space<hbm>> -> memref<1x10240xf32, #tpu.memory_space<hbm>>
      %dma_start3A_18 = tpu.memref_squeeze %dma_start3A_17 : memref<1x10240xf32, #tpu.memory_space<hbm>> -> memref<10240xf32, #tpu.memory_space<hbm>>
      %dma_start3A_19 = arith.constant 0 : i32
      %dma_start3A_20 = tpu.memref_slice %arg3[%add3A, %dma_start3A_19] : memref<32x10240xf32, #tpu.memory_space<hbm>> -> memref<1x10240xf32, #tpu.memory_space<hbm>>
      %dma_start3A_21 = tpu.memref_squeeze %dma_start3A_20 : memref<1x10240xf32, #tpu.memory_space<hbm>> -> memref<10240xf32, #tpu.memory_space<hbm>>
      tpu.enqueue_dma source(%arg5 : memref<10240xf32, #tpu.memory_space<vmem>>) target(%dma_start3A_21 : memref<10240xf32, #tpu.memory_space<hbm>>) target_semaphore(%run_scoped3A : memref<!tpu.dma_semaphore, #tpu.memory_space<semaphore_mem>>)
      %dma_wait3A = arith.constant 0 : i32
      %dma_wait3A_22 = tpu.memref_slice %arg3[%add3A, %dma_wait3A] : memref<32x10240xf32, #tpu.memory_space<hbm>> -> memref<1x10240xf32, #tpu.memory_space<hbm>>
      %dma_wait3A_23 = tpu.memref_squeeze %dma_wait3A_22 : memref<1x10240xf32, #tpu.memory_space<hbm>> -> memref<10240xf32, #tpu.memory_space<hbm>>
      %dma_wait3A_24 = arith.constant 0 : i32
      %dma_wait3A_25 = tpu.memref_slice %arg3[%add3A, %dma_wait3A_24] : memref<32x10240xf32, #tpu.memory_space<hbm>> -> memref<1x10240xf32, #tpu.memory_space<hbm>>
      %dma_wait3A_26 = tpu.memref_squeeze %dma_wait3A_25 : memref<1x10240xf32, #tpu.memory_space<hbm>> -> memref<10240xf32, #tpu.memory_space<hbm>>
      tpu.wait_dma2 semaphore(%run_scoped3A : memref<!tpu.dma_semaphore, #tpu.memory_space<semaphore_mem>>) src(%arg5 : memref<10240xf32, #tpu.memory_space<vmem>>) dst(%dma_wait3A_26 : memref<10240xf32, #tpu.memory_space<hbm>>)
      tpu.yield
    }) : () -> ()
    return
  }
}

#map = affine_map<(d0, d1) -> (0, 0)>
#map1 = affine_map<(d0, d1) -> (0, 0, 0)>
module attributes {stable_mosaic.version = 14 : i64} {
  func.func @_sc_aggregate_body(%arg0: i32, %arg1: i32, %arg2: memref<10240x128xf32, #tpu.memory_space<hbm>>, %arg3: memref<32x10000xi32, #tpu.memory_space<hbm>>, %arg4: memref<32x10000xi32, #tpu.memory_space<hbm>>, %arg5: memref<640x128xf32, #tpu.memory_space<hbm>>, %arg6: memref<2x10240x128xf32, #tpu.memory_space<hbm>>, %arg7: memref<10000xi32, #tpu.memory_space<vmem>>, %arg8: memref<10000xi32, #tpu.memory_space<vmem>>, %arg9: memref<40x128xf32, #tpu.memory_space<vmem>>, %arg10: memref<40x128xf32, #tpu.memory_space<vmem>>, %arg11: memref<40x128xf32, #tpu.memory_space<vmem>>, %arg12: memref<40x128xf32, #tpu.memory_space<vmem>>, %arg13: memref<40x128xf32, #tpu.memory_space<vmem>>, %arg14: memref<10240x128xf32, #tpu.memory_space<vmem_shared>>, %arg15: memref<!tpu.dma_semaphore, #tpu.memory_space<semaphore_mem>>, %arg16: memref<!tpu.dma_semaphore, #tpu.memory_space<semaphore_mem>>, %arg17: memref<!tpu.dma_semaphore, #tpu.memory_space<semaphore_mem>>, %arg18: memref<!tpu.dma_semaphore, #tpu.memory_space<semaphore_mem>>, %arg19: memref<!tpu.dma_semaphore, #tpu.memory_space<semaphore_mem>>, %arg20: memref<!tpu.dma_semaphore, #tpu.memory_space<semaphore_mem>>, %arg21: memref<!tpu.dma_semaphore, #tpu.memory_space<semaphore_mem>>, %arg22: memref<!tpu.dma_semaphore, #tpu.memory_space<semaphore_mem>>, %arg23: memref<!tpu.dma_semaphore, #tpu.memory_space<semaphore_mem>>, %arg24: memref<!tpu.dma_semaphore, #tpu.memory_space<semaphore_mem>>) attributes {dimension_semantics = [#tpu.dimension_semantics<core_parallel>, #tpu.dimension_semantics<subcore_parallel>], iteration_bounds = array<i64: 2, 16>, scalar_prefetch = 0 : i64, scratch_operands = 18 : i64, tpu.core_type = #tpu.core_type<sc_vector_subcore>, window_params = [{transform_indices = #map}, {transform_indices = #map}, {transform_indices = #map}, {transform_indices = #map}, {transform_indices = #map1}]} {
    %mul3A = arith.constant 2 : i32
    %mul3A_0 = arith.muli %arg1, %mul3A : i32
    %add3A = arith.addi %mul3A_0, %arg0 : i32
    "tpu.region"() ({
      %run_scoped3A = tpu.sem_alloc : memref<!tpu.dma_semaphore, #tpu.memory_space<semaphore_mem>>
      %dma_start3A_38 = arith.constant 0 : i32
      %dma_start3A_39 = tpu.memref_slice %arg3[%add3A, %dma_start3A_38] : memref<32x10000xi32, #tpu.memory_space<hbm>> -> memref<1x10000xi32, #tpu.memory_space<hbm>>
      %dma_start3A_40 = tpu.memref_squeeze %dma_start3A_39 : memref<1x10000xi32, #tpu.memory_space<hbm>> -> memref<10000xi32, #tpu.memory_space<hbm>>
      %dma_start3A_41 = arith.constant 0 : i32
      %dma_start3A_42 = tpu.memref_slice %arg3[%add3A, %dma_start3A_41] : memref<32x10000xi32, #tpu.memory_space<hbm>> -> memref<1x10000xi32, #tpu.memory_space<hbm>>
      %dma_start3A_43 = tpu.memref_squeeze %dma_start3A_42 : memref<1x10000xi32, #tpu.memory_space<hbm>> -> memref<10000xi32, #tpu.memory_space<hbm>>
      tpu.enqueue_dma source(%dma_start3A_43 : memref<10000xi32, #tpu.memory_space<hbm>>) target(%arg7 : memref<10000xi32, #tpu.memory_space<vmem>>) target_semaphore(%run_scoped3A : memref<!tpu.dma_semaphore, #tpu.memory_space<semaphore_mem>>)
      %dma_wait3A = arith.constant 0 : i32
      %dma_wait3A_44 = tpu.memref_slice %arg3[%add3A, %dma_wait3A] : memref<32x10000xi32, #tpu.memory_space<hbm>> -> memref<1x10000xi32, #tpu.memory_space<hbm>>
      %dma_wait3A_45 = tpu.memref_squeeze %dma_wait3A_44 : memref<1x10000xi32, #tpu.memory_space<hbm>> -> memref<10000xi32, #tpu.memory_space<hbm>>
      %dma_wait3A_46 = arith.constant 0 : i32
      %dma_wait3A_47 = tpu.memref_slice %arg3[%add3A, %dma_wait3A_46] : memref<32x10000xi32, #tpu.memory_space<hbm>> -> memref<1x10000xi32, #tpu.memory_space<hbm>>
      %dma_wait3A_48 = tpu.memref_squeeze %dma_wait3A_47 : memref<1x10000xi32, #tpu.memory_space<hbm>> -> memref<10000xi32, #tpu.memory_space<hbm>>
      tpu.wait_dma2 semaphore(%run_scoped3A : memref<!tpu.dma_semaphore, #tpu.memory_space<semaphore_mem>>) src(%dma_wait3A_48 : memref<10000xi32, #tpu.memory_space<hbm>>) dst(%arg7 : memref<10000xi32, #tpu.memory_space<vmem>>)
      tpu.yield
    }) : () -> ()
    %dma_start3A = arith.constant 0 : i32
    %dma_start3A_1 = tpu.memref_slice %arg7[%dma_start3A] : memref<10000xi32, #tpu.memory_space<vmem>> -> memref<40xi32, #tpu.memory_space<vmem>>
    %dma_start3A_2 = arith.constant 0 : i32
    %dma_start3A_3 = arith.constant 0 : i32
    %dma_start3A_4 = tpu.memref_slice %arg2[%dma_start3A_2, %dma_start3A_3] : memref<10240x128xf32, #tpu.memory_space<hbm>> -> memref<10240x128xf32, #tpu.memory_space<hbm>>
    tpu.enqueue_indirect_dma source(%dma_start3A_4 : memref<10240x128xf32, #tpu.memory_space<hbm>>) target(%arg9 : memref<40x128xf32, #tpu.memory_space<vmem>>) offsets(%dma_start3A_1 : memref<40xi32, #tpu.memory_space<vmem>>) semaphore(%arg15 : memref<!tpu.dma_semaphore, #tpu.memory_space<semaphore_mem>>)
    %dma_start3A_5 = arith.constant 40 : i32
    %dma_start3A_6 = tpu.memref_slice %arg7[%dma_start3A_5] : memref<10000xi32, #tpu.memory_space<vmem>> -> memref<40xi32, #tpu.memory_space<vmem>>
    %dma_start3A_7 = arith.constant 0 : i32
    %dma_start3A_8 = arith.constant 0 : i32
    %dma_start3A_9 = tpu.memref_slice %arg2[%dma_start3A_7, %dma_start3A_8] : memref<10240x128xf32, #tpu.memory_space<hbm>> -> memref<10240x128xf32, #tpu.memory_space<hbm>>
    tpu.enqueue_indirect_dma source(%dma_start3A_9 : memref<10240x128xf32, #tpu.memory_space<hbm>>) target(%arg10 : memref<40x128xf32, #tpu.memory_space<vmem>>) offsets(%dma_start3A_6 : memref<40xi32, #tpu.memory_space<vmem>>) semaphore(%arg16 : memref<!tpu.dma_semaphore, #tpu.memory_space<semaphore_mem>>)
    %dma_start3A_10 = arith.constant 80 : i32
    %dma_start3A_11 = tpu.memref_slice %arg7[%dma_start3A_10] : memref<10000xi32, #tpu.memory_space<vmem>> -> memref<40xi32, #tpu.memory_space<vmem>>
    %dma_start3A_12 = arith.constant 0 : i32
    %dma_start3A_13 = arith.constant 0 : i32
    %dma_start3A_14 = tpu.memref_slice %arg2[%dma_start3A_12, %dma_start3A_13] : memref<10240x128xf32, #tpu.memory_space<hbm>> -> memref<10240x128xf32, #tpu.memory_space<hbm>>
    tpu.enqueue_indirect_dma source(%dma_start3A_14 : memref<10240x128xf32, #tpu.memory_space<hbm>>) target(%arg11 : memref<40x128xf32, #tpu.memory_space<vmem>>) offsets(%dma_start3A_11 : memref<40xi32, #tpu.memory_space<vmem>>) semaphore(%arg17 : memref<!tpu.dma_semaphore, #tpu.memory_space<semaphore_mem>>)
    %dma_start3A_15 = arith.constant 120 : i32
    %dma_start3A_16 = tpu.memref_slice %arg7[%dma_start3A_15] : memref<10000xi32, #tpu.memory_space<vmem>> -> memref<40xi32, #tpu.memory_space<vmem>>
    %dma_start3A_17 = arith.constant 0 : i32
    %dma_start3A_18 = arith.constant 0 : i32
    %dma_start3A_19 = tpu.memref_slice %arg2[%dma_start3A_17, %dma_start3A_18] : memref<10240x128xf32, #tpu.memory_space<hbm>> -> memref<10240x128xf32, #tpu.memory_space<hbm>>
    tpu.enqueue_indirect_dma source(%dma_start3A_19 : memref<10240x128xf32, #tpu.memory_space<hbm>>) target(%arg12 : memref<40x128xf32, #tpu.memory_space<vmem>>) offsets(%dma_start3A_16 : memref<40xi32, #tpu.memory_space<vmem>>) semaphore(%arg18 : memref<!tpu.dma_semaphore, #tpu.memory_space<semaphore_mem>>)
    %dma_start3A_20 = arith.constant 160 : i32
    %dma_start3A_21 = tpu.memref_slice %arg7[%dma_start3A_20] : memref<10000xi32, #tpu.memory_space<vmem>> -> memref<40xi32, #tpu.memory_space<vmem>>
    %dma_start3A_22 = arith.constant 0 : i32
    %dma_start3A_23 = arith.constant 0 : i32
    %dma_start3A_24 = tpu.memref_slice %arg2[%dma_start3A_22, %dma_start3A_23] : memref<10240x128xf32, #tpu.memory_space<hbm>> -> memref<10240x128xf32, #tpu.memory_space<hbm>>
    tpu.enqueue_indirect_dma source(%dma_start3A_24 : memref<10240x128xf32, #tpu.memory_space<hbm>>) target(%arg13 : memref<40x128xf32, #tpu.memory_space<vmem>>) offsets(%dma_start3A_21 : memref<40xi32, #tpu.memory_space<vmem>>) semaphore(%arg19 : memref<!tpu.dma_semaphore, #tpu.memory_space<semaphore_mem>>)
    "tpu.region"() ({
      %run_scoped3A = tpu.sem_alloc : memref<!tpu.dma_semaphore, #tpu.memory_space<semaphore_mem>>
      %dma_start3A_38 = arith.constant 0 : i32
      %dma_start3A_39 = tpu.memref_slice %arg4[%add3A, %dma_start3A_38] : memref<32x10000xi32, #tpu.memory_space<hbm>> -> memref<1x10000xi32, #tpu.memory_space<hbm>>
      %dma_start3A_40 = tpu.memref_squeeze %dma_start3A_39 : memref<1x10000xi32, #tpu.memory_space<hbm>> -> memref<10000xi32, #tpu.memory_space<hbm>>
      %dma_start3A_41 = arith.constant 0 : i32
      %dma_start3A_42 = tpu.memref_slice %arg4[%add3A, %dma_start3A_41] : memref<32x10000xi32, #tpu.memory_space<hbm>> -> memref<1x10000xi32, #tpu.memory_space<hbm>>
      %dma_start3A_43 = tpu.memref_squeeze %dma_start3A_42 : memref<1x10000xi32, #tpu.memory_space<hbm>> -> memref<10000xi32, #tpu.memory_space<hbm>>
      tpu.enqueue_dma source(%dma_start3A_43 : memref<10000xi32, #tpu.memory_space<hbm>>) target(%arg8 : memref<10000xi32, #tpu.memory_space<vmem>>) target_semaphore(%run_scoped3A : memref<!tpu.dma_semaphore, #tpu.memory_space<semaphore_mem>>)
      %dma_wait3A = arith.constant 0 : i32
      %dma_wait3A_44 = tpu.memref_slice %arg4[%add3A, %dma_wait3A] : memref<32x10000xi32, #tpu.memory_space<hbm>> -> memref<1x10000xi32, #tpu.memory_space<hbm>>
      %dma_wait3A_45 = tpu.memref_squeeze %dma_wait3A_44 : memref<1x10000xi32, #tpu.memory_space<hbm>> -> memref<10000xi32, #tpu.memory_space<hbm>>
      %dma_wait3A_46 = arith.constant 0 : i32
      %dma_wait3A_47 = tpu.memref_slice %arg4[%add3A, %dma_wait3A_46] : memref<32x10000xi32, #tpu.memory_space<hbm>> -> memref<1x10000xi32, #tpu.memory_space<hbm>>
      %dma_wait3A_48 = tpu.memref_squeeze %dma_wait3A_47 : memref<1x10000xi32, #tpu.memory_space<hbm>> -> memref<10000xi32, #tpu.memory_space<hbm>>
      tpu.wait_dma2 semaphore(%run_scoped3A : memref<!tpu.dma_semaphore, #tpu.memory_space<semaphore_mem>>) src(%dma_wait3A_48 : memref<10000xi32, #tpu.memory_space<hbm>>) dst(%arg8 : memref<10000xi32, #tpu.memory_space<vmem>>)
      tpu.yield
    }) : () -> ()
    %mul3A_25 = arith.constant 640 : i32
    %mul3A_26 = arith.muli %arg1, %mul3A_25 : i32
    "tpu.region"() ({
      %run_scoped3A = tpu.sem_alloc : memref<!tpu.dma_semaphore, #tpu.memory_space<semaphore_mem>>
      %dma_start3A_38 = arith.constant 0 : i32
      %dma_start3A_39 = tpu.memref_slice %arg14[%mul3A_26, %dma_start3A_38] : memref<10240x128xf32, #tpu.memory_space<vmem_shared>> -> memref<640x128xf32, #tpu.memory_space<vmem_shared>>
      tpu.enqueue_dma source(%arg5 : memref<640x128xf32, #tpu.memory_space<hbm>>) target(%dma_start3A_39 : memref<640x128xf32, #tpu.memory_space<vmem_shared>>) target_semaphore(%run_scoped3A : memref<!tpu.dma_semaphore, #tpu.memory_space<semaphore_mem>>)
      %dma_wait3A = arith.constant 0 : i32
      %dma_wait3A_40 = tpu.memref_slice %arg14[%mul3A_26, %dma_wait3A] : memref<10240x128xf32, #tpu.memory_space<vmem_shared>> -> memref<640x128xf32, #tpu.memory_space<vmem_shared>>
      tpu.wait_dma2 semaphore(%run_scoped3A : memref<!tpu.dma_semaphore, #tpu.memory_space<semaphore_mem>>) src(%arg5 : memref<640x128xf32, #tpu.memory_space<hbm>>) dst(%dma_wait3A_40 : memref<640x128xf32, #tpu.memory_space<vmem_shared>>)
      tpu.yield
    }) : () -> ()
    %barrier3A = arith.constant 0 : index
    tpu.barrier barrier_id(%barrier3A)
    %scan3A = arith.constant 0 : i32
    %scan3A_27 = arith.constant 0 : i32
    %scan3A_28 = arith.constant 50 : i32
    %scan3A_29 = arith.addi %scan3A_27, %scan3A_28 : i32
    %scan3A_30 = arith.constant 1 : i32
    %scan3A_31 = scf.for %scan3A_38 = %scan3A_27 to %scan3A_29 step %scan3A_30 iter_args(%scan3A_39 = %scan3A) -> (i32)  : i32 {
      %mul3A_40 = arith.constant 5 : i32
      %mul3A_41 = arith.muli %scan3A_38, %mul3A_40 : i32
      %add3A_42 = arith.constant 0 : i32
      %add3A_43 = arith.addi %mul3A_41, %add3A_42 : i32
      %mul3A_44 = arith.constant 40 : i32
      %mul3A_45 = arith.muli %add3A_43, %mul3A_44 : i32
      %dma_wait3A = tpu.memref_slice %arg7[%mul3A_45] : memref<10000xi32, #tpu.memory_space<vmem>> -> memref<40xi32, #tpu.memory_space<vmem>>
      %dma_wait3A_46 = arith.constant 0 : i32
      %dma_wait3A_47 = arith.constant 0 : i32
      %dma_wait3A_48 = tpu.memref_slice %arg2[%dma_wait3A_46, %dma_wait3A_47] : memref<10240x128xf32, #tpu.memory_space<hbm>> -> memref<10240x128xf32, #tpu.memory_space<hbm>>
      tpu.wait_indirect_dma semaphore(%arg15 : memref<!tpu.dma_semaphore, #tpu.memory_space<semaphore_mem>>) src(%dma_wait3A_48 : memref<10240x128xf32, #tpu.memory_space<hbm>>) dst(%arg9 : memref<40x128xf32, #tpu.memory_space<vmem>>)
      %add3A_49 = arith.constant 0 : i32
      %add3A_50 = arith.addi %mul3A_41, %add3A_49 : i32
      %mul3A_51 = arith.constant 40 : i32
      %mul3A_52 = arith.muli %add3A_50, %mul3A_51 : i32
      %dma_start3A_53 = tpu.memref_slice %arg8[%mul3A_52] : memref<10000xi32, #tpu.memory_space<vmem>> -> memref<40xi32, #tpu.memory_space<vmem>>
      %dma_start3A_54 = arith.constant 0 : i32
      %dma_start3A_55 = arith.constant 0 : i32
      %dma_start3A_56 = tpu.memref_slice %arg14[%dma_start3A_54, %dma_start3A_55] : memref<10240x128xf32, #tpu.memory_space<vmem_shared>> -> memref<10240x128xf32, #tpu.memory_space<vmem_shared>>
      tpu.enqueue_indirect_dma source(%arg9 : memref<40x128xf32, #tpu.memory_space<vmem>>) target(%dma_start3A_56 : memref<10240x128xf32, #tpu.memory_space<vmem_shared>>) offsets(%dma_start3A_53 : memref<40xi32, #tpu.memory_space<vmem>>) semaphore(%arg20 : memref<!tpu.dma_semaphore, #tpu.memory_space<semaphore_mem>>) {add = true}
      %add3A_57 = arith.constant 1 : i32
      %add3A_58 = arith.addi %mul3A_41, %add3A_57 : i32
      %mul3A_59 = arith.constant 40 : i32
      %mul3A_60 = arith.muli %add3A_58, %mul3A_59 : i32
      %dma_wait3A_61 = tpu.memref_slice %arg7[%mul3A_60] : memref<10000xi32, #tpu.memory_space<vmem>> -> memref<40xi32, #tpu.memory_space<vmem>>
      %dma_wait3A_62 = arith.constant 0 : i32
      %dma_wait3A_63 = arith.constant 0 : i32
      %dma_wait3A_64 = tpu.memref_slice %arg2[%dma_wait3A_62, %dma_wait3A_63] : memref<10240x128xf32, #tpu.memory_space<hbm>> -> memref<10240x128xf32, #tpu.memory_space<hbm>>
      tpu.wait_indirect_dma semaphore(%arg16 : memref<!tpu.dma_semaphore, #tpu.memory_space<semaphore_mem>>) src(%dma_wait3A_64 : memref<10240x128xf32, #tpu.memory_space<hbm>>) dst(%arg10 : memref<40x128xf32, #tpu.memory_space<vmem>>)
      %add3A_65 = arith.constant 1 : i32
      %add3A_66 = arith.addi %mul3A_41, %add3A_65 : i32
      %mul3A_67 = arith.constant 40 : i32
      %mul3A_68 = arith.muli %add3A_66, %mul3A_67 : i32
      %dma_start3A_69 = tpu.memref_slice %arg8[%mul3A_68] : memref<10000xi32, #tpu.memory_space<vmem>> -> memref<40xi32, #tpu.memory_space<vmem>>
      %dma_start3A_70 = arith.constant 0 : i32
      %dma_start3A_71 = arith.constant 0 : i32
      %dma_start3A_72 = tpu.memref_slice %arg14[%dma_start3A_70, %dma_start3A_71] : memref<10240x128xf32, #tpu.memory_space<vmem_shared>> -> memref<10240x128xf32, #tpu.memory_space<vmem_shared>>
      tpu.enqueue_indirect_dma source(%arg10 : memref<40x128xf32, #tpu.memory_space<vmem>>) target(%dma_start3A_72 : memref<10240x128xf32, #tpu.memory_space<vmem_shared>>) offsets(%dma_start3A_69 : memref<40xi32, #tpu.memory_space<vmem>>) semaphore(%arg21 : memref<!tpu.dma_semaphore, #tpu.memory_space<semaphore_mem>>) {add = true}
      %add3A_73 = arith.constant 2 : i32
      %add3A_74 = arith.addi %mul3A_41, %add3A_73 : i32
      %mul3A_75 = arith.constant 40 : i32
      %mul3A_76 = arith.muli %add3A_74, %mul3A_75 : i32
      %dma_wait3A_77 = tpu.memref_slice %arg7[%mul3A_76] : memref<10000xi32, #tpu.memory_space<vmem>> -> memref<40xi32, #tpu.memory_space<vmem>>
      %dma_wait3A_78 = arith.constant 0 : i32
      %dma_wait3A_79 = arith.constant 0 : i32
      %dma_wait3A_80 = tpu.memref_slice %arg2[%dma_wait3A_78, %dma_wait3A_79] : memref<10240x128xf32, #tpu.memory_space<hbm>> -> memref<10240x128xf32, #tpu.memory_space<hbm>>
      tpu.wait_indirect_dma semaphore(%arg17 : memref<!tpu.dma_semaphore, #tpu.memory_space<semaphore_mem>>) src(%dma_wait3A_80 : memref<10240x128xf32, #tpu.memory_space<hbm>>) dst(%arg11 : memref<40x128xf32, #tpu.memory_space<vmem>>)
      %add3A_81 = arith.constant 2 : i32
      %add3A_82 = arith.addi %mul3A_41, %add3A_81 : i32
      %mul3A_83 = arith.constant 40 : i32
      %mul3A_84 = arith.muli %add3A_82, %mul3A_83 : i32
      %dma_start3A_85 = tpu.memref_slice %arg8[%mul3A_84] : memref<10000xi32, #tpu.memory_space<vmem>> -> memref<40xi32, #tpu.memory_space<vmem>>
      %dma_start3A_86 = arith.constant 0 : i32
      %dma_start3A_87 = arith.constant 0 : i32
      %dma_start3A_88 = tpu.memref_slice %arg14[%dma_start3A_86, %dma_start3A_87] : memref<10240x128xf32, #tpu.memory_space<vmem_shared>> -> memref<10240x128xf32, #tpu.memory_space<vmem_shared>>
      tpu.enqueue_indirect_dma source(%arg11 : memref<40x128xf32, #tpu.memory_space<vmem>>) target(%dma_start3A_88 : memref<10240x128xf32, #tpu.memory_space<vmem_shared>>) offsets(%dma_start3A_85 : memref<40xi32, #tpu.memory_space<vmem>>) semaphore(%arg22 : memref<!tpu.dma_semaphore, #tpu.memory_space<semaphore_mem>>) {add = true}
      %add3A_89 = arith.constant 3 : i32
      %add3A_90 = arith.addi %mul3A_41, %add3A_89 : i32
      %mul3A_91 = arith.constant 40 : i32
      %mul3A_92 = arith.muli %add3A_90, %mul3A_91 : i32
      %dma_wait3A_93 = tpu.memref_slice %arg7[%mul3A_92] : memref<10000xi32, #tpu.memory_space<vmem>> -> memref<40xi32, #tpu.memory_space<vmem>>
      %dma_wait3A_94 = arith.constant 0 : i32
      %dma_wait3A_95 = arith.constant 0 : i32
      %dma_wait3A_96 = tpu.memref_slice %arg2[%dma_wait3A_94, %dma_wait3A_95] : memref<10240x128xf32, #tpu.memory_space<hbm>> -> memref<10240x128xf32, #tpu.memory_space<hbm>>
      tpu.wait_indirect_dma semaphore(%arg18 : memref<!tpu.dma_semaphore, #tpu.memory_space<semaphore_mem>>) src(%dma_wait3A_96 : memref<10240x128xf32, #tpu.memory_space<hbm>>) dst(%arg12 : memref<40x128xf32, #tpu.memory_space<vmem>>)
      %add3A_97 = arith.constant 3 : i32
      %add3A_98 = arith.addi %mul3A_41, %add3A_97 : i32
      %mul3A_99 = arith.constant 40 : i32
      %mul3A_100 = arith.muli %add3A_98, %mul3A_99 : i32
      %dma_start3A_101 = tpu.memref_slice %arg8[%mul3A_100] : memref<10000xi32, #tpu.memory_space<vmem>> -> memref<40xi32, #tpu.memory_space<vmem>>
      %dma_start3A_102 = arith.constant 0 : i32
      %dma_start3A_103 = arith.constant 0 : i32
      %dma_start3A_104 = tpu.memref_slice %arg14[%dma_start3A_102, %dma_start3A_103] : memref<10240x128xf32, #tpu.memory_space<vmem_shared>> -> memref<10240x128xf32, #tpu.memory_space<vmem_shared>>
      tpu.enqueue_indirect_dma source(%arg12 : memref<40x128xf32, #tpu.memory_space<vmem>>) target(%dma_start3A_104 : memref<10240x128xf32, #tpu.memory_space<vmem_shared>>) offsets(%dma_start3A_101 : memref<40xi32, #tpu.memory_space<vmem>>) semaphore(%arg23 : memref<!tpu.dma_semaphore, #tpu.memory_space<semaphore_mem>>) {add = true}
      %add3A_105 = arith.constant 4 : i32
      %add3A_106 = arith.addi %mul3A_41, %add3A_105 : i32
      %mul3A_107 = arith.constant 40 : i32
      %mul3A_108 = arith.muli %add3A_106, %mul3A_107 : i32
      %dma_wait3A_109 = tpu.memref_slice %arg7[%mul3A_108] : memref<10000xi32, #tpu.memory_space<vmem>> -> memref<40xi32, #tpu.memory_space<vmem>>
      %dma_wait3A_110 = arith.constant 0 : i32
      %dma_wait3A_111 = arith.constant 0 : i32
      %dma_wait3A_112 = tpu.memref_slice %arg2[%dma_wait3A_110, %dma_wait3A_111] : memref<10240x128xf32, #tpu.memory_space<hbm>> -> memref<10240x128xf32, #tpu.memory_space<hbm>>
      tpu.wait_indirect_dma semaphore(%arg19 : memref<!tpu.dma_semaphore, #tpu.memory_space<semaphore_mem>>) src(%dma_wait3A_112 : memref<10240x128xf32, #tpu.memory_space<hbm>>) dst(%arg13 : memref<40x128xf32, #tpu.memory_space<vmem>>)
      %add3A_113 = arith.constant 4 : i32
      %add3A_114 = arith.addi %mul3A_41, %add3A_113 : i32
      %mul3A_115 = arith.constant 40 : i32
      %mul3A_116 = arith.muli %add3A_114, %mul3A_115 : i32
      %dma_start3A_117 = tpu.memref_slice %arg8[%mul3A_116] : memref<10000xi32, #tpu.memory_space<vmem>> -> memref<40xi32, #tpu.memory_space<vmem>>
      %dma_start3A_118 = arith.constant 0 : i32
      %dma_start3A_119 = arith.constant 0 : i32
      %dma_start3A_120 = tpu.memref_slice %arg14[%dma_start3A_118, %dma_start3A_119] : memref<10240x128xf32, #tpu.memory_space<vmem_shared>> -> memref<10240x128xf32, #tpu.memory_space<vmem_shared>>
      tpu.enqueue_indirect_dma source(%arg13 : memref<40x128xf32, #tpu.memory_space<vmem>>) target(%dma_start3A_120 : memref<10240x128xf32, #tpu.memory_space<vmem_shared>>) offsets(%dma_start3A_117 : memref<40xi32, #tpu.memory_space<vmem>>) semaphore(%arg24 : memref<!tpu.dma_semaphore, #tpu.memory_space<semaphore_mem>>) {add = true}
      %add3A_121 = arith.constant 0 : i32
      %add3A_122 = arith.addi %mul3A_41, %add3A_121 : i32
      %mul3A_123 = arith.constant 40 : i32
      %mul3A_124 = arith.muli %add3A_122, %mul3A_123 : i32
      %dma_wait3A_125 = tpu.memref_slice %arg8[%mul3A_124] : memref<10000xi32, #tpu.memory_space<vmem>> -> memref<40xi32, #tpu.memory_space<vmem>>
      %dma_wait3A_126 = arith.constant 0 : i32
      %dma_wait3A_127 = arith.constant 0 : i32
      %dma_wait3A_128 = tpu.memref_slice %arg14[%dma_wait3A_126, %dma_wait3A_127] : memref<10240x128xf32, #tpu.memory_space<vmem_shared>> -> memref<10240x128xf32, #tpu.memory_space<vmem_shared>>
      tpu.wait_indirect_dma semaphore(%arg20 : memref<!tpu.dma_semaphore, #tpu.memory_space<semaphore_mem>>) src(%arg9 : memref<40x128xf32, #tpu.memory_space<vmem>>) dst(%dma_wait3A_128 : memref<10240x128xf32, #tpu.memory_space<vmem_shared>>)
      %add3A_129 = arith.constant 5 : i32
      %add3A_130 = arith.addi %mul3A_41, %add3A_129 : i32
      %add3A_131 = arith.constant 0 : i32
      %add3A_132 = arith.addi %add3A_130, %add3A_131 : i32
      %lt3A = arith.constant 250 : i32
      %lt3A_133 = arith.cmpi slt, %add3A_132, %lt3A : i32
      %convert_element_type3A = arith.extui %lt3A_133 : i1 to i32
      %cond3A = arith.constant 0 : i32
      %cond3A_134 = arith.cmpi ne, %convert_element_type3A, %cond3A : i32
      scf.if %cond3A_134 {
        %add3A_204 = arith.constant 5 : i32
        %add3A_205 = arith.addi %mul3A_41, %add3A_204 : i32
        %add3A_206 = arith.constant 0 : i32
        %add3A_207 = arith.addi %add3A_205, %add3A_206 : i32
        %mul3A_208 = arith.constant 40 : i32
        %mul3A_209 = arith.muli %add3A_207, %mul3A_208 : i32
        %dma_start3A_210 = tpu.memref_slice %arg7[%mul3A_209] : memref<10000xi32, #tpu.memory_space<vmem>> -> memref<40xi32, #tpu.memory_space<vmem>>
        %dma_start3A_211 = arith.constant 0 : i32
        %dma_start3A_212 = arith.constant 0 : i32
        %dma_start3A_213 = tpu.memref_slice %arg2[%dma_start3A_211, %dma_start3A_212] : memref<10240x128xf32, #tpu.memory_space<hbm>> -> memref<10240x128xf32, #tpu.memory_space<hbm>>
        tpu.enqueue_indirect_dma source(%dma_start3A_213 : memref<10240x128xf32, #tpu.memory_space<hbm>>) target(%arg9 : memref<40x128xf32, #tpu.memory_space<vmem>>) offsets(%dma_start3A_210 : memref<40xi32, #tpu.memory_space<vmem>>) semaphore(%arg15 : memref<!tpu.dma_semaphore, #tpu.memory_space<semaphore_mem>>)
      } else {
      }
      %add3A_135 = arith.constant 1 : i32
      %add3A_136 = arith.addi %mul3A_41, %add3A_135 : i32
      %mul3A_137 = arith.constant 40 : i32
      %mul3A_138 = arith.muli %add3A_136, %mul3A_137 : i32
      %dma_wait3A_139 = tpu.memref_slice %arg8[%mul3A_138] : memref<10000xi32, #tpu.memory_space<vmem>> -> memref<40xi32, #tpu.memory_space<vmem>>
      %dma_wait3A_140 = arith.constant 0 : i32
      %dma_wait3A_141 = arith.constant 0 : i32
      %dma_wait3A_142 = tpu.memref_slice %arg14[%dma_wait3A_140, %dma_wait3A_141] : memref<10240x128xf32, #tpu.memory_space<vmem_shared>> -> memref<10240x128xf32, #tpu.memory_space<vmem_shared>>
      tpu.wait_indirect_dma semaphore(%arg21 : memref<!tpu.dma_semaphore, #tpu.memory_space<semaphore_mem>>) src(%arg10 : memref<40x128xf32, #tpu.memory_space<vmem>>) dst(%dma_wait3A_142 : memref<10240x128xf32, #tpu.memory_space<vmem_shared>>)
      %add3A_143 = arith.constant 5 : i32
      %add3A_144 = arith.addi %mul3A_41, %add3A_143 : i32
      %add3A_145 = arith.constant 1 : i32
      %add3A_146 = arith.addi %add3A_144, %add3A_145 : i32
      %lt3A_147 = arith.constant 250 : i32
      %lt3A_148 = arith.cmpi slt, %add3A_146, %lt3A_147 : i32
      %convert_element_type3A_149 = arith.extui %lt3A_148 : i1 to i32
      %cond3A_150 = arith.constant 0 : i32
      %cond3A_151 = arith.cmpi ne, %convert_element_type3A_149, %cond3A_150 : i32
      scf.if %cond3A_151 {
        %add3A_204 = arith.constant 5 : i32
        %add3A_205 = arith.addi %mul3A_41, %add3A_204 : i32
        %add3A_206 = arith.constant 1 : i32
        %add3A_207 = arith.addi %add3A_205, %add3A_206 : i32
        %mul3A_208 = arith.constant 40 : i32
        %mul3A_209 = arith.muli %add3A_207, %mul3A_208 : i32
        %dma_start3A_210 = tpu.memref_slice %arg7[%mul3A_209] : memref<10000xi32, #tpu.memory_space<vmem>> -> memref<40xi32, #tpu.memory_space<vmem>>
        %dma_start3A_211 = arith.constant 0 : i32
        %dma_start3A_212 = arith.constant 0 : i32
        %dma_start3A_213 = tpu.memref_slice %arg2[%dma_start3A_211, %dma_start3A_212] : memref<10240x128xf32, #tpu.memory_space<hbm>> -> memref<10240x128xf32, #tpu.memory_space<hbm>>
        tpu.enqueue_indirect_dma source(%dma_start3A_213 : memref<10240x128xf32, #tpu.memory_space<hbm>>) target(%arg10 : memref<40x128xf32, #tpu.memory_space<vmem>>) offsets(%dma_start3A_210 : memref<40xi32, #tpu.memory_space<vmem>>) semaphore(%arg16 : memref<!tpu.dma_semaphore, #tpu.memory_space<semaphore_mem>>)
      } else {
      }
      %add3A_152 = arith.constant 2 : i32
      %add3A_153 = arith.addi %mul3A_41, %add3A_152 : i32
      %mul3A_154 = arith.constant 40 : i32
      %mul3A_155 = arith.muli %add3A_153, %mul3A_154 : i32
      %dma_wait3A_156 = tpu.memref_slice %arg8[%mul3A_155] : memref<10000xi32, #tpu.memory_space<vmem>> -> memref<40xi32, #tpu.memory_space<vmem>>
      %dma_wait3A_157 = arith.constant 0 : i32
      %dma_wait3A_158 = arith.constant 0 : i32
      %dma_wait3A_159 = tpu.memref_slice %arg14[%dma_wait3A_157, %dma_wait3A_158] : memref<10240x128xf32, #tpu.memory_space<vmem_shared>> -> memref<10240x128xf32, #tpu.memory_space<vmem_shared>>
      tpu.wait_indirect_dma semaphore(%arg22 : memref<!tpu.dma_semaphore, #tpu.memory_space<semaphore_mem>>) src(%arg11 : memref<40x128xf32, #tpu.memory_space<vmem>>) dst(%dma_wait3A_159 : memref<10240x128xf32, #tpu.memory_space<vmem_shared>>)
      %add3A_160 = arith.constant 5 : i32
      %add3A_161 = arith.addi %mul3A_41, %add3A_160 : i32
      %add3A_162 = arith.constant 2 : i32
      %add3A_163 = arith.addi %add3A_161, %add3A_162 : i32
      %lt3A_164 = arith.constant 250 : i32
      %lt3A_165 = arith.cmpi slt, %add3A_163, %lt3A_164 : i32
      %convert_element_type3A_166 = arith.extui %lt3A_165 : i1 to i32
      %cond3A_167 = arith.constant 0 : i32
      %cond3A_168 = arith.cmpi ne, %convert_element_type3A_166, %cond3A_167 : i32
      scf.if %cond3A_168 {
        %add3A_204 = arith.constant 5 : i32
        %add3A_205 = arith.addi %mul3A_41, %add3A_204 : i32
        %add3A_206 = arith.constant 2 : i32
        %add3A_207 = arith.addi %add3A_205, %add3A_206 : i32
        %mul3A_208 = arith.constant 40 : i32
        %mul3A_209 = arith.muli %add3A_207, %mul3A_208 : i32
        %dma_start3A_210 = tpu.memref_slice %arg7[%mul3A_209] : memref<10000xi32, #tpu.memory_space<vmem>> -> memref<40xi32, #tpu.memory_space<vmem>>
        %dma_start3A_211 = arith.constant 0 : i32
        %dma_start3A_212 = arith.constant 0 : i32
        %dma_start3A_213 = tpu.memref_slice %arg2[%dma_start3A_211, %dma_start3A_212] : memref<10240x128xf32, #tpu.memory_space<hbm>> -> memref<10240x128xf32, #tpu.memory_space<hbm>>
        tpu.enqueue_indirect_dma source(%dma_start3A_213 : memref<10240x128xf32, #tpu.memory_space<hbm>>) target(%arg11 : memref<40x128xf32, #tpu.memory_space<vmem>>) offsets(%dma_start3A_210 : memref<40xi32, #tpu.memory_space<vmem>>) semaphore(%arg17 : memref<!tpu.dma_semaphore, #tpu.memory_space<semaphore_mem>>)
      } else {
      }
      %add3A_169 = arith.constant 3 : i32
      %add3A_170 = arith.addi %mul3A_41, %add3A_169 : i32
      %mul3A_171 = arith.constant 40 : i32
      %mul3A_172 = arith.muli %add3A_170, %mul3A_171 : i32
      %dma_wait3A_173 = tpu.memref_slice %arg8[%mul3A_172] : memref<10000xi32, #tpu.memory_space<vmem>> -> memref<40xi32, #tpu.memory_space<vmem>>
      %dma_wait3A_174 = arith.constant 0 : i32
      %dma_wait3A_175 = arith.constant 0 : i32
      %dma_wait3A_176 = tpu.memref_slice %arg14[%dma_wait3A_174, %dma_wait3A_175] : memref<10240x128xf32, #tpu.memory_space<vmem_shared>> -> memref<10240x128xf32, #tpu.memory_space<vmem_shared>>
      tpu.wait_indirect_dma semaphore(%arg23 : memref<!tpu.dma_semaphore, #tpu.memory_space<semaphore_mem>>) src(%arg12 : memref<40x128xf32, #tpu.memory_space<vmem>>) dst(%dma_wait3A_176 : memref<10240x128xf32, #tpu.memory_space<vmem_shared>>)
      %add3A_177 = arith.constant 5 : i32
      %add3A_178 = arith.addi %mul3A_41, %add3A_177 : i32
      %add3A_179 = arith.constant 3 : i32
      %add3A_180 = arith.addi %add3A_178, %add3A_179 : i32
      %lt3A_181 = arith.constant 250 : i32
      %lt3A_182 = arith.cmpi slt, %add3A_180, %lt3A_181 : i32
      %convert_element_type3A_183 = arith.extui %lt3A_182 : i1 to i32
      %cond3A_184 = arith.constant 0 : i32
      %cond3A_185 = arith.cmpi ne, %convert_element_type3A_183, %cond3A_184 : i32
      scf.if %cond3A_185 {
        %add3A_204 = arith.constant 5 : i32
        %add3A_205 = arith.addi %mul3A_41, %add3A_204 : i32
        %add3A_206 = arith.constant 3 : i32
        %add3A_207 = arith.addi %add3A_205, %add3A_206 : i32
        %mul3A_208 = arith.constant 40 : i32
        %mul3A_209 = arith.muli %add3A_207, %mul3A_208 : i32
        %dma_start3A_210 = tpu.memref_slice %arg7[%mul3A_209] : memref<10000xi32, #tpu.memory_space<vmem>> -> memref<40xi32, #tpu.memory_space<vmem>>
        %dma_start3A_211 = arith.constant 0 : i32
        %dma_start3A_212 = arith.constant 0 : i32
        %dma_start3A_213 = tpu.memref_slice %arg2[%dma_start3A_211, %dma_start3A_212] : memref<10240x128xf32, #tpu.memory_space<hbm>> -> memref<10240x128xf32, #tpu.memory_space<hbm>>
        tpu.enqueue_indirect_dma source(%dma_start3A_213 : memref<10240x128xf32, #tpu.memory_space<hbm>>) target(%arg12 : memref<40x128xf32, #tpu.memory_space<vmem>>) offsets(%dma_start3A_210 : memref<40xi32, #tpu.memory_space<vmem>>) semaphore(%arg18 : memref<!tpu.dma_semaphore, #tpu.memory_space<semaphore_mem>>)
      } else {
      }
      %add3A_186 = arith.constant 4 : i32
      %add3A_187 = arith.addi %mul3A_41, %add3A_186 : i32
      %mul3A_188 = arith.constant 40 : i32
      %mul3A_189 = arith.muli %add3A_187, %mul3A_188 : i32
      %dma_wait3A_190 = tpu.memref_slice %arg8[%mul3A_189] : memref<10000xi32, #tpu.memory_space<vmem>> -> memref<40xi32, #tpu.memory_space<vmem>>
      %dma_wait3A_191 = arith.constant 0 : i32
      %dma_wait3A_192 = arith.constant 0 : i32
      %dma_wait3A_193 = tpu.memref_slice %arg14[%dma_wait3A_191, %dma_wait3A_192] : memref<10240x128xf32, #tpu.memory_space<vmem_shared>> -> memref<10240x128xf32, #tpu.memory_space<vmem_shared>>
      tpu.wait_indirect_dma semaphore(%arg24 : memref<!tpu.dma_semaphore, #tpu.memory_space<semaphore_mem>>) src(%arg13 : memref<40x128xf32, #tpu.memory_space<vmem>>) dst(%dma_wait3A_193 : memref<10240x128xf32, #tpu.memory_space<vmem_shared>>)
      %add3A_194 = arith.constant 5 : i32
      %add3A_195 = arith.addi %mul3A_41, %add3A_194 : i32
      %add3A_196 = arith.constant 4 : i32
      %add3A_197 = arith.addi %add3A_195, %add3A_196 : i32
      %lt3A_198 = arith.constant 250 : i32
      %lt3A_199 = arith.cmpi slt, %add3A_197, %lt3A_198 : i32
      %convert_element_type3A_200 = arith.extui %lt3A_199 : i1 to i32
      %cond3A_201 = arith.constant 0 : i32
      %cond3A_202 = arith.cmpi ne, %convert_element_type3A_200, %cond3A_201 : i32
      scf.if %cond3A_202 {
        %add3A_204 = arith.constant 5 : i32
        %add3A_205 = arith.addi %mul3A_41, %add3A_204 : i32
        %add3A_206 = arith.constant 4 : i32
        %add3A_207 = arith.addi %add3A_205, %add3A_206 : i32
        %mul3A_208 = arith.constant 40 : i32
        %mul3A_209 = arith.muli %add3A_207, %mul3A_208 : i32
        %dma_start3A_210 = tpu.memref_slice %arg7[%mul3A_209] : memref<10000xi32, #tpu.memory_space<vmem>> -> memref<40xi32, #tpu.memory_space<vmem>>
        %dma_start3A_211 = arith.constant 0 : i32
        %dma_start3A_212 = arith.constant 0 : i32
        %dma_start3A_213 = tpu.memref_slice %arg2[%dma_start3A_211, %dma_start3A_212] : memref<10240x128xf32, #tpu.memory_space<hbm>> -> memref<10240x128xf32, #tpu.memory_space<hbm>>
        tpu.enqueue_indirect_dma source(%dma_start3A_213 : memref<10240x128xf32, #tpu.memory_space<hbm>>) target(%arg13 : memref<40x128xf32, #tpu.memory_space<vmem>>) offsets(%dma_start3A_210 : memref<40xi32, #tpu.memory_space<vmem>>) semaphore(%arg19 : memref<!tpu.dma_semaphore, #tpu.memory_space<semaphore_mem>>)
      } else {
      }
      %scan3A_203 = arith.constant 0 : i32
      scf.yield %scan3A_203 : i32
    }
    %scan3A_32 = arith.constant 50 : i32
    %barrier3A_33 = arith.constant 0 : index
    tpu.barrier barrier_id(%barrier3A_33)
    %mul3A_34 = arith.constant 640 : i32
    %mul3A_35 = arith.muli %arg1, %mul3A_34 : i32
    %mul3A_36 = arith.constant 640 : i32
    %mul3A_37 = arith.muli %arg1, %mul3A_36 : i32
    "tpu.region"() ({
      %run_scoped3A = tpu.sem_alloc : memref<!tpu.dma_semaphore, #tpu.memory_space<semaphore_mem>>
      %dma_start3A_38 = arith.constant 0 : i32
      %dma_start3A_39 = tpu.memref_slice %arg6[%arg0, %mul3A_37, %dma_start3A_38] : memref<2x10240x128xf32, #tpu.memory_space<hbm>> -> memref<1x640x128xf32, #tpu.memory_space<hbm>>
      %dma_start3A_40 = tpu.memref_squeeze %dma_start3A_39 : memref<1x640x128xf32, #tpu.memory_space<hbm>> -> memref<640x128xf32, #tpu.memory_space<hbm>>
      %dma_start3A_41 = arith.constant 0 : i32
      %dma_start3A_42 = tpu.memref_slice %arg14[%mul3A_35, %dma_start3A_41] : memref<10240x128xf32, #tpu.memory_space<vmem_shared>> -> memref<640x128xf32, #tpu.memory_space<vmem_shared>>
      tpu.enqueue_dma source(%dma_start3A_42 : memref<640x128xf32, #tpu.memory_space<vmem_shared>>) target(%dma_start3A_40 : memref<640x128xf32, #tpu.memory_space<hbm>>) target_semaphore(%run_scoped3A : memref<!tpu.dma_semaphore, #tpu.memory_space<semaphore_mem>>)
      %dma_wait3A = arith.constant 0 : i32
      %dma_wait3A_43 = tpu.memref_slice %arg6[%arg0, %mul3A_37, %dma_wait3A] : memref<2x10240x128xf32, #tpu.memory_space<hbm>> -> memref<1x640x128xf32, #tpu.memory_space<hbm>>
      %dma_wait3A_44 = tpu.memref_squeeze %dma_wait3A_43 : memref<1x640x128xf32, #tpu.memory_space<hbm>> -> memref<640x128xf32, #tpu.memory_space<hbm>>
      %dma_wait3A_45 = arith.constant 0 : i32
      %dma_wait3A_46 = tpu.memref_slice %arg14[%mul3A_35, %dma_wait3A_45] : memref<10240x128xf32, #tpu.memory_space<vmem_shared>> -> memref<640x128xf32, #tpu.memory_space<vmem_shared>>
      tpu.wait_dma2 semaphore(%run_scoped3A : memref<!tpu.dma_semaphore, #tpu.memory_space<semaphore_mem>>) src(%dma_wait3A_46 : memref<640x128xf32, #tpu.memory_space<vmem_shared>>) dst(%dma_wait3A_44 : memref<640x128xf32, #tpu.memory_space<hbm>>)
      tpu.yield
    }) : () -> ()
    return
  }
}

#map = affine_map<(d0, d1) -> (0, 0)>
#map1 = affine_map<(d0, d1) -> (0, 0, 0)>
module attributes {stable_mosaic.version = 14 : i64} {
  func.func @_sc_aggregate_body(%arg0: i32, %arg1: i32, %arg2: memref<10240x128xf32, #tpu.memory_space<hbm>>, %arg3: memref<32x10000xi32, #tpu.memory_space<hbm>>, %arg4: memref<32x10000xi32, #tpu.memory_space<hbm>>, %arg5: memref<640x128xf32, #tpu.memory_space<hbm>>, %arg6: memref<2x10240x128xf32, #tpu.memory_space<hbm>>, %arg7: memref<10000xi32, #tpu.memory_space<vmem>>, %arg8: memref<10000xi32, #tpu.memory_space<vmem>>, %arg9: memref<40x128xf32, #tpu.memory_space<vmem>>, %arg10: memref<40x128xf32, #tpu.memory_space<vmem>>, %arg11: memref<40x128xf32, #tpu.memory_space<vmem>>, %arg12: memref<40x128xf32, #tpu.memory_space<vmem>>, %arg13: memref<40x128xf32, #tpu.memory_space<vmem>>, %arg14: memref<10240x128xf32, #tpu.memory_space<vmem_shared>>, %arg15: memref<!tpu.dma_semaphore, #tpu.memory_space<semaphore_mem>>, %arg16: memref<!tpu.dma_semaphore, #tpu.memory_space<semaphore_mem>>, %arg17: memref<!tpu.dma_semaphore, #tpu.memory_space<semaphore_mem>>, %arg18: memref<!tpu.dma_semaphore, #tpu.memory_space<semaphore_mem>>, %arg19: memref<!tpu.dma_semaphore, #tpu.memory_space<semaphore_mem>>, %arg20: memref<!tpu.dma_semaphore, #tpu.memory_space<semaphore_mem>>, %arg21: memref<!tpu.dma_semaphore, #tpu.memory_space<semaphore_mem>>, %arg22: memref<!tpu.dma_semaphore, #tpu.memory_space<semaphore_mem>>, %arg23: memref<!tpu.dma_semaphore, #tpu.memory_space<semaphore_mem>>, %arg24: memref<!tpu.dma_semaphore, #tpu.memory_space<semaphore_mem>>) attributes {dimension_semantics = [#tpu.dimension_semantics<core_parallel>, #tpu.dimension_semantics<subcore_parallel>], iteration_bounds = array<i64: 2, 16>, scalar_prefetch = 0 : i64, scratch_operands = 18 : i64, tpu.core_type = #tpu.core_type<sc_vector_subcore>, window_params = [{transform_indices = #map}, {transform_indices = #map}, {transform_indices = #map}, {transform_indices = #map}, {transform_indices = #map1}]} {
    %mul3A = arith.constant 2 : i32
    %mul3A_0 = arith.muli %arg1, %mul3A : i32
    %add3A = arith.addi %mul3A_0, %arg0 : i32
    "tpu.region"() ({
      %run_scoped3A = tpu.sem_alloc : memref<!tpu.dma_semaphore, #tpu.memory_space<semaphore_mem>>
      %dma_start3A_38 = arith.constant 0 : i32
      %dma_start3A_39 = tpu.memref_slice %arg3[%add3A, %dma_start3A_38] : memref<32x10000xi32, #tpu.memory_space<hbm>> -> memref<1x10000xi32, #tpu.memory_space<hbm>>
      %dma_start3A_40 = tpu.memref_squeeze %dma_start3A_39 : memref<1x10000xi32, #tpu.memory_space<hbm>> -> memref<10000xi32, #tpu.memory_space<hbm>>
      %dma_start3A_41 = arith.constant 0 : i32
      %dma_start3A_42 = tpu.memref_slice %arg3[%add3A, %dma_start3A_41] : memref<32x10000xi32, #tpu.memory_space<hbm>> -> memref<1x10000xi32, #tpu.memory_space<hbm>>
      %dma_start3A_43 = tpu.memref_squeeze %dma_start3A_42 : memref<1x10000xi32, #tpu.memory_space<hbm>> -> memref<10000xi32, #tpu.memory_space<hbm>>
      tpu.enqueue_dma source(%dma_start3A_43 : memref<10000xi32, #tpu.memory_space<hbm>>) target(%arg7 : memref<10000xi32, #tpu.memory_space<vmem>>) target_semaphore(%run_scoped3A : memref<!tpu.dma_semaphore, #tpu.memory_space<semaphore_mem>>)
      %dma_wait3A = arith.constant 0 : i32
      %dma_wait3A_44 = tpu.memref_slice %arg3[%add3A, %dma_wait3A] : memref<32x10000xi32, #tpu.memory_space<hbm>> -> memref<1x10000xi32, #tpu.memory_space<hbm>>
      %dma_wait3A_45 = tpu.memref_squeeze %dma_wait3A_44 : memref<1x10000xi32, #tpu.memory_space<hbm>> -> memref<10000xi32, #tpu.memory_space<hbm>>
      %dma_wait3A_46 = arith.constant 0 : i32
      %dma_wait3A_47 = tpu.memref_slice %arg3[%add3A, %dma_wait3A_46] : memref<32x10000xi32, #tpu.memory_space<hbm>> -> memref<1x10000xi32, #tpu.memory_space<hbm>>
      %dma_wait3A_48 = tpu.memref_squeeze %dma_wait3A_47 : memref<1x10000xi32, #tpu.memory_space<hbm>> -> memref<10000xi32, #tpu.memory_space<hbm>>
      tpu.wait_dma2 semaphore(%run_scoped3A : memref<!tpu.dma_semaphore, #tpu.memory_space<semaphore_mem>>) src(%dma_wait3A_48 : memref<10000xi32, #tpu.memory_space<hbm>>) dst(%arg7 : memref<10000xi32, #tpu.memory_space<vmem>>)
      tpu.yield
    }) : () -> ()
    %dma_start3A = arith.constant 0 : i32
    %dma_start3A_1 = tpu.memref_slice %arg7[%dma_start3A] : memref<10000xi32, #tpu.memory_space<vmem>> -> memref<40xi32, #tpu.memory_space<vmem>>
    %dma_start3A_2 = arith.constant 0 : i32
    %dma_start3A_3 = arith.constant 0 : i32
    %dma_start3A_4 = tpu.memref_slice %arg2[%dma_start3A_2, %dma_start3A_3] : memref<10240x128xf32, #tpu.memory_space<hbm>> -> memref<10240x128xf32, #tpu.memory_space<hbm>>
    tpu.enqueue_indirect_dma source(%dma_start3A_4 : memref<10240x128xf32, #tpu.memory_space<hbm>>) target(%arg9 : memref<40x128xf32, #tpu.memory_space<vmem>>) offsets(%dma_start3A_1 : memref<40xi32, #tpu.memory_space<vmem>>) semaphore(%arg15 : memref<!tpu.dma_semaphore, #tpu.memory_space<semaphore_mem>>)
    %dma_start3A_5 = arith.constant 40 : i32
    %dma_start3A_6 = tpu.memref_slice %arg7[%dma_start3A_5] : memref<10000xi32, #tpu.memory_space<vmem>> -> memref<40xi32, #tpu.memory_space<vmem>>
    %dma_start3A_7 = arith.constant 0 : i32
    %dma_start3A_8 = arith.constant 0 : i32
    %dma_start3A_9 = tpu.memref_slice %arg2[%dma_start3A_7, %dma_start3A_8] : memref<10240x128xf32, #tpu.memory_space<hbm>> -> memref<10240x128xf32, #tpu.memory_space<hbm>>
    tpu.enqueue_indirect_dma source(%dma_start3A_9 : memref<10240x128xf32, #tpu.memory_space<hbm>>) target(%arg10 : memref<40x128xf32, #tpu.memory_space<vmem>>) offsets(%dma_start3A_6 : memref<40xi32, #tpu.memory_space<vmem>>) semaphore(%arg16 : memref<!tpu.dma_semaphore, #tpu.memory_space<semaphore_mem>>)
    %dma_start3A_10 = arith.constant 80 : i32
    %dma_start3A_11 = tpu.memref_slice %arg7[%dma_start3A_10] : memref<10000xi32, #tpu.memory_space<vmem>> -> memref<40xi32, #tpu.memory_space<vmem>>
    %dma_start3A_12 = arith.constant 0 : i32
    %dma_start3A_13 = arith.constant 0 : i32
    %dma_start3A_14 = tpu.memref_slice %arg2[%dma_start3A_12, %dma_start3A_13] : memref<10240x128xf32, #tpu.memory_space<hbm>> -> memref<10240x128xf32, #tpu.memory_space<hbm>>
    tpu.enqueue_indirect_dma source(%dma_start3A_14 : memref<10240x128xf32, #tpu.memory_space<hbm>>) target(%arg11 : memref<40x128xf32, #tpu.memory_space<vmem>>) offsets(%dma_start3A_11 : memref<40xi32, #tpu.memory_space<vmem>>) semaphore(%arg17 : memref<!tpu.dma_semaphore, #tpu.memory_space<semaphore_mem>>)
    %dma_start3A_15 = arith.constant 120 : i32
    %dma_start3A_16 = tpu.memref_slice %arg7[%dma_start3A_15] : memref<10000xi32, #tpu.memory_space<vmem>> -> memref<40xi32, #tpu.memory_space<vmem>>
    %dma_start3A_17 = arith.constant 0 : i32
    %dma_start3A_18 = arith.constant 0 : i32
    %dma_start3A_19 = tpu.memref_slice %arg2[%dma_start3A_17, %dma_start3A_18] : memref<10240x128xf32, #tpu.memory_space<hbm>> -> memref<10240x128xf32, #tpu.memory_space<hbm>>
    tpu.enqueue_indirect_dma source(%dma_start3A_19 : memref<10240x128xf32, #tpu.memory_space<hbm>>) target(%arg12 : memref<40x128xf32, #tpu.memory_space<vmem>>) offsets(%dma_start3A_16 : memref<40xi32, #tpu.memory_space<vmem>>) semaphore(%arg18 : memref<!tpu.dma_semaphore, #tpu.memory_space<semaphore_mem>>)
    %dma_start3A_20 = arith.constant 160 : i32
    %dma_start3A_21 = tpu.memref_slice %arg7[%dma_start3A_20] : memref<10000xi32, #tpu.memory_space<vmem>> -> memref<40xi32, #tpu.memory_space<vmem>>
    %dma_start3A_22 = arith.constant 0 : i32
    %dma_start3A_23 = arith.constant 0 : i32
    %dma_start3A_24 = tpu.memref_slice %arg2[%dma_start3A_22, %dma_start3A_23] : memref<10240x128xf32, #tpu.memory_space<hbm>> -> memref<10240x128xf32, #tpu.memory_space<hbm>>
    tpu.enqueue_indirect_dma source(%dma_start3A_24 : memref<10240x128xf32, #tpu.memory_space<hbm>>) target(%arg13 : memref<40x128xf32, #tpu.memory_space<vmem>>) offsets(%dma_start3A_21 : memref<40xi32, #tpu.memory_space<vmem>>) semaphore(%arg19 : memref<!tpu.dma_semaphore, #tpu.memory_space<semaphore_mem>>)
    "tpu.region"() ({
      %run_scoped3A = tpu.sem_alloc : memref<!tpu.dma_semaphore, #tpu.memory_space<semaphore_mem>>
      %dma_start3A_38 = arith.constant 0 : i32
      %dma_start3A_39 = tpu.memref_slice %arg4[%add3A, %dma_start3A_38] : memref<32x10000xi32, #tpu.memory_space<hbm>> -> memref<1x10000xi32, #tpu.memory_space<hbm>>
      %dma_start3A_40 = tpu.memref_squeeze %dma_start3A_39 : memref<1x10000xi32, #tpu.memory_space<hbm>> -> memref<10000xi32, #tpu.memory_space<hbm>>
      %dma_start3A_41 = arith.constant 0 : i32
      %dma_start3A_42 = tpu.memref_slice %arg4[%add3A, %dma_start3A_41] : memref<32x10000xi32, #tpu.memory_space<hbm>> -> memref<1x10000xi32, #tpu.memory_space<hbm>>
      %dma_start3A_43 = tpu.memref_squeeze %dma_start3A_42 : memref<1x10000xi32, #tpu.memory_space<hbm>> -> memref<10000xi32, #tpu.memory_space<hbm>>
      tpu.enqueue_dma source(%dma_start3A_43 : memref<10000xi32, #tpu.memory_space<hbm>>) target(%arg8 : memref<10000xi32, #tpu.memory_space<vmem>>) target_semaphore(%run_scoped3A : memref<!tpu.dma_semaphore, #tpu.memory_space<semaphore_mem>>)
      %dma_wait3A = arith.constant 0 : i32
      %dma_wait3A_44 = tpu.memref_slice %arg4[%add3A, %dma_wait3A] : memref<32x10000xi32, #tpu.memory_space<hbm>> -> memref<1x10000xi32, #tpu.memory_space<hbm>>
      %dma_wait3A_45 = tpu.memref_squeeze %dma_wait3A_44 : memref<1x10000xi32, #tpu.memory_space<hbm>> -> memref<10000xi32, #tpu.memory_space<hbm>>
      %dma_wait3A_46 = arith.constant 0 : i32
      %dma_wait3A_47 = tpu.memref_slice %arg4[%add3A, %dma_wait3A_46] : memref<32x10000xi32, #tpu.memory_space<hbm>> -> memref<1x10000xi32, #tpu.memory_space<hbm>>
      %dma_wait3A_48 = tpu.memref_squeeze %dma_wait3A_47 : memref<1x10000xi32, #tpu.memory_space<hbm>> -> memref<10000xi32, #tpu.memory_space<hbm>>
      tpu.wait_dma2 semaphore(%run_scoped3A : memref<!tpu.dma_semaphore, #tpu.memory_space<semaphore_mem>>) src(%dma_wait3A_48 : memref<10000xi32, #tpu.memory_space<hbm>>) dst(%arg8 : memref<10000xi32, #tpu.memory_space<vmem>>)
      tpu.yield
    }) : () -> ()
    %mul3A_25 = arith.constant 640 : i32
    %mul3A_26 = arith.muli %arg1, %mul3A_25 : i32
    "tpu.region"() ({
      %run_scoped3A = tpu.sem_alloc : memref<!tpu.dma_semaphore, #tpu.memory_space<semaphore_mem>>
      %dma_start3A_38 = arith.constant 0 : i32
      %dma_start3A_39 = tpu.memref_slice %arg14[%mul3A_26, %dma_start3A_38] : memref<10240x128xf32, #tpu.memory_space<vmem_shared>> -> memref<640x128xf32, #tpu.memory_space<vmem_shared>>
      tpu.enqueue_dma source(%arg5 : memref<640x128xf32, #tpu.memory_space<hbm>>) target(%dma_start3A_39 : memref<640x128xf32, #tpu.memory_space<vmem_shared>>) target_semaphore(%run_scoped3A : memref<!tpu.dma_semaphore, #tpu.memory_space<semaphore_mem>>)
      %dma_wait3A = arith.constant 0 : i32
      %dma_wait3A_40 = tpu.memref_slice %arg14[%mul3A_26, %dma_wait3A] : memref<10240x128xf32, #tpu.memory_space<vmem_shared>> -> memref<640x128xf32, #tpu.memory_space<vmem_shared>>
      tpu.wait_dma2 semaphore(%run_scoped3A : memref<!tpu.dma_semaphore, #tpu.memory_space<semaphore_mem>>) src(%arg5 : memref<640x128xf32, #tpu.memory_space<hbm>>) dst(%dma_wait3A_40 : memref<640x128xf32, #tpu.memory_space<vmem_shared>>)
      tpu.yield
    }) : () -> ()
    %barrier3A = arith.constant 0 : index
    tpu.barrier barrier_id(%barrier3A)
    %scan3A = arith.constant 0 : i32
    %scan3A_27 = arith.constant 0 : i32
    %scan3A_28 = arith.constant 50 : i32
    %scan3A_29 = arith.addi %scan3A_27, %scan3A_28 : i32
    %scan3A_30 = arith.constant 1 : i32
    %scan3A_31 = scf.for %scan3A_38 = %scan3A_27 to %scan3A_29 step %scan3A_30 iter_args(%scan3A_39 = %scan3A) -> (i32)  : i32 {
      %mul3A_40 = arith.constant 5 : i32
      %mul3A_41 = arith.muli %scan3A_38, %mul3A_40 : i32
      %add3A_42 = arith.constant 0 : i32
      %add3A_43 = arith.addi %mul3A_41, %add3A_42 : i32
      %mul3A_44 = arith.constant 40 : i32
      %mul3A_45 = arith.muli %add3A_43, %mul3A_44 : i32
      %dma_wait3A = tpu.memref_slice %arg7[%mul3A_45] : memref<10000xi32, #tpu.memory_space<vmem>> -> memref<40xi32, #tpu.memory_space<vmem>>
      %dma_wait3A_46 = arith.constant 0 : i32
      %dma_wait3A_47 = arith.constant 0 : i32
      %dma_wait3A_48 = tpu.memref_slice %arg2[%dma_wait3A_46, %dma_wait3A_47] : memref<10240x128xf32, #tpu.memory_space<hbm>> -> memref<10240x128xf32, #tpu.memory_space<hbm>>
      tpu.wait_indirect_dma semaphore(%arg15 : memref<!tpu.dma_semaphore, #tpu.memory_space<semaphore_mem>>) src(%dma_wait3A_48 : memref<10240x128xf32, #tpu.memory_space<hbm>>) dst(%arg9 : memref<40x128xf32, #tpu.memory_space<vmem>>)
      %add3A_49 = arith.constant 0 : i32
      %add3A_50 = arith.addi %mul3A_41, %add3A_49 : i32
      %mul3A_51 = arith.constant 40 : i32
      %mul3A_52 = arith.muli %add3A_50, %mul3A_51 : i32
      %dma_start3A_53 = tpu.memref_slice %arg8[%mul3A_52] : memref<10000xi32, #tpu.memory_space<vmem>> -> memref<40xi32, #tpu.memory_space<vmem>>
      %dma_start3A_54 = arith.constant 0 : i32
      %dma_start3A_55 = arith.constant 0 : i32
      %dma_start3A_56 = tpu.memref_slice %arg14[%dma_start3A_54, %dma_start3A_55] : memref<10240x128xf32, #tpu.memory_space<vmem_shared>> -> memref<10240x128xf32, #tpu.memory_space<vmem_shared>>
      tpu.enqueue_indirect_dma source(%arg9 : memref<40x128xf32, #tpu.memory_space<vmem>>) target(%dma_start3A_56 : memref<10240x128xf32, #tpu.memory_space<vmem_shared>>) offsets(%dma_start3A_53 : memref<40xi32, #tpu.memory_space<vmem>>) semaphore(%arg20 : memref<!tpu.dma_semaphore, #tpu.memory_space<semaphore_mem>>) {add = true}
      %add3A_57 = arith.constant 1 : i32
      %add3A_58 = arith.addi %mul3A_41, %add3A_57 : i32
      %mul3A_59 = arith.constant 40 : i32
      %mul3A_60 = arith.muli %add3A_58, %mul3A_59 : i32
      %dma_wait3A_61 = tpu.memref_slice %arg7[%mul3A_60] : memref<10000xi32, #tpu.memory_space<vmem>> -> memref<40xi32, #tpu.memory_space<vmem>>
      %dma_wait3A_62 = arith.constant 0 : i32
      %dma_wait3A_63 = arith.constant 0 : i32
      %dma_wait3A_64 = tpu.memref_slice %arg2[%dma_wait3A_62, %dma_wait3A_63] : memref<10240x128xf32, #tpu.memory_space<hbm>> -> memref<10240x128xf32, #tpu.memory_space<hbm>>
      tpu.wait_indirect_dma semaphore(%arg16 : memref<!tpu.dma_semaphore, #tpu.memory_space<semaphore_mem>>) src(%dma_wait3A_64 : memref<10240x128xf32, #tpu.memory_space<hbm>>) dst(%arg10 : memref<40x128xf32, #tpu.memory_space<vmem>>)
      %add3A_65 = arith.constant 1 : i32
      %add3A_66 = arith.addi %mul3A_41, %add3A_65 : i32
      %mul3A_67 = arith.constant 40 : i32
      %mul3A_68 = arith.muli %add3A_66, %mul3A_67 : i32
      %dma_start3A_69 = tpu.memref_slice %arg8[%mul3A_68] : memref<10000xi32, #tpu.memory_space<vmem>> -> memref<40xi32, #tpu.memory_space<vmem>>
      %dma_start3A_70 = arith.constant 0 : i32
      %dma_start3A_71 = arith.constant 0 : i32
      %dma_start3A_72 = tpu.memref_slice %arg14[%dma_start3A_70, %dma_start3A_71] : memref<10240x128xf32, #tpu.memory_space<vmem_shared>> -> memref<10240x128xf32, #tpu.memory_space<vmem_shared>>
      tpu.enqueue_indirect_dma source(%arg10 : memref<40x128xf32, #tpu.memory_space<vmem>>) target(%dma_start3A_72 : memref<10240x128xf32, #tpu.memory_space<vmem_shared>>) offsets(%dma_start3A_69 : memref<40xi32, #tpu.memory_space<vmem>>) semaphore(%arg21 : memref<!tpu.dma_semaphore, #tpu.memory_space<semaphore_mem>>) {add = true}
      %add3A_73 = arith.constant 2 : i32
      %add3A_74 = arith.addi %mul3A_41, %add3A_73 : i32
      %mul3A_75 = arith.constant 40 : i32
      %mul3A_76 = arith.muli %add3A_74, %mul3A_75 : i32
      %dma_wait3A_77 = tpu.memref_slice %arg7[%mul3A_76] : memref<10000xi32, #tpu.memory_space<vmem>> -> memref<40xi32, #tpu.memory_space<vmem>>
      %dma_wait3A_78 = arith.constant 0 : i32
      %dma_wait3A_79 = arith.constant 0 : i32
      %dma_wait3A_80 = tpu.memref_slice %arg2[%dma_wait3A_78, %dma_wait3A_79] : memref<10240x128xf32, #tpu.memory_space<hbm>> -> memref<10240x128xf32, #tpu.memory_space<hbm>>
      tpu.wait_indirect_dma semaphore(%arg17 : memref<!tpu.dma_semaphore, #tpu.memory_space<semaphore_mem>>) src(%dma_wait3A_80 : memref<10240x128xf32, #tpu.memory_space<hbm>>) dst(%arg11 : memref<40x128xf32, #tpu.memory_space<vmem>>)
      %add3A_81 = arith.constant 2 : i32
      %add3A_82 = arith.addi %mul3A_41, %add3A_81 : i32
      %mul3A_83 = arith.constant 40 : i32
      %mul3A_84 = arith.muli %add3A_82, %mul3A_83 : i32
      %dma_start3A_85 = tpu.memref_slice %arg8[%mul3A_84] : memref<10000xi32, #tpu.memory_space<vmem>> -> memref<40xi32, #tpu.memory_space<vmem>>
      %dma_start3A_86 = arith.constant 0 : i32
      %dma_start3A_87 = arith.constant 0 : i32
      %dma_start3A_88 = tpu.memref_slice %arg14[%dma_start3A_86, %dma_start3A_87] : memref<10240x128xf32, #tpu.memory_space<vmem_shared>> -> memref<10240x128xf32, #tpu.memory_space<vmem_shared>>
      tpu.enqueue_indirect_dma source(%arg11 : memref<40x128xf32, #tpu.memory_space<vmem>>) target(%dma_start3A_88 : memref<10240x128xf32, #tpu.memory_space<vmem_shared>>) offsets(%dma_start3A_85 : memref<40xi32, #tpu.memory_space<vmem>>) semaphore(%arg22 : memref<!tpu.dma_semaphore, #tpu.memory_space<semaphore_mem>>) {add = true}
      %add3A_89 = arith.constant 3 : i32
      %add3A_90 = arith.addi %mul3A_41, %add3A_89 : i32
      %mul3A_91 = arith.constant 40 : i32
      %mul3A_92 = arith.muli %add3A_90, %mul3A_91 : i32
      %dma_wait3A_93 = tpu.memref_slice %arg7[%mul3A_92] : memref<10000xi32, #tpu.memory_space<vmem>> -> memref<40xi32, #tpu.memory_space<vmem>>
      %dma_wait3A_94 = arith.constant 0 : i32
      %dma_wait3A_95 = arith.constant 0 : i32
      %dma_wait3A_96 = tpu.memref_slice %arg2[%dma_wait3A_94, %dma_wait3A_95] : memref<10240x128xf32, #tpu.memory_space<hbm>> -> memref<10240x128xf32, #tpu.memory_space<hbm>>
      tpu.wait_indirect_dma semaphore(%arg18 : memref<!tpu.dma_semaphore, #tpu.memory_space<semaphore_mem>>) src(%dma_wait3A_96 : memref<10240x128xf32, #tpu.memory_space<hbm>>) dst(%arg12 : memref<40x128xf32, #tpu.memory_space<vmem>>)
      %add3A_97 = arith.constant 3 : i32
      %add3A_98 = arith.addi %mul3A_41, %add3A_97 : i32
      %mul3A_99 = arith.constant 40 : i32
      %mul3A_100 = arith.muli %add3A_98, %mul3A_99 : i32
      %dma_start3A_101 = tpu.memref_slice %arg8[%mul3A_100] : memref<10000xi32, #tpu.memory_space<vmem>> -> memref<40xi32, #tpu.memory_space<vmem>>
      %dma_start3A_102 = arith.constant 0 : i32
      %dma_start3A_103 = arith.constant 0 : i32
      %dma_start3A_104 = tpu.memref_slice %arg14[%dma_start3A_102, %dma_start3A_103] : memref<10240x128xf32, #tpu.memory_space<vmem_shared>> -> memref<10240x128xf32, #tpu.memory_space<vmem_shared>>
      tpu.enqueue_indirect_dma source(%arg12 : memref<40x128xf32, #tpu.memory_space<vmem>>) target(%dma_start3A_104 : memref<10240x128xf32, #tpu.memory_space<vmem_shared>>) offsets(%dma_start3A_101 : memref<40xi32, #tpu.memory_space<vmem>>) semaphore(%arg23 : memref<!tpu.dma_semaphore, #tpu.memory_space<semaphore_mem>>) {add = true}
      %add3A_105 = arith.constant 4 : i32
      %add3A_106 = arith.addi %mul3A_41, %add3A_105 : i32
      %mul3A_107 = arith.constant 40 : i32
      %mul3A_108 = arith.muli %add3A_106, %mul3A_107 : i32
      %dma_wait3A_109 = tpu.memref_slice %arg7[%mul3A_108] : memref<10000xi32, #tpu.memory_space<vmem>> -> memref<40xi32, #tpu.memory_space<vmem>>
      %dma_wait3A_110 = arith.constant 0 : i32
      %dma_wait3A_111 = arith.constant 0 : i32
      %dma_wait3A_112 = tpu.memref_slice %arg2[%dma_wait3A_110, %dma_wait3A_111] : memref<10240x128xf32, #tpu.memory_space<hbm>> -> memref<10240x128xf32, #tpu.memory_space<hbm>>
      tpu.wait_indirect_dma semaphore(%arg19 : memref<!tpu.dma_semaphore, #tpu.memory_space<semaphore_mem>>) src(%dma_wait3A_112 : memref<10240x128xf32, #tpu.memory_space<hbm>>) dst(%arg13 : memref<40x128xf32, #tpu.memory_space<vmem>>)
      %add3A_113 = arith.constant 4 : i32
      %add3A_114 = arith.addi %mul3A_41, %add3A_113 : i32
      %mul3A_115 = arith.constant 40 : i32
      %mul3A_116 = arith.muli %add3A_114, %mul3A_115 : i32
      %dma_start3A_117 = tpu.memref_slice %arg8[%mul3A_116] : memref<10000xi32, #tpu.memory_space<vmem>> -> memref<40xi32, #tpu.memory_space<vmem>>
      %dma_start3A_118 = arith.constant 0 : i32
      %dma_start3A_119 = arith.constant 0 : i32
      %dma_start3A_120 = tpu.memref_slice %arg14[%dma_start3A_118, %dma_start3A_119] : memref<10240x128xf32, #tpu.memory_space<vmem_shared>> -> memref<10240x128xf32, #tpu.memory_space<vmem_shared>>
      tpu.enqueue_indirect_dma source(%arg13 : memref<40x128xf32, #tpu.memory_space<vmem>>) target(%dma_start3A_120 : memref<10240x128xf32, #tpu.memory_space<vmem_shared>>) offsets(%dma_start3A_117 : memref<40xi32, #tpu.memory_space<vmem>>) semaphore(%arg24 : memref<!tpu.dma_semaphore, #tpu.memory_space<semaphore_mem>>) {add = true}
      %add3A_121 = arith.constant 0 : i32
      %add3A_122 = arith.addi %mul3A_41, %add3A_121 : i32
      %mul3A_123 = arith.constant 40 : i32
      %mul3A_124 = arith.muli %add3A_122, %mul3A_123 : i32
      %dma_wait3A_125 = tpu.memref_slice %arg8[%mul3A_124] : memref<10000xi32, #tpu.memory_space<vmem>> -> memref<40xi32, #tpu.memory_space<vmem>>
      %dma_wait3A_126 = arith.constant 0 : i32
      %dma_wait3A_127 = arith.constant 0 : i32
      %dma_wait3A_128 = tpu.memref_slice %arg14[%dma_wait3A_126, %dma_wait3A_127] : memref<10240x128xf32, #tpu.memory_space<vmem_shared>> -> memref<10240x128xf32, #tpu.memory_space<vmem_shared>>
      tpu.wait_indirect_dma semaphore(%arg20 : memref<!tpu.dma_semaphore, #tpu.memory_space<semaphore_mem>>) src(%arg9 : memref<40x128xf32, #tpu.memory_space<vmem>>) dst(%dma_wait3A_128 : memref<10240x128xf32, #tpu.memory_space<vmem_shared>>)
      %add3A_129 = arith.constant 5 : i32
      %add3A_130 = arith.addi %mul3A_41, %add3A_129 : i32
      %add3A_131 = arith.constant 0 : i32
      %add3A_132 = arith.addi %add3A_130, %add3A_131 : i32
      %lt3A = arith.constant 250 : i32
      %lt3A_133 = arith.cmpi slt, %add3A_132, %lt3A : i32
      %convert_element_type3A = arith.extui %lt3A_133 : i1 to i32
      %cond3A = arith.constant 0 : i32
      %cond3A_134 = arith.cmpi ne, %convert_element_type3A, %cond3A : i32
      scf.if %cond3A_134 {
        %add3A_204 = arith.constant 5 : i32
        %add3A_205 = arith.addi %mul3A_41, %add3A_204 : i32
        %add3A_206 = arith.constant 0 : i32
        %add3A_207 = arith.addi %add3A_205, %add3A_206 : i32
        %mul3A_208 = arith.constant 40 : i32
        %mul3A_209 = arith.muli %add3A_207, %mul3A_208 : i32
        %dma_start3A_210 = tpu.memref_slice %arg7[%mul3A_209] : memref<10000xi32, #tpu.memory_space<vmem>> -> memref<40xi32, #tpu.memory_space<vmem>>
        %dma_start3A_211 = arith.constant 0 : i32
        %dma_start3A_212 = arith.constant 0 : i32
        %dma_start3A_213 = tpu.memref_slice %arg2[%dma_start3A_211, %dma_start3A_212] : memref<10240x128xf32, #tpu.memory_space<hbm>> -> memref<10240x128xf32, #tpu.memory_space<hbm>>
        tpu.enqueue_indirect_dma source(%dma_start3A_213 : memref<10240x128xf32, #tpu.memory_space<hbm>>) target(%arg9 : memref<40x128xf32, #tpu.memory_space<vmem>>) offsets(%dma_start3A_210 : memref<40xi32, #tpu.memory_space<vmem>>) semaphore(%arg15 : memref<!tpu.dma_semaphore, #tpu.memory_space<semaphore_mem>>)
      } else {
      }
      %add3A_135 = arith.constant 1 : i32
      %add3A_136 = arith.addi %mul3A_41, %add3A_135 : i32
      %mul3A_137 = arith.constant 40 : i32
      %mul3A_138 = arith.muli %add3A_136, %mul3A_137 : i32
      %dma_wait3A_139 = tpu.memref_slice %arg8[%mul3A_138] : memref<10000xi32, #tpu.memory_space<vmem>> -> memref<40xi32, #tpu.memory_space<vmem>>
      %dma_wait3A_140 = arith.constant 0 : i32
      %dma_wait3A_141 = arith.constant 0 : i32
      %dma_wait3A_142 = tpu.memref_slice %arg14[%dma_wait3A_140, %dma_wait3A_141] : memref<10240x128xf32, #tpu.memory_space<vmem_shared>> -> memref<10240x128xf32, #tpu.memory_space<vmem_shared>>
      tpu.wait_indirect_dma semaphore(%arg21 : memref<!tpu.dma_semaphore, #tpu.memory_space<semaphore_mem>>) src(%arg10 : memref<40x128xf32, #tpu.memory_space<vmem>>) dst(%dma_wait3A_142 : memref<10240x128xf32, #tpu.memory_space<vmem_shared>>)
      %add3A_143 = arith.constant 5 : i32
      %add3A_144 = arith.addi %mul3A_41, %add3A_143 : i32
      %add3A_145 = arith.constant 1 : i32
      %add3A_146 = arith.addi %add3A_144, %add3A_145 : i32
      %lt3A_147 = arith.constant 250 : i32
      %lt3A_148 = arith.cmpi slt, %add3A_146, %lt3A_147 : i32
      %convert_element_type3A_149 = arith.extui %lt3A_148 : i1 to i32
      %cond3A_150 = arith.constant 0 : i32
      %cond3A_151 = arith.cmpi ne, %convert_element_type3A_149, %cond3A_150 : i32
      scf.if %cond3A_151 {
        %add3A_204 = arith.constant 5 : i32
        %add3A_205 = arith.addi %mul3A_41, %add3A_204 : i32
        %add3A_206 = arith.constant 1 : i32
        %add3A_207 = arith.addi %add3A_205, %add3A_206 : i32
        %mul3A_208 = arith.constant 40 : i32
        %mul3A_209 = arith.muli %add3A_207, %mul3A_208 : i32
        %dma_start3A_210 = tpu.memref_slice %arg7[%mul3A_209] : memref<10000xi32, #tpu.memory_space<vmem>> -> memref<40xi32, #tpu.memory_space<vmem>>
        %dma_start3A_211 = arith.constant 0 : i32
        %dma_start3A_212 = arith.constant 0 : i32
        %dma_start3A_213 = tpu.memref_slice %arg2[%dma_start3A_211, %dma_start3A_212] : memref<10240x128xf32, #tpu.memory_space<hbm>> -> memref<10240x128xf32, #tpu.memory_space<hbm>>
        tpu.enqueue_indirect_dma source(%dma_start3A_213 : memref<10240x128xf32, #tpu.memory_space<hbm>>) target(%arg10 : memref<40x128xf32, #tpu.memory_space<vmem>>) offsets(%dma_start3A_210 : memref<40xi32, #tpu.memory_space<vmem>>) semaphore(%arg16 : memref<!tpu.dma_semaphore, #tpu.memory_space<semaphore_mem>>)
      } else {
      }
      %add3A_152 = arith.constant 2 : i32
      %add3A_153 = arith.addi %mul3A_41, %add3A_152 : i32
      %mul3A_154 = arith.constant 40 : i32
      %mul3A_155 = arith.muli %add3A_153, %mul3A_154 : i32
      %dma_wait3A_156 = tpu.memref_slice %arg8[%mul3A_155] : memref<10000xi32, #tpu.memory_space<vmem>> -> memref<40xi32, #tpu.memory_space<vmem>>
      %dma_wait3A_157 = arith.constant 0 : i32
      %dma_wait3A_158 = arith.constant 0 : i32
      %dma_wait3A_159 = tpu.memref_slice %arg14[%dma_wait3A_157, %dma_wait3A_158] : memref<10240x128xf32, #tpu.memory_space<vmem_shared>> -> memref<10240x128xf32, #tpu.memory_space<vmem_shared>>
      tpu.wait_indirect_dma semaphore(%arg22 : memref<!tpu.dma_semaphore, #tpu.memory_space<semaphore_mem>>) src(%arg11 : memref<40x128xf32, #tpu.memory_space<vmem>>) dst(%dma_wait3A_159 : memref<10240x128xf32, #tpu.memory_space<vmem_shared>>)
      %add3A_160 = arith.constant 5 : i32
      %add3A_161 = arith.addi %mul3A_41, %add3A_160 : i32
      %add3A_162 = arith.constant 2 : i32
      %add3A_163 = arith.addi %add3A_161, %add3A_162 : i32
      %lt3A_164 = arith.constant 250 : i32
      %lt3A_165 = arith.cmpi slt, %add3A_163, %lt3A_164 : i32
      %convert_element_type3A_166 = arith.extui %lt3A_165 : i1 to i32
      %cond3A_167 = arith.constant 0 : i32
      %cond3A_168 = arith.cmpi ne, %convert_element_type3A_166, %cond3A_167 : i32
      scf.if %cond3A_168 {
        %add3A_204 = arith.constant 5 : i32
        %add3A_205 = arith.addi %mul3A_41, %add3A_204 : i32
        %add3A_206 = arith.constant 2 : i32
        %add3A_207 = arith.addi %add3A_205, %add3A_206 : i32
        %mul3A_208 = arith.constant 40 : i32
        %mul3A_209 = arith.muli %add3A_207, %mul3A_208 : i32
        %dma_start3A_210 = tpu.memref_slice %arg7[%mul3A_209] : memref<10000xi32, #tpu.memory_space<vmem>> -> memref<40xi32, #tpu.memory_space<vmem>>
        %dma_start3A_211 = arith.constant 0 : i32
        %dma_start3A_212 = arith.constant 0 : i32
        %dma_start3A_213 = tpu.memref_slice %arg2[%dma_start3A_211, %dma_start3A_212] : memref<10240x128xf32, #tpu.memory_space<hbm>> -> memref<10240x128xf32, #tpu.memory_space<hbm>>
        tpu.enqueue_indirect_dma source(%dma_start3A_213 : memref<10240x128xf32, #tpu.memory_space<hbm>>) target(%arg11 : memref<40x128xf32, #tpu.memory_space<vmem>>) offsets(%dma_start3A_210 : memref<40xi32, #tpu.memory_space<vmem>>) semaphore(%arg17 : memref<!tpu.dma_semaphore, #tpu.memory_space<semaphore_mem>>)
      } else {
      }
      %add3A_169 = arith.constant 3 : i32
      %add3A_170 = arith.addi %mul3A_41, %add3A_169 : i32
      %mul3A_171 = arith.constant 40 : i32
      %mul3A_172 = arith.muli %add3A_170, %mul3A_171 : i32
      %dma_wait3A_173 = tpu.memref_slice %arg8[%mul3A_172] : memref<10000xi32, #tpu.memory_space<vmem>> -> memref<40xi32, #tpu.memory_space<vmem>>
      %dma_wait3A_174 = arith.constant 0 : i32
      %dma_wait3A_175 = arith.constant 0 : i32
      %dma_wait3A_176 = tpu.memref_slice %arg14[%dma_wait3A_174, %dma_wait3A_175] : memref<10240x128xf32, #tpu.memory_space<vmem_shared>> -> memref<10240x128xf32, #tpu.memory_space<vmem_shared>>
      tpu.wait_indirect_dma semaphore(%arg23 : memref<!tpu.dma_semaphore, #tpu.memory_space<semaphore_mem>>) src(%arg12 : memref<40x128xf32, #tpu.memory_space<vmem>>) dst(%dma_wait3A_176 : memref<10240x128xf32, #tpu.memory_space<vmem_shared>>)
      %add3A_177 = arith.constant 5 : i32
      %add3A_178 = arith.addi %mul3A_41, %add3A_177 : i32
      %add3A_179 = arith.constant 3 : i32
      %add3A_180 = arith.addi %add3A_178, %add3A_179 : i32
      %lt3A_181 = arith.constant 250 : i32
      %lt3A_182 = arith.cmpi slt, %add3A_180, %lt3A_181 : i32
      %convert_element_type3A_183 = arith.extui %lt3A_182 : i1 to i32
      %cond3A_184 = arith.constant 0 : i32
      %cond3A_185 = arith.cmpi ne, %convert_element_type3A_183, %cond3A_184 : i32
      scf.if %cond3A_185 {
        %add3A_204 = arith.constant 5 : i32
        %add3A_205 = arith.addi %mul3A_41, %add3A_204 : i32
        %add3A_206 = arith.constant 3 : i32
        %add3A_207 = arith.addi %add3A_205, %add3A_206 : i32
        %mul3A_208 = arith.constant 40 : i32
        %mul3A_209 = arith.muli %add3A_207, %mul3A_208 : i32
        %dma_start3A_210 = tpu.memref_slice %arg7[%mul3A_209] : memref<10000xi32, #tpu.memory_space<vmem>> -> memref<40xi32, #tpu.memory_space<vmem>>
        %dma_start3A_211 = arith.constant 0 : i32
        %dma_start3A_212 = arith.constant 0 : i32
        %dma_start3A_213 = tpu.memref_slice %arg2[%dma_start3A_211, %dma_start3A_212] : memref<10240x128xf32, #tpu.memory_space<hbm>> -> memref<10240x128xf32, #tpu.memory_space<hbm>>
        tpu.enqueue_indirect_dma source(%dma_start3A_213 : memref<10240x128xf32, #tpu.memory_space<hbm>>) target(%arg12 : memref<40x128xf32, #tpu.memory_space<vmem>>) offsets(%dma_start3A_210 : memref<40xi32, #tpu.memory_space<vmem>>) semaphore(%arg18 : memref<!tpu.dma_semaphore, #tpu.memory_space<semaphore_mem>>)
      } else {
      }
      %add3A_186 = arith.constant 4 : i32
      %add3A_187 = arith.addi %mul3A_41, %add3A_186 : i32
      %mul3A_188 = arith.constant 40 : i32
      %mul3A_189 = arith.muli %add3A_187, %mul3A_188 : i32
      %dma_wait3A_190 = tpu.memref_slice %arg8[%mul3A_189] : memref<10000xi32, #tpu.memory_space<vmem>> -> memref<40xi32, #tpu.memory_space<vmem>>
      %dma_wait3A_191 = arith.constant 0 : i32
      %dma_wait3A_192 = arith.constant 0 : i32
      %dma_wait3A_193 = tpu.memref_slice %arg14[%dma_wait3A_191, %dma_wait3A_192] : memref<10240x128xf32, #tpu.memory_space<vmem_shared>> -> memref<10240x128xf32, #tpu.memory_space<vmem_shared>>
      tpu.wait_indirect_dma semaphore(%arg24 : memref<!tpu.dma_semaphore, #tpu.memory_space<semaphore_mem>>) src(%arg13 : memref<40x128xf32, #tpu.memory_space<vmem>>) dst(%dma_wait3A_193 : memref<10240x128xf32, #tpu.memory_space<vmem_shared>>)
      %add3A_194 = arith.constant 5 : i32
      %add3A_195 = arith.addi %mul3A_41, %add3A_194 : i32
      %add3A_196 = arith.constant 4 : i32
      %add3A_197 = arith.addi %add3A_195, %add3A_196 : i32
      %lt3A_198 = arith.constant 250 : i32
      %lt3A_199 = arith.cmpi slt, %add3A_197, %lt3A_198 : i32
      %convert_element_type3A_200 = arith.extui %lt3A_199 : i1 to i32
      %cond3A_201 = arith.constant 0 : i32
      %cond3A_202 = arith.cmpi ne, %convert_element_type3A_200, %cond3A_201 : i32
      scf.if %cond3A_202 {
        %add3A_204 = arith.constant 5 : i32
        %add3A_205 = arith.addi %mul3A_41, %add3A_204 : i32
        %add3A_206 = arith.constant 4 : i32
        %add3A_207 = arith.addi %add3A_205, %add3A_206 : i32
        %mul3A_208 = arith.constant 40 : i32
        %mul3A_209 = arith.muli %add3A_207, %mul3A_208 : i32
        %dma_start3A_210 = tpu.memref_slice %arg7[%mul3A_209] : memref<10000xi32, #tpu.memory_space<vmem>> -> memref<40xi32, #tpu.memory_space<vmem>>
        %dma_start3A_211 = arith.constant 0 : i32
        %dma_start3A_212 = arith.constant 0 : i32
        %dma_start3A_213 = tpu.memref_slice %arg2[%dma_start3A_211, %dma_start3A_212] : memref<10240x128xf32, #tpu.memory_space<hbm>> -> memref<10240x128xf32, #tpu.memory_space<hbm>>
        tpu.enqueue_indirect_dma source(%dma_start3A_213 : memref<10240x128xf32, #tpu.memory_space<hbm>>) target(%arg13 : memref<40x128xf32, #tpu.memory_space<vmem>>) offsets(%dma_start3A_210 : memref<40xi32, #tpu.memory_space<vmem>>) semaphore(%arg19 : memref<!tpu.dma_semaphore, #tpu.memory_space<semaphore_mem>>)
      } else {
      }
      %scan3A_203 = arith.constant 0 : i32
      scf.yield %scan3A_203 : i32
    }
    %scan3A_32 = arith.constant 50 : i32
    %barrier3A_33 = arith.constant 0 : index
    tpu.barrier barrier_id(%barrier3A_33)
    %mul3A_34 = arith.constant 640 : i32
    %mul3A_35 = arith.muli %arg1, %mul3A_34 : i32
    %mul3A_36 = arith.constant 640 : i32
    %mul3A_37 = arith.muli %arg1, %mul3A_36 : i32
    "tpu.region"() ({
      %run_scoped3A = tpu.sem_alloc : memref<!tpu.dma_semaphore, #tpu.memory_space<semaphore_mem>>
      %dma_start3A_38 = arith.constant 0 : i32
      %dma_start3A_39 = tpu.memref_slice %arg6[%arg0, %mul3A_37, %dma_start3A_38] : memref<2x10240x128xf32, #tpu.memory_space<hbm>> -> memref<1x640x128xf32, #tpu.memory_space<hbm>>
      %dma_start3A_40 = tpu.memref_squeeze %dma_start3A_39 : memref<1x640x128xf32, #tpu.memory_space<hbm>> -> memref<640x128xf32, #tpu.memory_space<hbm>>
      %dma_start3A_41 = arith.constant 0 : i32
      %dma_start3A_42 = tpu.memref_slice %arg14[%mul3A_35, %dma_start3A_41] : memref<10240x128xf32, #tpu.memory_space<vmem_shared>> -> memref<640x128xf32, #tpu.memory_space<vmem_shared>>
      tpu.enqueue_dma source(%dma_start3A_42 : memref<640x128xf32, #tpu.memory_space<vmem_shared>>) target(%dma_start3A_40 : memref<640x128xf32, #tpu.memory_space<hbm>>) target_semaphore(%run_scoped3A : memref<!tpu.dma_semaphore, #tpu.memory_space<semaphore_mem>>)
      %dma_wait3A = arith.constant 0 : i32
      %dma_wait3A_43 = tpu.memref_slice %arg6[%arg0, %mul3A_37, %dma_wait3A] : memref<2x10240x128xf32, #tpu.memory_space<hbm>> -> memref<1x640x128xf32, #tpu.memory_space<hbm>>
      %dma_wait3A_44 = tpu.memref_squeeze %dma_wait3A_43 : memref<1x640x128xf32, #tpu.memory_space<hbm>> -> memref<640x128xf32, #tpu.memory_space<hbm>>
      %dma_wait3A_45 = arith.constant 0 : i32
      %dma_wait3A_46 = tpu.memref_slice %arg14[%mul3A_35, %dma_wait3A_45] : memref<10240x128xf32, #tpu.memory_space<vmem_shared>> -> memref<640x128xf32, #tpu.memory_space<vmem_shared>>
      tpu.wait_dma2 semaphore(%run_scoped3A : memref<!tpu.dma_semaphore, #tpu.memory_space<semaphore_mem>>) src(%dma_wait3A_46 : memref<640x128xf32, #tpu.memory_space<vmem_shared>>) dst(%dma_wait3A_44 : memref<640x128xf32, #tpu.memory_space<hbm>>)
      tpu.yield
    }) : () -> ()
    return
  }
}

#map = affine_map<(d0, d1) -> (0, 0)>
#map1 = affine_map<(d0, d1) -> (0, 0, 0)>
module attributes {stable_mosaic.version = 14 : i64} {
  func.func @_sc_aggregate_body(%arg0: i32, %arg1: i32, %arg2: memref<10240x128xf32, #tpu.memory_space<hbm>>, %arg3: memref<32x10000xi32, #tpu.memory_space<hbm>>, %arg4: memref<32x10000xi32, #tpu.memory_space<hbm>>, %arg5: memref<640x128xf32, #tpu.memory_space<hbm>>, %arg6: memref<2x10240x128xf32, #tpu.memory_space<hbm>>, %arg7: memref<10000xi32, #tpu.memory_space<vmem>>, %arg8: memref<10000xi32, #tpu.memory_space<vmem>>, %arg9: memref<40x128xf32, #tpu.memory_space<vmem>>, %arg10: memref<40x128xf32, #tpu.memory_space<vmem>>, %arg11: memref<40x128xf32, #tpu.memory_space<vmem>>, %arg12: memref<40x128xf32, #tpu.memory_space<vmem>>, %arg13: memref<40x128xf32, #tpu.memory_space<vmem>>, %arg14: memref<10240x128xf32, #tpu.memory_space<vmem_shared>>, %arg15: memref<!tpu.dma_semaphore, #tpu.memory_space<semaphore_mem>>, %arg16: memref<!tpu.dma_semaphore, #tpu.memory_space<semaphore_mem>>, %arg17: memref<!tpu.dma_semaphore, #tpu.memory_space<semaphore_mem>>, %arg18: memref<!tpu.dma_semaphore, #tpu.memory_space<semaphore_mem>>, %arg19: memref<!tpu.dma_semaphore, #tpu.memory_space<semaphore_mem>>, %arg20: memref<!tpu.dma_semaphore, #tpu.memory_space<semaphore_mem>>, %arg21: memref<!tpu.dma_semaphore, #tpu.memory_space<semaphore_mem>>, %arg22: memref<!tpu.dma_semaphore, #tpu.memory_space<semaphore_mem>>, %arg23: memref<!tpu.dma_semaphore, #tpu.memory_space<semaphore_mem>>, %arg24: memref<!tpu.dma_semaphore, #tpu.memory_space<semaphore_mem>>) attributes {dimension_semantics = [#tpu.dimension_semantics<core_parallel>, #tpu.dimension_semantics<subcore_parallel>], iteration_bounds = array<i64: 2, 16>, scalar_prefetch = 0 : i64, scratch_operands = 18 : i64, tpu.core_type = #tpu.core_type<sc_vector_subcore>, window_params = [{transform_indices = #map}, {transform_indices = #map}, {transform_indices = #map}, {transform_indices = #map}, {transform_indices = #map1}]} {
    %mul3A = arith.constant 2 : i32
    %mul3A_0 = arith.muli %arg1, %mul3A : i32
    %add3A = arith.addi %mul3A_0, %arg0 : i32
    "tpu.region"() ({
      %run_scoped3A = tpu.sem_alloc : memref<!tpu.dma_semaphore, #tpu.memory_space<semaphore_mem>>
      %dma_start3A_38 = arith.constant 0 : i32
      %dma_start3A_39 = tpu.memref_slice %arg3[%add3A, %dma_start3A_38] : memref<32x10000xi32, #tpu.memory_space<hbm>> -> memref<1x10000xi32, #tpu.memory_space<hbm>>
      %dma_start3A_40 = tpu.memref_squeeze %dma_start3A_39 : memref<1x10000xi32, #tpu.memory_space<hbm>> -> memref<10000xi32, #tpu.memory_space<hbm>>
      %dma_start3A_41 = arith.constant 0 : i32
      %dma_start3A_42 = tpu.memref_slice %arg3[%add3A, %dma_start3A_41] : memref<32x10000xi32, #tpu.memory_space<hbm>> -> memref<1x10000xi32, #tpu.memory_space<hbm>>
      %dma_start3A_43 = tpu.memref_squeeze %dma_start3A_42 : memref<1x10000xi32, #tpu.memory_space<hbm>> -> memref<10000xi32, #tpu.memory_space<hbm>>
      tpu.enqueue_dma source(%dma_start3A_43 : memref<10000xi32, #tpu.memory_space<hbm>>) target(%arg7 : memref<10000xi32, #tpu.memory_space<vmem>>) target_semaphore(%run_scoped3A : memref<!tpu.dma_semaphore, #tpu.memory_space<semaphore_mem>>)
      %dma_wait3A = arith.constant 0 : i32
      %dma_wait3A_44 = tpu.memref_slice %arg3[%add3A, %dma_wait3A] : memref<32x10000xi32, #tpu.memory_space<hbm>> -> memref<1x10000xi32, #tpu.memory_space<hbm>>
      %dma_wait3A_45 = tpu.memref_squeeze %dma_wait3A_44 : memref<1x10000xi32, #tpu.memory_space<hbm>> -> memref<10000xi32, #tpu.memory_space<hbm>>
      %dma_wait3A_46 = arith.constant 0 : i32
      %dma_wait3A_47 = tpu.memref_slice %arg3[%add3A, %dma_wait3A_46] : memref<32x10000xi32, #tpu.memory_space<hbm>> -> memref<1x10000xi32, #tpu.memory_space<hbm>>
      %dma_wait3A_48 = tpu.memref_squeeze %dma_wait3A_47 : memref<1x10000xi32, #tpu.memory_space<hbm>> -> memref<10000xi32, #tpu.memory_space<hbm>>
      tpu.wait_dma2 semaphore(%run_scoped3A : memref<!tpu.dma_semaphore, #tpu.memory_space<semaphore_mem>>) src(%dma_wait3A_48 : memref<10000xi32, #tpu.memory_space<hbm>>) dst(%arg7 : memref<10000xi32, #tpu.memory_space<vmem>>)
      tpu.yield
    }) : () -> ()
    %dma_start3A = arith.constant 0 : i32
    %dma_start3A_1 = tpu.memref_slice %arg7[%dma_start3A] : memref<10000xi32, #tpu.memory_space<vmem>> -> memref<40xi32, #tpu.memory_space<vmem>>
    %dma_start3A_2 = arith.constant 0 : i32
    %dma_start3A_3 = arith.constant 0 : i32
    %dma_start3A_4 = tpu.memref_slice %arg2[%dma_start3A_2, %dma_start3A_3] : memref<10240x128xf32, #tpu.memory_space<hbm>> -> memref<10240x128xf32, #tpu.memory_space<hbm>>
    tpu.enqueue_indirect_dma source(%dma_start3A_4 : memref<10240x128xf32, #tpu.memory_space<hbm>>) target(%arg9 : memref<40x128xf32, #tpu.memory_space<vmem>>) offsets(%dma_start3A_1 : memref<40xi32, #tpu.memory_space<vmem>>) semaphore(%arg15 : memref<!tpu.dma_semaphore, #tpu.memory_space<semaphore_mem>>)
    %dma_start3A_5 = arith.constant 40 : i32
    %dma_start3A_6 = tpu.memref_slice %arg7[%dma_start3A_5] : memref<10000xi32, #tpu.memory_space<vmem>> -> memref<40xi32, #tpu.memory_space<vmem>>
    %dma_start3A_7 = arith.constant 0 : i32
    %dma_start3A_8 = arith.constant 0 : i32
    %dma_start3A_9 = tpu.memref_slice %arg2[%dma_start3A_7, %dma_start3A_8] : memref<10240x128xf32, #tpu.memory_space<hbm>> -> memref<10240x128xf32, #tpu.memory_space<hbm>>
    tpu.enqueue_indirect_dma source(%dma_start3A_9 : memref<10240x128xf32, #tpu.memory_space<hbm>>) target(%arg10 : memref<40x128xf32, #tpu.memory_space<vmem>>) offsets(%dma_start3A_6 : memref<40xi32, #tpu.memory_space<vmem>>) semaphore(%arg16 : memref<!tpu.dma_semaphore, #tpu.memory_space<semaphore_mem>>)
    %dma_start3A_10 = arith.constant 80 : i32
    %dma_start3A_11 = tpu.memref_slice %arg7[%dma_start3A_10] : memref<10000xi32, #tpu.memory_space<vmem>> -> memref<40xi32, #tpu.memory_space<vmem>>
    %dma_start3A_12 = arith.constant 0 : i32
    %dma_start3A_13 = arith.constant 0 : i32
    %dma_start3A_14 = tpu.memref_slice %arg2[%dma_start3A_12, %dma_start3A_13] : memref<10240x128xf32, #tpu.memory_space<hbm>> -> memref<10240x128xf32, #tpu.memory_space<hbm>>
    tpu.enqueue_indirect_dma source(%dma_start3A_14 : memref<10240x128xf32, #tpu.memory_space<hbm>>) target(%arg11 : memref<40x128xf32, #tpu.memory_space<vmem>>) offsets(%dma_start3A_11 : memref<40xi32, #tpu.memory_space<vmem>>) semaphore(%arg17 : memref<!tpu.dma_semaphore, #tpu.memory_space<semaphore_mem>>)
    %dma_start3A_15 = arith.constant 120 : i32
    %dma_start3A_16 = tpu.memref_slice %arg7[%dma_start3A_15] : memref<10000xi32, #tpu.memory_space<vmem>> -> memref<40xi32, #tpu.memory_space<vmem>>
    %dma_start3A_17 = arith.constant 0 : i32
    %dma_start3A_18 = arith.constant 0 : i32
    %dma_start3A_19 = tpu.memref_slice %arg2[%dma_start3A_17, %dma_start3A_18] : memref<10240x128xf32, #tpu.memory_space<hbm>> -> memref<10240x128xf32, #tpu.memory_space<hbm>>
    tpu.enqueue_indirect_dma source(%dma_start3A_19 : memref<10240x128xf32, #tpu.memory_space<hbm>>) target(%arg12 : memref<40x128xf32, #tpu.memory_space<vmem>>) offsets(%dma_start3A_16 : memref<40xi32, #tpu.memory_space<vmem>>) semaphore(%arg18 : memref<!tpu.dma_semaphore, #tpu.memory_space<semaphore_mem>>)
    %dma_start3A_20 = arith.constant 160 : i32
    %dma_start3A_21 = tpu.memref_slice %arg7[%dma_start3A_20] : memref<10000xi32, #tpu.memory_space<vmem>> -> memref<40xi32, #tpu.memory_space<vmem>>
    %dma_start3A_22 = arith.constant 0 : i32
    %dma_start3A_23 = arith.constant 0 : i32
    %dma_start3A_24 = tpu.memref_slice %arg2[%dma_start3A_22, %dma_start3A_23] : memref<10240x128xf32, #tpu.memory_space<hbm>> -> memref<10240x128xf32, #tpu.memory_space<hbm>>
    tpu.enqueue_indirect_dma source(%dma_start3A_24 : memref<10240x128xf32, #tpu.memory_space<hbm>>) target(%arg13 : memref<40x128xf32, #tpu.memory_space<vmem>>) offsets(%dma_start3A_21 : memref<40xi32, #tpu.memory_space<vmem>>) semaphore(%arg19 : memref<!tpu.dma_semaphore, #tpu.memory_space<semaphore_mem>>)
    "tpu.region"() ({
      %run_scoped3A = tpu.sem_alloc : memref<!tpu.dma_semaphore, #tpu.memory_space<semaphore_mem>>
      %dma_start3A_38 = arith.constant 0 : i32
      %dma_start3A_39 = tpu.memref_slice %arg4[%add3A, %dma_start3A_38] : memref<32x10000xi32, #tpu.memory_space<hbm>> -> memref<1x10000xi32, #tpu.memory_space<hbm>>
      %dma_start3A_40 = tpu.memref_squeeze %dma_start3A_39 : memref<1x10000xi32, #tpu.memory_space<hbm>> -> memref<10000xi32, #tpu.memory_space<hbm>>
      %dma_start3A_41 = arith.constant 0 : i32
      %dma_start3A_42 = tpu.memref_slice %arg4[%add3A, %dma_start3A_41] : memref<32x10000xi32, #tpu.memory_space<hbm>> -> memref<1x10000xi32, #tpu.memory_space<hbm>>
      %dma_start3A_43 = tpu.memref_squeeze %dma_start3A_42 : memref<1x10000xi32, #tpu.memory_space<hbm>> -> memref<10000xi32, #tpu.memory_space<hbm>>
      tpu.enqueue_dma source(%dma_start3A_43 : memref<10000xi32, #tpu.memory_space<hbm>>) target(%arg8 : memref<10000xi32, #tpu.memory_space<vmem>>) target_semaphore(%run_scoped3A : memref<!tpu.dma_semaphore, #tpu.memory_space<semaphore_mem>>)
      %dma_wait3A = arith.constant 0 : i32
      %dma_wait3A_44 = tpu.memref_slice %arg4[%add3A, %dma_wait3A] : memref<32x10000xi32, #tpu.memory_space<hbm>> -> memref<1x10000xi32, #tpu.memory_space<hbm>>
      %dma_wait3A_45 = tpu.memref_squeeze %dma_wait3A_44 : memref<1x10000xi32, #tpu.memory_space<hbm>> -> memref<10000xi32, #tpu.memory_space<hbm>>
      %dma_wait3A_46 = arith.constant 0 : i32
      %dma_wait3A_47 = tpu.memref_slice %arg4[%add3A, %dma_wait3A_46] : memref<32x10000xi32, #tpu.memory_space<hbm>> -> memref<1x10000xi32, #tpu.memory_space<hbm>>
      %dma_wait3A_48 = tpu.memref_squeeze %dma_wait3A_47 : memref<1x10000xi32, #tpu.memory_space<hbm>> -> memref<10000xi32, #tpu.memory_space<hbm>>
      tpu.wait_dma2 semaphore(%run_scoped3A : memref<!tpu.dma_semaphore, #tpu.memory_space<semaphore_mem>>) src(%dma_wait3A_48 : memref<10000xi32, #tpu.memory_space<hbm>>) dst(%arg8 : memref<10000xi32, #tpu.memory_space<vmem>>)
      tpu.yield
    }) : () -> ()
    %mul3A_25 = arith.constant 640 : i32
    %mul3A_26 = arith.muli %arg1, %mul3A_25 : i32
    "tpu.region"() ({
      %run_scoped3A = tpu.sem_alloc : memref<!tpu.dma_semaphore, #tpu.memory_space<semaphore_mem>>
      %dma_start3A_38 = arith.constant 0 : i32
      %dma_start3A_39 = tpu.memref_slice %arg14[%mul3A_26, %dma_start3A_38] : memref<10240x128xf32, #tpu.memory_space<vmem_shared>> -> memref<640x128xf32, #tpu.memory_space<vmem_shared>>
      tpu.enqueue_dma source(%arg5 : memref<640x128xf32, #tpu.memory_space<hbm>>) target(%dma_start3A_39 : memref<640x128xf32, #tpu.memory_space<vmem_shared>>) target_semaphore(%run_scoped3A : memref<!tpu.dma_semaphore, #tpu.memory_space<semaphore_mem>>)
      %dma_wait3A = arith.constant 0 : i32
      %dma_wait3A_40 = tpu.memref_slice %arg14[%mul3A_26, %dma_wait3A] : memref<10240x128xf32, #tpu.memory_space<vmem_shared>> -> memref<640x128xf32, #tpu.memory_space<vmem_shared>>
      tpu.wait_dma2 semaphore(%run_scoped3A : memref<!tpu.dma_semaphore, #tpu.memory_space<semaphore_mem>>) src(%arg5 : memref<640x128xf32, #tpu.memory_space<hbm>>) dst(%dma_wait3A_40 : memref<640x128xf32, #tpu.memory_space<vmem_shared>>)
      tpu.yield
    }) : () -> ()
    %barrier3A = arith.constant 0 : index
    tpu.barrier barrier_id(%barrier3A)
    %scan3A = arith.constant 0 : i32
    %scan3A_27 = arith.constant 0 : i32
    %scan3A_28 = arith.constant 50 : i32
    %scan3A_29 = arith.addi %scan3A_27, %scan3A_28 : i32
    %scan3A_30 = arith.constant 1 : i32
    %scan3A_31 = scf.for %scan3A_38 = %scan3A_27 to %scan3A_29 step %scan3A_30 iter_args(%scan3A_39 = %scan3A) -> (i32)  : i32 {
      %mul3A_40 = arith.constant 5 : i32
      %mul3A_41 = arith.muli %scan3A_38, %mul3A_40 : i32
      %add3A_42 = arith.constant 0 : i32
      %add3A_43 = arith.addi %mul3A_41, %add3A_42 : i32
      %mul3A_44 = arith.constant 40 : i32
      %mul3A_45 = arith.muli %add3A_43, %mul3A_44 : i32
      %dma_wait3A = tpu.memref_slice %arg7[%mul3A_45] : memref<10000xi32, #tpu.memory_space<vmem>> -> memref<40xi32, #tpu.memory_space<vmem>>
      %dma_wait3A_46 = arith.constant 0 : i32
      %dma_wait3A_47 = arith.constant 0 : i32
      %dma_wait3A_48 = tpu.memref_slice %arg2[%dma_wait3A_46, %dma_wait3A_47] : memref<10240x128xf32, #tpu.memory_space<hbm>> -> memref<10240x128xf32, #tpu.memory_space<hbm>>
      tpu.wait_indirect_dma semaphore(%arg15 : memref<!tpu.dma_semaphore, #tpu.memory_space<semaphore_mem>>) src(%dma_wait3A_48 : memref<10240x128xf32, #tpu.memory_space<hbm>>) dst(%arg9 : memref<40x128xf32, #tpu.memory_space<vmem>>)
      %add3A_49 = arith.constant 0 : i32
      %add3A_50 = arith.addi %mul3A_41, %add3A_49 : i32
      %mul3A_51 = arith.constant 40 : i32
      %mul3A_52 = arith.muli %add3A_50, %mul3A_51 : i32
      %dma_start3A_53 = tpu.memref_slice %arg8[%mul3A_52] : memref<10000xi32, #tpu.memory_space<vmem>> -> memref<40xi32, #tpu.memory_space<vmem>>
      %dma_start3A_54 = arith.constant 0 : i32
      %dma_start3A_55 = arith.constant 0 : i32
      %dma_start3A_56 = tpu.memref_slice %arg14[%dma_start3A_54, %dma_start3A_55] : memref<10240x128xf32, #tpu.memory_space<vmem_shared>> -> memref<10240x128xf32, #tpu.memory_space<vmem_shared>>
      tpu.enqueue_indirect_dma source(%arg9 : memref<40x128xf32, #tpu.memory_space<vmem>>) target(%dma_start3A_56 : memref<10240x128xf32, #tpu.memory_space<vmem_shared>>) offsets(%dma_start3A_53 : memref<40xi32, #tpu.memory_space<vmem>>) semaphore(%arg20 : memref<!tpu.dma_semaphore, #tpu.memory_space<semaphore_mem>>) {add = true}
      %add3A_57 = arith.constant 1 : i32
      %add3A_58 = arith.addi %mul3A_41, %add3A_57 : i32
      %mul3A_59 = arith.constant 40 : i32
      %mul3A_60 = arith.muli %add3A_58, %mul3A_59 : i32
      %dma_wait3A_61 = tpu.memref_slice %arg7[%mul3A_60] : memref<10000xi32, #tpu.memory_space<vmem>> -> memref<40xi32, #tpu.memory_space<vmem>>
      %dma_wait3A_62 = arith.constant 0 : i32
      %dma_wait3A_63 = arith.constant 0 : i32
      %dma_wait3A_64 = tpu.memref_slice %arg2[%dma_wait3A_62, %dma_wait3A_63] : memref<10240x128xf32, #tpu.memory_space<hbm>> -> memref<10240x128xf32, #tpu.memory_space<hbm>>
      tpu.wait_indirect_dma semaphore(%arg16 : memref<!tpu.dma_semaphore, #tpu.memory_space<semaphore_mem>>) src(%dma_wait3A_64 : memref<10240x128xf32, #tpu.memory_space<hbm>>) dst(%arg10 : memref<40x128xf32, #tpu.memory_space<vmem>>)
      %add3A_65 = arith.constant 1 : i32
      %add3A_66 = arith.addi %mul3A_41, %add3A_65 : i32
      %mul3A_67 = arith.constant 40 : i32
      %mul3A_68 = arith.muli %add3A_66, %mul3A_67 : i32
      %dma_start3A_69 = tpu.memref_slice %arg8[%mul3A_68] : memref<10000xi32, #tpu.memory_space<vmem>> -> memref<40xi32, #tpu.memory_space<vmem>>
      %dma_start3A_70 = arith.constant 0 : i32
      %dma_start3A_71 = arith.constant 0 : i32
      %dma_start3A_72 = tpu.memref_slice %arg14[%dma_start3A_70, %dma_start3A_71] : memref<10240x128xf32, #tpu.memory_space<vmem_shared>> -> memref<10240x128xf32, #tpu.memory_space<vmem_shared>>
      tpu.enqueue_indirect_dma source(%arg10 : memref<40x128xf32, #tpu.memory_space<vmem>>) target(%dma_start3A_72 : memref<10240x128xf32, #tpu.memory_space<vmem_shared>>) offsets(%dma_start3A_69 : memref<40xi32, #tpu.memory_space<vmem>>) semaphore(%arg21 : memref<!tpu.dma_semaphore, #tpu.memory_space<semaphore_mem>>) {add = true}
      %add3A_73 = arith.constant 2 : i32
      %add3A_74 = arith.addi %mul3A_41, %add3A_73 : i32
      %mul3A_75 = arith.constant 40 : i32
      %mul3A_76 = arith.muli %add3A_74, %mul3A_75 : i32
      %dma_wait3A_77 = tpu.memref_slice %arg7[%mul3A_76] : memref<10000xi32, #tpu.memory_space<vmem>> -> memref<40xi32, #tpu.memory_space<vmem>>
      %dma_wait3A_78 = arith.constant 0 : i32
      %dma_wait3A_79 = arith.constant 0 : i32
      %dma_wait3A_80 = tpu.memref_slice %arg2[%dma_wait3A_78, %dma_wait3A_79] : memref<10240x128xf32, #tpu.memory_space<hbm>> -> memref<10240x128xf32, #tpu.memory_space<hbm>>
      tpu.wait_indirect_dma semaphore(%arg17 : memref<!tpu.dma_semaphore, #tpu.memory_space<semaphore_mem>>) src(%dma_wait3A_80 : memref<10240x128xf32, #tpu.memory_space<hbm>>) dst(%arg11 : memref<40x128xf32, #tpu.memory_space<vmem>>)
      %add3A_81 = arith.constant 2 : i32
      %add3A_82 = arith.addi %mul3A_41, %add3A_81 : i32
      %mul3A_83 = arith.constant 40 : i32
      %mul3A_84 = arith.muli %add3A_82, %mul3A_83 : i32
      %dma_start3A_85 = tpu.memref_slice %arg8[%mul3A_84] : memref<10000xi32, #tpu.memory_space<vmem>> -> memref<40xi32, #tpu.memory_space<vmem>>
      %dma_start3A_86 = arith.constant 0 : i32
      %dma_start3A_87 = arith.constant 0 : i32
      %dma_start3A_88 = tpu.memref_slice %arg14[%dma_start3A_86, %dma_start3A_87] : memref<10240x128xf32, #tpu.memory_space<vmem_shared>> -> memref<10240x128xf32, #tpu.memory_space<vmem_shared>>
      tpu.enqueue_indirect_dma source(%arg11 : memref<40x128xf32, #tpu.memory_space<vmem>>) target(%dma_start3A_88 : memref<10240x128xf32, #tpu.memory_space<vmem_shared>>) offsets(%dma_start3A_85 : memref<40xi32, #tpu.memory_space<vmem>>) semaphore(%arg22 : memref<!tpu.dma_semaphore, #tpu.memory_space<semaphore_mem>>) {add = true}
      %add3A_89 = arith.constant 3 : i32
      %add3A_90 = arith.addi %mul3A_41, %add3A_89 : i32
      %mul3A_91 = arith.constant 40 : i32
      %mul3A_92 = arith.muli %add3A_90, %mul3A_91 : i32
      %dma_wait3A_93 = tpu.memref_slice %arg7[%mul3A_92] : memref<10000xi32, #tpu.memory_space<vmem>> -> memref<40xi32, #tpu.memory_space<vmem>>
      %dma_wait3A_94 = arith.constant 0 : i32
      %dma_wait3A_95 = arith.constant 0 : i32
      %dma_wait3A_96 = tpu.memref_slice %arg2[%dma_wait3A_94, %dma_wait3A_95] : memref<10240x128xf32, #tpu.memory_space<hbm>> -> memref<10240x128xf32, #tpu.memory_space<hbm>>
      tpu.wait_indirect_dma semaphore(%arg18 : memref<!tpu.dma_semaphore, #tpu.memory_space<semaphore_mem>>) src(%dma_wait3A_96 : memref<10240x128xf32, #tpu.memory_space<hbm>>) dst(%arg12 : memref<40x128xf32, #tpu.memory_space<vmem>>)
      %add3A_97 = arith.constant 3 : i32
      %add3A_98 = arith.addi %mul3A_41, %add3A_97 : i32
      %mul3A_99 = arith.constant 40 : i32
      %mul3A_100 = arith.muli %add3A_98, %mul3A_99 : i32
      %dma_start3A_101 = tpu.memref_slice %arg8[%mul3A_100] : memref<10000xi32, #tpu.memory_space<vmem>> -> memref<40xi32, #tpu.memory_space<vmem>>
      %dma_start3A_102 = arith.constant 0 : i32
      %dma_start3A_103 = arith.constant 0 : i32
      %dma_start3A_104 = tpu.memref_slice %arg14[%dma_start3A_102, %dma_start3A_103] : memref<10240x128xf32, #tpu.memory_space<vmem_shared>> -> memref<10240x128xf32, #tpu.memory_space<vmem_shared>>
      tpu.enqueue_indirect_dma source(%arg12 : memref<40x128xf32, #tpu.memory_space<vmem>>) target(%dma_start3A_104 : memref<10240x128xf32, #tpu.memory_space<vmem_shared>>) offsets(%dma_start3A_101 : memref<40xi32, #tpu.memory_space<vmem>>) semaphore(%arg23 : memref<!tpu.dma_semaphore, #tpu.memory_space<semaphore_mem>>) {add = true}
      %add3A_105 = arith.constant 4 : i32
      %add3A_106 = arith.addi %mul3A_41, %add3A_105 : i32
      %mul3A_107 = arith.constant 40 : i32
      %mul3A_108 = arith.muli %add3A_106, %mul3A_107 : i32
      %dma_wait3A_109 = tpu.memref_slice %arg7[%mul3A_108] : memref<10000xi32, #tpu.memory_space<vmem>> -> memref<40xi32, #tpu.memory_space<vmem>>
      %dma_wait3A_110 = arith.constant 0 : i32
      %dma_wait3A_111 = arith.constant 0 : i32
      %dma_wait3A_112 = tpu.memref_slice %arg2[%dma_wait3A_110, %dma_wait3A_111] : memref<10240x128xf32, #tpu.memory_space<hbm>> -> memref<10240x128xf32, #tpu.memory_space<hbm>>
      tpu.wait_indirect_dma semaphore(%arg19 : memref<!tpu.dma_semaphore, #tpu.memory_space<semaphore_mem>>) src(%dma_wait3A_112 : memref<10240x128xf32, #tpu.memory_space<hbm>>) dst(%arg13 : memref<40x128xf32, #tpu.memory_space<vmem>>)
      %add3A_113 = arith.constant 4 : i32
      %add3A_114 = arith.addi %mul3A_41, %add3A_113 : i32
      %mul3A_115 = arith.constant 40 : i32
      %mul3A_116 = arith.muli %add3A_114, %mul3A_115 : i32
      %dma_start3A_117 = tpu.memref_slice %arg8[%mul3A_116] : memref<10000xi32, #tpu.memory_space<vmem>> -> memref<40xi32, #tpu.memory_space<vmem>>
      %dma_start3A_118 = arith.constant 0 : i32
      %dma_start3A_119 = arith.constant 0 : i32
      %dma_start3A_120 = tpu.memref_slice %arg14[%dma_start3A_118, %dma_start3A_119] : memref<10240x128xf32, #tpu.memory_space<vmem_shared>> -> memref<10240x128xf32, #tpu.memory_space<vmem_shared>>
      tpu.enqueue_indirect_dma source(%arg13 : memref<40x128xf32, #tpu.memory_space<vmem>>) target(%dma_start3A_120 : memref<10240x128xf32, #tpu.memory_space<vmem_shared>>) offsets(%dma_start3A_117 : memref<40xi32, #tpu.memory_space<vmem>>) semaphore(%arg24 : memref<!tpu.dma_semaphore, #tpu.memory_space<semaphore_mem>>) {add = true}
      %add3A_121 = arith.constant 0 : i32
      %add3A_122 = arith.addi %mul3A_41, %add3A_121 : i32
      %mul3A_123 = arith.constant 40 : i32
      %mul3A_124 = arith.muli %add3A_122, %mul3A_123 : i32
      %dma_wait3A_125 = tpu.memref_slice %arg8[%mul3A_124] : memref<10000xi32, #tpu.memory_space<vmem>> -> memref<40xi32, #tpu.memory_space<vmem>>
      %dma_wait3A_126 = arith.constant 0 : i32
      %dma_wait3A_127 = arith.constant 0 : i32
      %dma_wait3A_128 = tpu.memref_slice %arg14[%dma_wait3A_126, %dma_wait3A_127] : memref<10240x128xf32, #tpu.memory_space<vmem_shared>> -> memref<10240x128xf32, #tpu.memory_space<vmem_shared>>
      tpu.wait_indirect_dma semaphore(%arg20 : memref<!tpu.dma_semaphore, #tpu.memory_space<semaphore_mem>>) src(%arg9 : memref<40x128xf32, #tpu.memory_space<vmem>>) dst(%dma_wait3A_128 : memref<10240x128xf32, #tpu.memory_space<vmem_shared>>)
      %add3A_129 = arith.constant 5 : i32
      %add3A_130 = arith.addi %mul3A_41, %add3A_129 : i32
      %add3A_131 = arith.constant 0 : i32
      %add3A_132 = arith.addi %add3A_130, %add3A_131 : i32
      %lt3A = arith.constant 250 : i32
      %lt3A_133 = arith.cmpi slt, %add3A_132, %lt3A : i32
      %convert_element_type3A = arith.extui %lt3A_133 : i1 to i32
      %cond3A = arith.constant 0 : i32
      %cond3A_134 = arith.cmpi ne, %convert_element_type3A, %cond3A : i32
      scf.if %cond3A_134 {
        %add3A_204 = arith.constant 5 : i32
        %add3A_205 = arith.addi %mul3A_41, %add3A_204 : i32
        %add3A_206 = arith.constant 0 : i32
        %add3A_207 = arith.addi %add3A_205, %add3A_206 : i32
        %mul3A_208 = arith.constant 40 : i32
        %mul3A_209 = arith.muli %add3A_207, %mul3A_208 : i32
        %dma_start3A_210 = tpu.memref_slice %arg7[%mul3A_209] : memref<10000xi32, #tpu.memory_space<vmem>> -> memref<40xi32, #tpu.memory_space<vmem>>
        %dma_start3A_211 = arith.constant 0 : i32
        %dma_start3A_212 = arith.constant 0 : i32
        %dma_start3A_213 = tpu.memref_slice %arg2[%dma_start3A_211, %dma_start3A_212] : memref<10240x128xf32, #tpu.memory_space<hbm>> -> memref<10240x128xf32, #tpu.memory_space<hbm>>
        tpu.enqueue_indirect_dma source(%dma_start3A_213 : memref<10240x128xf32, #tpu.memory_space<hbm>>) target(%arg9 : memref<40x128xf32, #tpu.memory_space<vmem>>) offsets(%dma_start3A_210 : memref<40xi32, #tpu.memory_space<vmem>>) semaphore(%arg15 : memref<!tpu.dma_semaphore, #tpu.memory_space<semaphore_mem>>)
      } else {
      }
      %add3A_135 = arith.constant 1 : i32
      %add3A_136 = arith.addi %mul3A_41, %add3A_135 : i32
      %mul3A_137 = arith.constant 40 : i32
      %mul3A_138 = arith.muli %add3A_136, %mul3A_137 : i32
      %dma_wait3A_139 = tpu.memref_slice %arg8[%mul3A_138] : memref<10000xi32, #tpu.memory_space<vmem>> -> memref<40xi32, #tpu.memory_space<vmem>>
      %dma_wait3A_140 = arith.constant 0 : i32
      %dma_wait3A_141 = arith.constant 0 : i32
      %dma_wait3A_142 = tpu.memref_slice %arg14[%dma_wait3A_140, %dma_wait3A_141] : memref<10240x128xf32, #tpu.memory_space<vmem_shared>> -> memref<10240x128xf32, #tpu.memory_space<vmem_shared>>
      tpu.wait_indirect_dma semaphore(%arg21 : memref<!tpu.dma_semaphore, #tpu.memory_space<semaphore_mem>>) src(%arg10 : memref<40x128xf32, #tpu.memory_space<vmem>>) dst(%dma_wait3A_142 : memref<10240x128xf32, #tpu.memory_space<vmem_shared>>)
      %add3A_143 = arith.constant 5 : i32
      %add3A_144 = arith.addi %mul3A_41, %add3A_143 : i32
      %add3A_145 = arith.constant 1 : i32
      %add3A_146 = arith.addi %add3A_144, %add3A_145 : i32
      %lt3A_147 = arith.constant 250 : i32
      %lt3A_148 = arith.cmpi slt, %add3A_146, %lt3A_147 : i32
      %convert_element_type3A_149 = arith.extui %lt3A_148 : i1 to i32
      %cond3A_150 = arith.constant 0 : i32
      %cond3A_151 = arith.cmpi ne, %convert_element_type3A_149, %cond3A_150 : i32
      scf.if %cond3A_151 {
        %add3A_204 = arith.constant 5 : i32
        %add3A_205 = arith.addi %mul3A_41, %add3A_204 : i32
        %add3A_206 = arith.constant 1 : i32
        %add3A_207 = arith.addi %add3A_205, %add3A_206 : i32
        %mul3A_208 = arith.constant 40 : i32
        %mul3A_209 = arith.muli %add3A_207, %mul3A_208 : i32
        %dma_start3A_210 = tpu.memref_slice %arg7[%mul3A_209] : memref<10000xi32, #tpu.memory_space<vmem>> -> memref<40xi32, #tpu.memory_space<vmem>>
        %dma_start3A_211 = arith.constant 0 : i32
        %dma_start3A_212 = arith.constant 0 : i32
        %dma_start3A_213 = tpu.memref_slice %arg2[%dma_start3A_211, %dma_start3A_212] : memref<10240x128xf32, #tpu.memory_space<hbm>> -> memref<10240x128xf32, #tpu.memory_space<hbm>>
        tpu.enqueue_indirect_dma source(%dma_start3A_213 : memref<10240x128xf32, #tpu.memory_space<hbm>>) target(%arg10 : memref<40x128xf32, #tpu.memory_space<vmem>>) offsets(%dma_start3A_210 : memref<40xi32, #tpu.memory_space<vmem>>) semaphore(%arg16 : memref<!tpu.dma_semaphore, #tpu.memory_space<semaphore_mem>>)
      } else {
      }
      %add3A_152 = arith.constant 2 : i32
      %add3A_153 = arith.addi %mul3A_41, %add3A_152 : i32
      %mul3A_154 = arith.constant 40 : i32
      %mul3A_155 = arith.muli %add3A_153, %mul3A_154 : i32
      %dma_wait3A_156 = tpu.memref_slice %arg8[%mul3A_155] : memref<10000xi32, #tpu.memory_space<vmem>> -> memref<40xi32, #tpu.memory_space<vmem>>
      %dma_wait3A_157 = arith.constant 0 : i32
      %dma_wait3A_158 = arith.constant 0 : i32
      %dma_wait3A_159 = tpu.memref_slice %arg14[%dma_wait3A_157, %dma_wait3A_158] : memref<10240x128xf32, #tpu.memory_space<vmem_shared>> -> memref<10240x128xf32, #tpu.memory_space<vmem_shared>>
      tpu.wait_indirect_dma semaphore(%arg22 : memref<!tpu.dma_semaphore, #tpu.memory_space<semaphore_mem>>) src(%arg11 : memref<40x128xf32, #tpu.memory_space<vmem>>) dst(%dma_wait3A_159 : memref<10240x128xf32, #tpu.memory_space<vmem_shared>>)
      %add3A_160 = arith.constant 5 : i32
      %add3A_161 = arith.addi %mul3A_41, %add3A_160 : i32
      %add3A_162 = arith.constant 2 : i32
      %add3A_163 = arith.addi %add3A_161, %add3A_162 : i32
      %lt3A_164 = arith.constant 250 : i32
      %lt3A_165 = arith.cmpi slt, %add3A_163, %lt3A_164 : i32
      %convert_element_type3A_166 = arith.extui %lt3A_165 : i1 to i32
      %cond3A_167 = arith.constant 0 : i32
      %cond3A_168 = arith.cmpi ne, %convert_element_type3A_166, %cond3A_167 : i32
      scf.if %cond3A_168 {
        %add3A_204 = arith.constant 5 : i32
        %add3A_205 = arith.addi %mul3A_41, %add3A_204 : i32
        %add3A_206 = arith.constant 2 : i32
        %add3A_207 = arith.addi %add3A_205, %add3A_206 : i32
        %mul3A_208 = arith.constant 40 : i32
        %mul3A_209 = arith.muli %add3A_207, %mul3A_208 : i32
        %dma_start3A_210 = tpu.memref_slice %arg7[%mul3A_209] : memref<10000xi32, #tpu.memory_space<vmem>> -> memref<40xi32, #tpu.memory_space<vmem>>
        %dma_start3A_211 = arith.constant 0 : i32
        %dma_start3A_212 = arith.constant 0 : i32
        %dma_start3A_213 = tpu.memref_slice %arg2[%dma_start3A_211, %dma_start3A_212] : memref<10240x128xf32, #tpu.memory_space<hbm>> -> memref<10240x128xf32, #tpu.memory_space<hbm>>
        tpu.enqueue_indirect_dma source(%dma_start3A_213 : memref<10240x128xf32, #tpu.memory_space<hbm>>) target(%arg11 : memref<40x128xf32, #tpu.memory_space<vmem>>) offsets(%dma_start3A_210 : memref<40xi32, #tpu.memory_space<vmem>>) semaphore(%arg17 : memref<!tpu.dma_semaphore, #tpu.memory_space<semaphore_mem>>)
      } else {
      }
      %add3A_169 = arith.constant 3 : i32
      %add3A_170 = arith.addi %mul3A_41, %add3A_169 : i32
      %mul3A_171 = arith.constant 40 : i32
      %mul3A_172 = arith.muli %add3A_170, %mul3A_171 : i32
      %dma_wait3A_173 = tpu.memref_slice %arg8[%mul3A_172] : memref<10000xi32, #tpu.memory_space<vmem>> -> memref<40xi32, #tpu.memory_space<vmem>>
      %dma_wait3A_174 = arith.constant 0 : i32
      %dma_wait3A_175 = arith.constant 0 : i32
      %dma_wait3A_176 = tpu.memref_slice %arg14[%dma_wait3A_174, %dma_wait3A_175] : memref<10240x128xf32, #tpu.memory_space<vmem_shared>> -> memref<10240x128xf32, #tpu.memory_space<vmem_shared>>
      tpu.wait_indirect_dma semaphore(%arg23 : memref<!tpu.dma_semaphore, #tpu.memory_space<semaphore_mem>>) src(%arg12 : memref<40x128xf32, #tpu.memory_space<vmem>>) dst(%dma_wait3A_176 : memref<10240x128xf32, #tpu.memory_space<vmem_shared>>)
      %add3A_177 = arith.constant 5 : i32
      %add3A_178 = arith.addi %mul3A_41, %add3A_177 : i32
      %add3A_179 = arith.constant 3 : i32
      %add3A_180 = arith.addi %add3A_178, %add3A_179 : i32
      %lt3A_181 = arith.constant 250 : i32
      %lt3A_182 = arith.cmpi slt, %add3A_180, %lt3A_181 : i32
      %convert_element_type3A_183 = arith.extui %lt3A_182 : i1 to i32
      %cond3A_184 = arith.constant 0 : i32
      %cond3A_185 = arith.cmpi ne, %convert_element_type3A_183, %cond3A_184 : i32
      scf.if %cond3A_185 {
        %add3A_204 = arith.constant 5 : i32
        %add3A_205 = arith.addi %mul3A_41, %add3A_204 : i32
        %add3A_206 = arith.constant 3 : i32
        %add3A_207 = arith.addi %add3A_205, %add3A_206 : i32
        %mul3A_208 = arith.constant 40 : i32
        %mul3A_209 = arith.muli %add3A_207, %mul3A_208 : i32
        %dma_start3A_210 = tpu.memref_slice %arg7[%mul3A_209] : memref<10000xi32, #tpu.memory_space<vmem>> -> memref<40xi32, #tpu.memory_space<vmem>>
        %dma_start3A_211 = arith.constant 0 : i32
        %dma_start3A_212 = arith.constant 0 : i32
        %dma_start3A_213 = tpu.memref_slice %arg2[%dma_start3A_211, %dma_start3A_212] : memref<10240x128xf32, #tpu.memory_space<hbm>> -> memref<10240x128xf32, #tpu.memory_space<hbm>>
        tpu.enqueue_indirect_dma source(%dma_start3A_213 : memref<10240x128xf32, #tpu.memory_space<hbm>>) target(%arg12 : memref<40x128xf32, #tpu.memory_space<vmem>>) offsets(%dma_start3A_210 : memref<40xi32, #tpu.memory_space<vmem>>) semaphore(%arg18 : memref<!tpu.dma_semaphore, #tpu.memory_space<semaphore_mem>>)
      } else {
      }
      %add3A_186 = arith.constant 4 : i32
      %add3A_187 = arith.addi %mul3A_41, %add3A_186 : i32
      %mul3A_188 = arith.constant 40 : i32
      %mul3A_189 = arith.muli %add3A_187, %mul3A_188 : i32
      %dma_wait3A_190 = tpu.memref_slice %arg8[%mul3A_189] : memref<10000xi32, #tpu.memory_space<vmem>> -> memref<40xi32, #tpu.memory_space<vmem>>
      %dma_wait3A_191 = arith.constant 0 : i32
      %dma_wait3A_192 = arith.constant 0 : i32
      %dma_wait3A_193 = tpu.memref_slice %arg14[%dma_wait3A_191, %dma_wait3A_192] : memref<10240x128xf32, #tpu.memory_space<vmem_shared>> -> memref<10240x128xf32, #tpu.memory_space<vmem_shared>>
      tpu.wait_indirect_dma semaphore(%arg24 : memref<!tpu.dma_semaphore, #tpu.memory_space<semaphore_mem>>) src(%arg13 : memref<40x128xf32, #tpu.memory_space<vmem>>) dst(%dma_wait3A_193 : memref<10240x128xf32, #tpu.memory_space<vmem_shared>>)
      %add3A_194 = arith.constant 5 : i32
      %add3A_195 = arith.addi %mul3A_41, %add3A_194 : i32
      %add3A_196 = arith.constant 4 : i32
      %add3A_197 = arith.addi %add3A_195, %add3A_196 : i32
      %lt3A_198 = arith.constant 250 : i32
      %lt3A_199 = arith.cmpi slt, %add3A_197, %lt3A_198 : i32
      %convert_element_type3A_200 = arith.extui %lt3A_199 : i1 to i32
      %cond3A_201 = arith.constant 0 : i32
      %cond3A_202 = arith.cmpi ne, %convert_element_type3A_200, %cond3A_201 : i32
      scf.if %cond3A_202 {
        %add3A_204 = arith.constant 5 : i32
        %add3A_205 = arith.addi %mul3A_41, %add3A_204 : i32
        %add3A_206 = arith.constant 4 : i32
        %add3A_207 = arith.addi %add3A_205, %add3A_206 : i32
        %mul3A_208 = arith.constant 40 : i32
        %mul3A_209 = arith.muli %add3A_207, %mul3A_208 : i32
        %dma_start3A_210 = tpu.memref_slice %arg7[%mul3A_209] : memref<10000xi32, #tpu.memory_space<vmem>> -> memref<40xi32, #tpu.memory_space<vmem>>
        %dma_start3A_211 = arith.constant 0 : i32
        %dma_start3A_212 = arith.constant 0 : i32
        %dma_start3A_213 = tpu.memref_slice %arg2[%dma_start3A_211, %dma_start3A_212] : memref<10240x128xf32, #tpu.memory_space<hbm>> -> memref<10240x128xf32, #tpu.memory_space<hbm>>
        tpu.enqueue_indirect_dma source(%dma_start3A_213 : memref<10240x128xf32, #tpu.memory_space<hbm>>) target(%arg13 : memref<40x128xf32, #tpu.memory_space<vmem>>) offsets(%dma_start3A_210 : memref<40xi32, #tpu.memory_space<vmem>>) semaphore(%arg19 : memref<!tpu.dma_semaphore, #tpu.memory_space<semaphore_mem>>)
      } else {
      }
      %scan3A_203 = arith.constant 0 : i32
      scf.yield %scan3A_203 : i32
    }
    %scan3A_32 = arith.constant 50 : i32
    %barrier3A_33 = arith.constant 0 : index
    tpu.barrier barrier_id(%barrier3A_33)
    %mul3A_34 = arith.constant 640 : i32
    %mul3A_35 = arith.muli %arg1, %mul3A_34 : i32
    %mul3A_36 = arith.constant 640 : i32
    %mul3A_37 = arith.muli %arg1, %mul3A_36 : i32
    "tpu.region"() ({
      %run_scoped3A = tpu.sem_alloc : memref<!tpu.dma_semaphore, #tpu.memory_space<semaphore_mem>>
      %dma_start3A_38 = arith.constant 0 : i32
      %dma_start3A_39 = tpu.memref_slice %arg6[%arg0, %mul3A_37, %dma_start3A_38] : memref<2x10240x128xf32, #tpu.memory_space<hbm>> -> memref<1x640x128xf32, #tpu.memory_space<hbm>>
      %dma_start3A_40 = tpu.memref_squeeze %dma_start3A_39 : memref<1x640x128xf32, #tpu.memory_space<hbm>> -> memref<640x128xf32, #tpu.memory_space<hbm>>
      %dma_start3A_41 = arith.constant 0 : i32
      %dma_start3A_42 = tpu.memref_slice %arg14[%mul3A_35, %dma_start3A_41] : memref<10240x128xf32, #tpu.memory_space<vmem_shared>> -> memref<640x128xf32, #tpu.memory_space<vmem_shared>>
      tpu.enqueue_dma source(%dma_start3A_42 : memref<640x128xf32, #tpu.memory_space<vmem_shared>>) target(%dma_start3A_40 : memref<640x128xf32, #tpu.memory_space<hbm>>) target_semaphore(%run_scoped3A : memref<!tpu.dma_semaphore, #tpu.memory_space<semaphore_mem>>)
      %dma_wait3A = arith.constant 0 : i32
      %dma_wait3A_43 = tpu.memref_slice %arg6[%arg0, %mul3A_37, %dma_wait3A] : memref<2x10240x128xf32, #tpu.memory_space<hbm>> -> memref<1x640x128xf32, #tpu.memory_space<hbm>>
      %dma_wait3A_44 = tpu.memref_squeeze %dma_wait3A_43 : memref<1x640x128xf32, #tpu.memory_space<hbm>> -> memref<640x128xf32, #tpu.memory_space<hbm>>
      %dma_wait3A_45 = arith.constant 0 : i32
      %dma_wait3A_46 = tpu.memref_slice %arg14[%mul3A_35, %dma_wait3A_45] : memref<10240x128xf32, #tpu.memory_space<vmem_shared>> -> memref<640x128xf32, #tpu.memory_space<vmem_shared>>
      tpu.wait_dma2 semaphore(%run_scoped3A : memref<!tpu.dma_semaphore, #tpu.memory_space<semaphore_mem>>) src(%dma_wait3A_46 : memref<640x128xf32, #tpu.memory_space<vmem_shared>>) dst(%dma_wait3A_44 : memref<640x128xf32, #tpu.memory_space<hbm>>)
      tpu.yield
    }) : () -> ()
    return
  }
}

#map = affine_map<(d0, d1) -> (0, 0)>
#map1 = affine_map<(d0, d1) -> (0, 0, 0)>
module attributes {stable_mosaic.version = 14 : i64} {
  func.func @_sc_aggregate_body(%arg0: i32, %arg1: i32, %arg2: memref<10240x128xf32, #tpu.memory_space<hbm>>, %arg3: memref<32x10000xi32, #tpu.memory_space<hbm>>, %arg4: memref<32x10000xi32, #tpu.memory_space<hbm>>, %arg5: memref<640x128xf32, #tpu.memory_space<hbm>>, %arg6: memref<2x10240x128xf32, #tpu.memory_space<hbm>>, %arg7: memref<10000xi32, #tpu.memory_space<vmem>>, %arg8: memref<10000xi32, #tpu.memory_space<vmem>>, %arg9: memref<40x128xf32, #tpu.memory_space<vmem>>, %arg10: memref<40x128xf32, #tpu.memory_space<vmem>>, %arg11: memref<40x128xf32, #tpu.memory_space<vmem>>, %arg12: memref<40x128xf32, #tpu.memory_space<vmem>>, %arg13: memref<40x128xf32, #tpu.memory_space<vmem>>, %arg14: memref<10240x128xf32, #tpu.memory_space<vmem_shared>>, %arg15: memref<!tpu.dma_semaphore, #tpu.memory_space<semaphore_mem>>, %arg16: memref<!tpu.dma_semaphore, #tpu.memory_space<semaphore_mem>>, %arg17: memref<!tpu.dma_semaphore, #tpu.memory_space<semaphore_mem>>, %arg18: memref<!tpu.dma_semaphore, #tpu.memory_space<semaphore_mem>>, %arg19: memref<!tpu.dma_semaphore, #tpu.memory_space<semaphore_mem>>, %arg20: memref<!tpu.dma_semaphore, #tpu.memory_space<semaphore_mem>>, %arg21: memref<!tpu.dma_semaphore, #tpu.memory_space<semaphore_mem>>, %arg22: memref<!tpu.dma_semaphore, #tpu.memory_space<semaphore_mem>>, %arg23: memref<!tpu.dma_semaphore, #tpu.memory_space<semaphore_mem>>, %arg24: memref<!tpu.dma_semaphore, #tpu.memory_space<semaphore_mem>>) attributes {dimension_semantics = [#tpu.dimension_semantics<core_parallel>, #tpu.dimension_semantics<subcore_parallel>], iteration_bounds = array<i64: 2, 16>, scalar_prefetch = 0 : i64, scratch_operands = 18 : i64, tpu.core_type = #tpu.core_type<sc_vector_subcore>, window_params = [{transform_indices = #map}, {transform_indices = #map}, {transform_indices = #map}, {transform_indices = #map}, {transform_indices = #map1}]} {
    %mul3A = arith.constant 2 : i32
    %mul3A_0 = arith.muli %arg1, %mul3A : i32
    %add3A = arith.addi %mul3A_0, %arg0 : i32
    "tpu.region"() ({
      %run_scoped3A = tpu.sem_alloc : memref<!tpu.dma_semaphore, #tpu.memory_space<semaphore_mem>>
      %dma_start3A_38 = arith.constant 0 : i32
      %dma_start3A_39 = tpu.memref_slice %arg3[%add3A, %dma_start3A_38] : memref<32x10000xi32, #tpu.memory_space<hbm>> -> memref<1x10000xi32, #tpu.memory_space<hbm>>
      %dma_start3A_40 = tpu.memref_squeeze %dma_start3A_39 : memref<1x10000xi32, #tpu.memory_space<hbm>> -> memref<10000xi32, #tpu.memory_space<hbm>>
      %dma_start3A_41 = arith.constant 0 : i32
      %dma_start3A_42 = tpu.memref_slice %arg3[%add3A, %dma_start3A_41] : memref<32x10000xi32, #tpu.memory_space<hbm>> -> memref<1x10000xi32, #tpu.memory_space<hbm>>
      %dma_start3A_43 = tpu.memref_squeeze %dma_start3A_42 : memref<1x10000xi32, #tpu.memory_space<hbm>> -> memref<10000xi32, #tpu.memory_space<hbm>>
      tpu.enqueue_dma source(%dma_start3A_43 : memref<10000xi32, #tpu.memory_space<hbm>>) target(%arg7 : memref<10000xi32, #tpu.memory_space<vmem>>) target_semaphore(%run_scoped3A : memref<!tpu.dma_semaphore, #tpu.memory_space<semaphore_mem>>)
      %dma_wait3A = arith.constant 0 : i32
      %dma_wait3A_44 = tpu.memref_slice %arg3[%add3A, %dma_wait3A] : memref<32x10000xi32, #tpu.memory_space<hbm>> -> memref<1x10000xi32, #tpu.memory_space<hbm>>
      %dma_wait3A_45 = tpu.memref_squeeze %dma_wait3A_44 : memref<1x10000xi32, #tpu.memory_space<hbm>> -> memref<10000xi32, #tpu.memory_space<hbm>>
      %dma_wait3A_46 = arith.constant 0 : i32
      %dma_wait3A_47 = tpu.memref_slice %arg3[%add3A, %dma_wait3A_46] : memref<32x10000xi32, #tpu.memory_space<hbm>> -> memref<1x10000xi32, #tpu.memory_space<hbm>>
      %dma_wait3A_48 = tpu.memref_squeeze %dma_wait3A_47 : memref<1x10000xi32, #tpu.memory_space<hbm>> -> memref<10000xi32, #tpu.memory_space<hbm>>
      tpu.wait_dma2 semaphore(%run_scoped3A : memref<!tpu.dma_semaphore, #tpu.memory_space<semaphore_mem>>) src(%dma_wait3A_48 : memref<10000xi32, #tpu.memory_space<hbm>>) dst(%arg7 : memref<10000xi32, #tpu.memory_space<vmem>>)
      tpu.yield
    }) : () -> ()
    %dma_start3A = arith.constant 0 : i32
    %dma_start3A_1 = tpu.memref_slice %arg7[%dma_start3A] : memref<10000xi32, #tpu.memory_space<vmem>> -> memref<40xi32, #tpu.memory_space<vmem>>
    %dma_start3A_2 = arith.constant 0 : i32
    %dma_start3A_3 = arith.constant 0 : i32
    %dma_start3A_4 = tpu.memref_slice %arg2[%dma_start3A_2, %dma_start3A_3] : memref<10240x128xf32, #tpu.memory_space<hbm>> -> memref<10240x128xf32, #tpu.memory_space<hbm>>
    tpu.enqueue_indirect_dma source(%dma_start3A_4 : memref<10240x128xf32, #tpu.memory_space<hbm>>) target(%arg9 : memref<40x128xf32, #tpu.memory_space<vmem>>) offsets(%dma_start3A_1 : memref<40xi32, #tpu.memory_space<vmem>>) semaphore(%arg15 : memref<!tpu.dma_semaphore, #tpu.memory_space<semaphore_mem>>)
    %dma_start3A_5 = arith.constant 40 : i32
    %dma_start3A_6 = tpu.memref_slice %arg7[%dma_start3A_5] : memref<10000xi32, #tpu.memory_space<vmem>> -> memref<40xi32, #tpu.memory_space<vmem>>
    %dma_start3A_7 = arith.constant 0 : i32
    %dma_start3A_8 = arith.constant 0 : i32
    %dma_start3A_9 = tpu.memref_slice %arg2[%dma_start3A_7, %dma_start3A_8] : memref<10240x128xf32, #tpu.memory_space<hbm>> -> memref<10240x128xf32, #tpu.memory_space<hbm>>
    tpu.enqueue_indirect_dma source(%dma_start3A_9 : memref<10240x128xf32, #tpu.memory_space<hbm>>) target(%arg10 : memref<40x128xf32, #tpu.memory_space<vmem>>) offsets(%dma_start3A_6 : memref<40xi32, #tpu.memory_space<vmem>>) semaphore(%arg16 : memref<!tpu.dma_semaphore, #tpu.memory_space<semaphore_mem>>)
    %dma_start3A_10 = arith.constant 80 : i32
    %dma_start3A_11 = tpu.memref_slice %arg7[%dma_start3A_10] : memref<10000xi32, #tpu.memory_space<vmem>> -> memref<40xi32, #tpu.memory_space<vmem>>
    %dma_start3A_12 = arith.constant 0 : i32
    %dma_start3A_13 = arith.constant 0 : i32
    %dma_start3A_14 = tpu.memref_slice %arg2[%dma_start3A_12, %dma_start3A_13] : memref<10240x128xf32, #tpu.memory_space<hbm>> -> memref<10240x128xf32, #tpu.memory_space<hbm>>
    tpu.enqueue_indirect_dma source(%dma_start3A_14 : memref<10240x128xf32, #tpu.memory_space<hbm>>) target(%arg11 : memref<40x128xf32, #tpu.memory_space<vmem>>) offsets(%dma_start3A_11 : memref<40xi32, #tpu.memory_space<vmem>>) semaphore(%arg17 : memref<!tpu.dma_semaphore, #tpu.memory_space<semaphore_mem>>)
    %dma_start3A_15 = arith.constant 120 : i32
    %dma_start3A_16 = tpu.memref_slice %arg7[%dma_start3A_15] : memref<10000xi32, #tpu.memory_space<vmem>> -> memref<40xi32, #tpu.memory_space<vmem>>
    %dma_start3A_17 = arith.constant 0 : i32
    %dma_start3A_18 = arith.constant 0 : i32
    %dma_start3A_19 = tpu.memref_slice %arg2[%dma_start3A_17, %dma_start3A_18] : memref<10240x128xf32, #tpu.memory_space<hbm>> -> memref<10240x128xf32, #tpu.memory_space<hbm>>
    tpu.enqueue_indirect_dma source(%dma_start3A_19 : memref<10240x128xf32, #tpu.memory_space<hbm>>) target(%arg12 : memref<40x128xf32, #tpu.memory_space<vmem>>) offsets(%dma_start3A_16 : memref<40xi32, #tpu.memory_space<vmem>>) semaphore(%arg18 : memref<!tpu.dma_semaphore, #tpu.memory_space<semaphore_mem>>)
    %dma_start3A_20 = arith.constant 160 : i32
    %dma_start3A_21 = tpu.memref_slice %arg7[%dma_start3A_20] : memref<10000xi32, #tpu.memory_space<vmem>> -> memref<40xi32, #tpu.memory_space<vmem>>
    %dma_start3A_22 = arith.constant 0 : i32
    %dma_start3A_23 = arith.constant 0 : i32
    %dma_start3A_24 = tpu.memref_slice %arg2[%dma_start3A_22, %dma_start3A_23] : memref<10240x128xf32, #tpu.memory_space<hbm>> -> memref<10240x128xf32, #tpu.memory_space<hbm>>
    tpu.enqueue_indirect_dma source(%dma_start3A_24 : memref<10240x128xf32, #tpu.memory_space<hbm>>) target(%arg13 : memref<40x128xf32, #tpu.memory_space<vmem>>) offsets(%dma_start3A_21 : memref<40xi32, #tpu.memory_space<vmem>>) semaphore(%arg19 : memref<!tpu.dma_semaphore, #tpu.memory_space<semaphore_mem>>)
    "tpu.region"() ({
      %run_scoped3A = tpu.sem_alloc : memref<!tpu.dma_semaphore, #tpu.memory_space<semaphore_mem>>
      %dma_start3A_38 = arith.constant 0 : i32
      %dma_start3A_39 = tpu.memref_slice %arg4[%add3A, %dma_start3A_38] : memref<32x10000xi32, #tpu.memory_space<hbm>> -> memref<1x10000xi32, #tpu.memory_space<hbm>>
      %dma_start3A_40 = tpu.memref_squeeze %dma_start3A_39 : memref<1x10000xi32, #tpu.memory_space<hbm>> -> memref<10000xi32, #tpu.memory_space<hbm>>
      %dma_start3A_41 = arith.constant 0 : i32
      %dma_start3A_42 = tpu.memref_slice %arg4[%add3A, %dma_start3A_41] : memref<32x10000xi32, #tpu.memory_space<hbm>> -> memref<1x10000xi32, #tpu.memory_space<hbm>>
      %dma_start3A_43 = tpu.memref_squeeze %dma_start3A_42 : memref<1x10000xi32, #tpu.memory_space<hbm>> -> memref<10000xi32, #tpu.memory_space<hbm>>
      tpu.enqueue_dma source(%dma_start3A_43 : memref<10000xi32, #tpu.memory_space<hbm>>) target(%arg8 : memref<10000xi32, #tpu.memory_space<vmem>>) target_semaphore(%run_scoped3A : memref<!tpu.dma_semaphore, #tpu.memory_space<semaphore_mem>>)
      %dma_wait3A = arith.constant 0 : i32
      %dma_wait3A_44 = tpu.memref_slice %arg4[%add3A, %dma_wait3A] : memref<32x10000xi32, #tpu.memory_space<hbm>> -> memref<1x10000xi32, #tpu.memory_space<hbm>>
      %dma_wait3A_45 = tpu.memref_squeeze %dma_wait3A_44 : memref<1x10000xi32, #tpu.memory_space<hbm>> -> memref<10000xi32, #tpu.memory_space<hbm>>
      %dma_wait3A_46 = arith.constant 0 : i32
      %dma_wait3A_47 = tpu.memref_slice %arg4[%add3A, %dma_wait3A_46] : memref<32x10000xi32, #tpu.memory_space<hbm>> -> memref<1x10000xi32, #tpu.memory_space<hbm>>
      %dma_wait3A_48 = tpu.memref_squeeze %dma_wait3A_47 : memref<1x10000xi32, #tpu.memory_space<hbm>> -> memref<10000xi32, #tpu.memory_space<hbm>>
      tpu.wait_dma2 semaphore(%run_scoped3A : memref<!tpu.dma_semaphore, #tpu.memory_space<semaphore_mem>>) src(%dma_wait3A_48 : memref<10000xi32, #tpu.memory_space<hbm>>) dst(%arg8 : memref<10000xi32, #tpu.memory_space<vmem>>)
      tpu.yield
    }) : () -> ()
    %mul3A_25 = arith.constant 640 : i32
    %mul3A_26 = arith.muli %arg1, %mul3A_25 : i32
    "tpu.region"() ({
      %run_scoped3A = tpu.sem_alloc : memref<!tpu.dma_semaphore, #tpu.memory_space<semaphore_mem>>
      %dma_start3A_38 = arith.constant 0 : i32
      %dma_start3A_39 = tpu.memref_slice %arg14[%mul3A_26, %dma_start3A_38] : memref<10240x128xf32, #tpu.memory_space<vmem_shared>> -> memref<640x128xf32, #tpu.memory_space<vmem_shared>>
      tpu.enqueue_dma source(%arg5 : memref<640x128xf32, #tpu.memory_space<hbm>>) target(%dma_start3A_39 : memref<640x128xf32, #tpu.memory_space<vmem_shared>>) target_semaphore(%run_scoped3A : memref<!tpu.dma_semaphore, #tpu.memory_space<semaphore_mem>>)
      %dma_wait3A = arith.constant 0 : i32
      %dma_wait3A_40 = tpu.memref_slice %arg14[%mul3A_26, %dma_wait3A] : memref<10240x128xf32, #tpu.memory_space<vmem_shared>> -> memref<640x128xf32, #tpu.memory_space<vmem_shared>>
      tpu.wait_dma2 semaphore(%run_scoped3A : memref<!tpu.dma_semaphore, #tpu.memory_space<semaphore_mem>>) src(%arg5 : memref<640x128xf32, #tpu.memory_space<hbm>>) dst(%dma_wait3A_40 : memref<640x128xf32, #tpu.memory_space<vmem_shared>>)
      tpu.yield
    }) : () -> ()
    %barrier3A = arith.constant 0 : index
    tpu.barrier barrier_id(%barrier3A)
    %scan3A = arith.constant 0 : i32
    %scan3A_27 = arith.constant 0 : i32
    %scan3A_28 = arith.constant 50 : i32
    %scan3A_29 = arith.addi %scan3A_27, %scan3A_28 : i32
    %scan3A_30 = arith.constant 1 : i32
    %scan3A_31 = scf.for %scan3A_38 = %scan3A_27 to %scan3A_29 step %scan3A_30 iter_args(%scan3A_39 = %scan3A) -> (i32)  : i32 {
      %mul3A_40 = arith.constant 5 : i32
      %mul3A_41 = arith.muli %scan3A_38, %mul3A_40 : i32
      %add3A_42 = arith.constant 0 : i32
      %add3A_43 = arith.addi %mul3A_41, %add3A_42 : i32
      %mul3A_44 = arith.constant 40 : i32
      %mul3A_45 = arith.muli %add3A_43, %mul3A_44 : i32
      %dma_wait3A = tpu.memref_slice %arg7[%mul3A_45] : memref<10000xi32, #tpu.memory_space<vmem>> -> memref<40xi32, #tpu.memory_space<vmem>>
      %dma_wait3A_46 = arith.constant 0 : i32
      %dma_wait3A_47 = arith.constant 0 : i32
      %dma_wait3A_48 = tpu.memref_slice %arg2[%dma_wait3A_46, %dma_wait3A_47] : memref<10240x128xf32, #tpu.memory_space<hbm>> -> memref<10240x128xf32, #tpu.memory_space<hbm>>
      tpu.wait_indirect_dma semaphore(%arg15 : memref<!tpu.dma_semaphore, #tpu.memory_space<semaphore_mem>>) src(%dma_wait3A_48 : memref<10240x128xf32, #tpu.memory_space<hbm>>) dst(%arg9 : memref<40x128xf32, #tpu.memory_space<vmem>>)
      %add3A_49 = arith.constant 0 : i32
      %add3A_50 = arith.addi %mul3A_41, %add3A_49 : i32
      %mul3A_51 = arith.constant 40 : i32
      %mul3A_52 = arith.muli %add3A_50, %mul3A_51 : i32
      %dma_start3A_53 = tpu.memref_slice %arg8[%mul3A_52] : memref<10000xi32, #tpu.memory_space<vmem>> -> memref<40xi32, #tpu.memory_space<vmem>>
      %dma_start3A_54 = arith.constant 0 : i32
      %dma_start3A_55 = arith.constant 0 : i32
      %dma_start3A_56 = tpu.memref_slice %arg14[%dma_start3A_54, %dma_start3A_55] : memref<10240x128xf32, #tpu.memory_space<vmem_shared>> -> memref<10240x128xf32, #tpu.memory_space<vmem_shared>>
      tpu.enqueue_indirect_dma source(%arg9 : memref<40x128xf32, #tpu.memory_space<vmem>>) target(%dma_start3A_56 : memref<10240x128xf32, #tpu.memory_space<vmem_shared>>) offsets(%dma_start3A_53 : memref<40xi32, #tpu.memory_space<vmem>>) semaphore(%arg20 : memref<!tpu.dma_semaphore, #tpu.memory_space<semaphore_mem>>) {add = true}
      %add3A_57 = arith.constant 1 : i32
      %add3A_58 = arith.addi %mul3A_41, %add3A_57 : i32
      %mul3A_59 = arith.constant 40 : i32
      %mul3A_60 = arith.muli %add3A_58, %mul3A_59 : i32
      %dma_wait3A_61 = tpu.memref_slice %arg7[%mul3A_60] : memref<10000xi32, #tpu.memory_space<vmem>> -> memref<40xi32, #tpu.memory_space<vmem>>
      %dma_wait3A_62 = arith.constant 0 : i32
      %dma_wait3A_63 = arith.constant 0 : i32
      %dma_wait3A_64 = tpu.memref_slice %arg2[%dma_wait3A_62, %dma_wait3A_63] : memref<10240x128xf32, #tpu.memory_space<hbm>> -> memref<10240x128xf32, #tpu.memory_space<hbm>>
      tpu.wait_indirect_dma semaphore(%arg16 : memref<!tpu.dma_semaphore, #tpu.memory_space<semaphore_mem>>) src(%dma_wait3A_64 : memref<10240x128xf32, #tpu.memory_space<hbm>>) dst(%arg10 : memref<40x128xf32, #tpu.memory_space<vmem>>)
      %add3A_65 = arith.constant 1 : i32
      %add3A_66 = arith.addi %mul3A_41, %add3A_65 : i32
      %mul3A_67 = arith.constant 40 : i32
      %mul3A_68 = arith.muli %add3A_66, %mul3A_67 : i32
      %dma_start3A_69 = tpu.memref_slice %arg8[%mul3A_68] : memref<10000xi32, #tpu.memory_space<vmem>> -> memref<40xi32, #tpu.memory_space<vmem>>
      %dma_start3A_70 = arith.constant 0 : i32
      %dma_start3A_71 = arith.constant 0 : i32
      %dma_start3A_72 = tpu.memref_slice %arg14[%dma_start3A_70, %dma_start3A_71] : memref<10240x128xf32, #tpu.memory_space<vmem_shared>> -> memref<10240x128xf32, #tpu.memory_space<vmem_shared>>
      tpu.enqueue_indirect_dma source(%arg10 : memref<40x128xf32, #tpu.memory_space<vmem>>) target(%dma_start3A_72 : memref<10240x128xf32, #tpu.memory_space<vmem_shared>>) offsets(%dma_start3A_69 : memref<40xi32, #tpu.memory_space<vmem>>) semaphore(%arg21 : memref<!tpu.dma_semaphore, #tpu.memory_space<semaphore_mem>>) {add = true}
      %add3A_73 = arith.constant 2 : i32
      %add3A_74 = arith.addi %mul3A_41, %add3A_73 : i32
      %mul3A_75 = arith.constant 40 : i32
      %mul3A_76 = arith.muli %add3A_74, %mul3A_75 : i32
      %dma_wait3A_77 = tpu.memref_slice %arg7[%mul3A_76] : memref<10000xi32, #tpu.memory_space<vmem>> -> memref<40xi32, #tpu.memory_space<vmem>>
      %dma_wait3A_78 = arith.constant 0 : i32
      %dma_wait3A_79 = arith.constant 0 : i32
      %dma_wait3A_80 = tpu.memref_slice %arg2[%dma_wait3A_78, %dma_wait3A_79] : memref<10240x128xf32, #tpu.memory_space<hbm>> -> memref<10240x128xf32, #tpu.memory_space<hbm>>
      tpu.wait_indirect_dma semaphore(%arg17 : memref<!tpu.dma_semaphore, #tpu.memory_space<semaphore_mem>>) src(%dma_wait3A_80 : memref<10240x128xf32, #tpu.memory_space<hbm>>) dst(%arg11 : memref<40x128xf32, #tpu.memory_space<vmem>>)
      %add3A_81 = arith.constant 2 : i32
      %add3A_82 = arith.addi %mul3A_41, %add3A_81 : i32
      %mul3A_83 = arith.constant 40 : i32
      %mul3A_84 = arith.muli %add3A_82, %mul3A_83 : i32
      %dma_start3A_85 = tpu.memref_slice %arg8[%mul3A_84] : memref<10000xi32, #tpu.memory_space<vmem>> -> memref<40xi32, #tpu.memory_space<vmem>>
      %dma_start3A_86 = arith.constant 0 : i32
      %dma_start3A_87 = arith.constant 0 : i32
      %dma_start3A_88 = tpu.memref_slice %arg14[%dma_start3A_86, %dma_start3A_87] : memref<10240x128xf32, #tpu.memory_space<vmem_shared>> -> memref<10240x128xf32, #tpu.memory_space<vmem_shared>>
      tpu.enqueue_indirect_dma source(%arg11 : memref<40x128xf32, #tpu.memory_space<vmem>>) target(%dma_start3A_88 : memref<10240x128xf32, #tpu.memory_space<vmem_shared>>) offsets(%dma_start3A_85 : memref<40xi32, #tpu.memory_space<vmem>>) semaphore(%arg22 : memref<!tpu.dma_semaphore, #tpu.memory_space<semaphore_mem>>) {add = true}
      %add3A_89 = arith.constant 3 : i32
      %add3A_90 = arith.addi %mul3A_41, %add3A_89 : i32
      %mul3A_91 = arith.constant 40 : i32
      %mul3A_92 = arith.muli %add3A_90, %mul3A_91 : i32
      %dma_wait3A_93 = tpu.memref_slice %arg7[%mul3A_92] : memref<10000xi32, #tpu.memory_space<vmem>> -> memref<40xi32, #tpu.memory_space<vmem>>
      %dma_wait3A_94 = arith.constant 0 : i32
      %dma_wait3A_95 = arith.constant 0 : i32
      %dma_wait3A_96 = tpu.memref_slice %arg2[%dma_wait3A_94, %dma_wait3A_95] : memref<10240x128xf32, #tpu.memory_space<hbm>> -> memref<10240x128xf32, #tpu.memory_space<hbm>>
      tpu.wait_indirect_dma semaphore(%arg18 : memref<!tpu.dma_semaphore, #tpu.memory_space<semaphore_mem>>) src(%dma_wait3A_96 : memref<10240x128xf32, #tpu.memory_space<hbm>>) dst(%arg12 : memref<40x128xf32, #tpu.memory_space<vmem>>)
      %add3A_97 = arith.constant 3 : i32
      %add3A_98 = arith.addi %mul3A_41, %add3A_97 : i32
      %mul3A_99 = arith.constant 40 : i32
      %mul3A_100 = arith.muli %add3A_98, %mul3A_99 : i32
      %dma_start3A_101 = tpu.memref_slice %arg8[%mul3A_100] : memref<10000xi32, #tpu.memory_space<vmem>> -> memref<40xi32, #tpu.memory_space<vmem>>
      %dma_start3A_102 = arith.constant 0 : i32
      %dma_start3A_103 = arith.constant 0 : i32
      %dma_start3A_104 = tpu.memref_slice %arg14[%dma_start3A_102, %dma_start3A_103] : memref<10240x128xf32, #tpu.memory_space<vmem_shared>> -> memref<10240x128xf32, #tpu.memory_space<vmem_shared>>
      tpu.enqueue_indirect_dma source(%arg12 : memref<40x128xf32, #tpu.memory_space<vmem>>) target(%dma_start3A_104 : memref<10240x128xf32, #tpu.memory_space<vmem_shared>>) offsets(%dma_start3A_101 : memref<40xi32, #tpu.memory_space<vmem>>) semaphore(%arg23 : memref<!tpu.dma_semaphore, #tpu.memory_space<semaphore_mem>>) {add = true}
      %add3A_105 = arith.constant 4 : i32
      %add3A_106 = arith.addi %mul3A_41, %add3A_105 : i32
      %mul3A_107 = arith.constant 40 : i32
      %mul3A_108 = arith.muli %add3A_106, %mul3A_107 : i32
      %dma_wait3A_109 = tpu.memref_slice %arg7[%mul3A_108] : memref<10000xi32, #tpu.memory_space<vmem>> -> memref<40xi32, #tpu.memory_space<vmem>>
      %dma_wait3A_110 = arith.constant 0 : i32
      %dma_wait3A_111 = arith.constant 0 : i32
      %dma_wait3A_112 = tpu.memref_slice %arg2[%dma_wait3A_110, %dma_wait3A_111] : memref<10240x128xf32, #tpu.memory_space<hbm>> -> memref<10240x128xf32, #tpu.memory_space<hbm>>
      tpu.wait_indirect_dma semaphore(%arg19 : memref<!tpu.dma_semaphore, #tpu.memory_space<semaphore_mem>>) src(%dma_wait3A_112 : memref<10240x128xf32, #tpu.memory_space<hbm>>) dst(%arg13 : memref<40x128xf32, #tpu.memory_space<vmem>>)
      %add3A_113 = arith.constant 4 : i32
      %add3A_114 = arith.addi %mul3A_41, %add3A_113 : i32
      %mul3A_115 = arith.constant 40 : i32
      %mul3A_116 = arith.muli %add3A_114, %mul3A_115 : i32
      %dma_start3A_117 = tpu.memref_slice %arg8[%mul3A_116] : memref<10000xi32, #tpu.memory_space<vmem>> -> memref<40xi32, #tpu.memory_space<vmem>>
      %dma_start3A_118 = arith.constant 0 : i32
      %dma_start3A_119 = arith.constant 0 : i32
      %dma_start3A_120 = tpu.memref_slice %arg14[%dma_start3A_118, %dma_start3A_119] : memref<10240x128xf32, #tpu.memory_space<vmem_shared>> -> memref<10240x128xf32, #tpu.memory_space<vmem_shared>>
      tpu.enqueue_indirect_dma source(%arg13 : memref<40x128xf32, #tpu.memory_space<vmem>>) target(%dma_start3A_120 : memref<10240x128xf32, #tpu.memory_space<vmem_shared>>) offsets(%dma_start3A_117 : memref<40xi32, #tpu.memory_space<vmem>>) semaphore(%arg24 : memref<!tpu.dma_semaphore, #tpu.memory_space<semaphore_mem>>) {add = true}
      %add3A_121 = arith.constant 0 : i32
      %add3A_122 = arith.addi %mul3A_41, %add3A_121 : i32
      %mul3A_123 = arith.constant 40 : i32
      %mul3A_124 = arith.muli %add3A_122, %mul3A_123 : i32
      %dma_wait3A_125 = tpu.memref_slice %arg8[%mul3A_124] : memref<10000xi32, #tpu.memory_space<vmem>> -> memref<40xi32, #tpu.memory_space<vmem>>
      %dma_wait3A_126 = arith.constant 0 : i32
      %dma_wait3A_127 = arith.constant 0 : i32
      %dma_wait3A_128 = tpu.memref_slice %arg14[%dma_wait3A_126, %dma_wait3A_127] : memref<10240x128xf32, #tpu.memory_space<vmem_shared>> -> memref<10240x128xf32, #tpu.memory_space<vmem_shared>>
      tpu.wait_indirect_dma semaphore(%arg20 : memref<!tpu.dma_semaphore, #tpu.memory_space<semaphore_mem>>) src(%arg9 : memref<40x128xf32, #tpu.memory_space<vmem>>) dst(%dma_wait3A_128 : memref<10240x128xf32, #tpu.memory_space<vmem_shared>>)
      %add3A_129 = arith.constant 5 : i32
      %add3A_130 = arith.addi %mul3A_41, %add3A_129 : i32
      %add3A_131 = arith.constant 0 : i32
      %add3A_132 = arith.addi %add3A_130, %add3A_131 : i32
      %lt3A = arith.constant 250 : i32
      %lt3A_133 = arith.cmpi slt, %add3A_132, %lt3A : i32
      %convert_element_type3A = arith.extui %lt3A_133 : i1 to i32
      %cond3A = arith.constant 0 : i32
      %cond3A_134 = arith.cmpi ne, %convert_element_type3A, %cond3A : i32
      scf.if %cond3A_134 {
        %add3A_204 = arith.constant 5 : i32
        %add3A_205 = arith.addi %mul3A_41, %add3A_204 : i32
        %add3A_206 = arith.constant 0 : i32
        %add3A_207 = arith.addi %add3A_205, %add3A_206 : i32
        %mul3A_208 = arith.constant 40 : i32
        %mul3A_209 = arith.muli %add3A_207, %mul3A_208 : i32
        %dma_start3A_210 = tpu.memref_slice %arg7[%mul3A_209] : memref<10000xi32, #tpu.memory_space<vmem>> -> memref<40xi32, #tpu.memory_space<vmem>>
        %dma_start3A_211 = arith.constant 0 : i32
        %dma_start3A_212 = arith.constant 0 : i32
        %dma_start3A_213 = tpu.memref_slice %arg2[%dma_start3A_211, %dma_start3A_212] : memref<10240x128xf32, #tpu.memory_space<hbm>> -> memref<10240x128xf32, #tpu.memory_space<hbm>>
        tpu.enqueue_indirect_dma source(%dma_start3A_213 : memref<10240x128xf32, #tpu.memory_space<hbm>>) target(%arg9 : memref<40x128xf32, #tpu.memory_space<vmem>>) offsets(%dma_start3A_210 : memref<40xi32, #tpu.memory_space<vmem>>) semaphore(%arg15 : memref<!tpu.dma_semaphore, #tpu.memory_space<semaphore_mem>>)
      } else {
      }
      %add3A_135 = arith.constant 1 : i32
      %add3A_136 = arith.addi %mul3A_41, %add3A_135 : i32
      %mul3A_137 = arith.constant 40 : i32
      %mul3A_138 = arith.muli %add3A_136, %mul3A_137 : i32
      %dma_wait3A_139 = tpu.memref_slice %arg8[%mul3A_138] : memref<10000xi32, #tpu.memory_space<vmem>> -> memref<40xi32, #tpu.memory_space<vmem>>
      %dma_wait3A_140 = arith.constant 0 : i32
      %dma_wait3A_141 = arith.constant 0 : i32
      %dma_wait3A_142 = tpu.memref_slice %arg14[%dma_wait3A_140, %dma_wait3A_141] : memref<10240x128xf32, #tpu.memory_space<vmem_shared>> -> memref<10240x128xf32, #tpu.memory_space<vmem_shared>>
      tpu.wait_indirect_dma semaphore(%arg21 : memref<!tpu.dma_semaphore, #tpu.memory_space<semaphore_mem>>) src(%arg10 : memref<40x128xf32, #tpu.memory_space<vmem>>) dst(%dma_wait3A_142 : memref<10240x128xf32, #tpu.memory_space<vmem_shared>>)
      %add3A_143 = arith.constant 5 : i32
      %add3A_144 = arith.addi %mul3A_41, %add3A_143 : i32
      %add3A_145 = arith.constant 1 : i32
      %add3A_146 = arith.addi %add3A_144, %add3A_145 : i32
      %lt3A_147 = arith.constant 250 : i32
      %lt3A_148 = arith.cmpi slt, %add3A_146, %lt3A_147 : i32
      %convert_element_type3A_149 = arith.extui %lt3A_148 : i1 to i32
      %cond3A_150 = arith.constant 0 : i32
      %cond3A_151 = arith.cmpi ne, %convert_element_type3A_149, %cond3A_150 : i32
      scf.if %cond3A_151 {
        %add3A_204 = arith.constant 5 : i32
        %add3A_205 = arith.addi %mul3A_41, %add3A_204 : i32
        %add3A_206 = arith.constant 1 : i32
        %add3A_207 = arith.addi %add3A_205, %add3A_206 : i32
        %mul3A_208 = arith.constant 40 : i32
        %mul3A_209 = arith.muli %add3A_207, %mul3A_208 : i32
        %dma_start3A_210 = tpu.memref_slice %arg7[%mul3A_209] : memref<10000xi32, #tpu.memory_space<vmem>> -> memref<40xi32, #tpu.memory_space<vmem>>
        %dma_start3A_211 = arith.constant 0 : i32
        %dma_start3A_212 = arith.constant 0 : i32
        %dma_start3A_213 = tpu.memref_slice %arg2[%dma_start3A_211, %dma_start3A_212] : memref<10240x128xf32, #tpu.memory_space<hbm>> -> memref<10240x128xf32, #tpu.memory_space<hbm>>
        tpu.enqueue_indirect_dma source(%dma_start3A_213 : memref<10240x128xf32, #tpu.memory_space<hbm>>) target(%arg10 : memref<40x128xf32, #tpu.memory_space<vmem>>) offsets(%dma_start3A_210 : memref<40xi32, #tpu.memory_space<vmem>>) semaphore(%arg16 : memref<!tpu.dma_semaphore, #tpu.memory_space<semaphore_mem>>)
      } else {
      }
      %add3A_152 = arith.constant 2 : i32
      %add3A_153 = arith.addi %mul3A_41, %add3A_152 : i32
      %mul3A_154 = arith.constant 40 : i32
      %mul3A_155 = arith.muli %add3A_153, %mul3A_154 : i32
      %dma_wait3A_156 = tpu.memref_slice %arg8[%mul3A_155] : memref<10000xi32, #tpu.memory_space<vmem>> -> memref<40xi32, #tpu.memory_space<vmem>>
      %dma_wait3A_157 = arith.constant 0 : i32
      %dma_wait3A_158 = arith.constant 0 : i32
      %dma_wait3A_159 = tpu.memref_slice %arg14[%dma_wait3A_157, %dma_wait3A_158] : memref<10240x128xf32, #tpu.memory_space<vmem_shared>> -> memref<10240x128xf32, #tpu.memory_space<vmem_shared>>
      tpu.wait_indirect_dma semaphore(%arg22 : memref<!tpu.dma_semaphore, #tpu.memory_space<semaphore_mem>>) src(%arg11 : memref<40x128xf32, #tpu.memory_space<vmem>>) dst(%dma_wait3A_159 : memref<10240x128xf32, #tpu.memory_space<vmem_shared>>)
      %add3A_160 = arith.constant 5 : i32
      %add3A_161 = arith.addi %mul3A_41, %add3A_160 : i32
      %add3A_162 = arith.constant 2 : i32
      %add3A_163 = arith.addi %add3A_161, %add3A_162 : i32
      %lt3A_164 = arith.constant 250 : i32
      %lt3A_165 = arith.cmpi slt, %add3A_163, %lt3A_164 : i32
      %convert_element_type3A_166 = arith.extui %lt3A_165 : i1 to i32
      %cond3A_167 = arith.constant 0 : i32
      %cond3A_168 = arith.cmpi ne, %convert_element_type3A_166, %cond3A_167 : i32
      scf.if %cond3A_168 {
        %add3A_204 = arith.constant 5 : i32
        %add3A_205 = arith.addi %mul3A_41, %add3A_204 : i32
        %add3A_206 = arith.constant 2 : i32
        %add3A_207 = arith.addi %add3A_205, %add3A_206 : i32
        %mul3A_208 = arith.constant 40 : i32
        %mul3A_209 = arith.muli %add3A_207, %mul3A_208 : i32
        %dma_start3A_210 = tpu.memref_slice %arg7[%mul3A_209] : memref<10000xi32, #tpu.memory_space<vmem>> -> memref<40xi32, #tpu.memory_space<vmem>>
        %dma_start3A_211 = arith.constant 0 : i32
        %dma_start3A_212 = arith.constant 0 : i32
        %dma_start3A_213 = tpu.memref_slice %arg2[%dma_start3A_211, %dma_start3A_212] : memref<10240x128xf32, #tpu.memory_space<hbm>> -> memref<10240x128xf32, #tpu.memory_space<hbm>>
        tpu.enqueue_indirect_dma source(%dma_start3A_213 : memref<10240x128xf32, #tpu.memory_space<hbm>>) target(%arg11 : memref<40x128xf32, #tpu.memory_space<vmem>>) offsets(%dma_start3A_210 : memref<40xi32, #tpu.memory_space<vmem>>) semaphore(%arg17 : memref<!tpu.dma_semaphore, #tpu.memory_space<semaphore_mem>>)
      } else {
      }
      %add3A_169 = arith.constant 3 : i32
      %add3A_170 = arith.addi %mul3A_41, %add3A_169 : i32
      %mul3A_171 = arith.constant 40 : i32
      %mul3A_172 = arith.muli %add3A_170, %mul3A_171 : i32
      %dma_wait3A_173 = tpu.memref_slice %arg8[%mul3A_172] : memref<10000xi32, #tpu.memory_space<vmem>> -> memref<40xi32, #tpu.memory_space<vmem>>
      %dma_wait3A_174 = arith.constant 0 : i32
      %dma_wait3A_175 = arith.constant 0 : i32
      %dma_wait3A_176 = tpu.memref_slice %arg14[%dma_wait3A_174, %dma_wait3A_175] : memref<10240x128xf32, #tpu.memory_space<vmem_shared>> -> memref<10240x128xf32, #tpu.memory_space<vmem_shared>>
      tpu.wait_indirect_dma semaphore(%arg23 : memref<!tpu.dma_semaphore, #tpu.memory_space<semaphore_mem>>) src(%arg12 : memref<40x128xf32, #tpu.memory_space<vmem>>) dst(%dma_wait3A_176 : memref<10240x128xf32, #tpu.memory_space<vmem_shared>>)
      %add3A_177 = arith.constant 5 : i32
      %add3A_178 = arith.addi %mul3A_41, %add3A_177 : i32
      %add3A_179 = arith.constant 3 : i32
      %add3A_180 = arith.addi %add3A_178, %add3A_179 : i32
      %lt3A_181 = arith.constant 250 : i32
      %lt3A_182 = arith.cmpi slt, %add3A_180, %lt3A_181 : i32
      %convert_element_type3A_183 = arith.extui %lt3A_182 : i1 to i32
      %cond3A_184 = arith.constant 0 : i32
      %cond3A_185 = arith.cmpi ne, %convert_element_type3A_183, %cond3A_184 : i32
      scf.if %cond3A_185 {
        %add3A_204 = arith.constant 5 : i32
        %add3A_205 = arith.addi %mul3A_41, %add3A_204 : i32
        %add3A_206 = arith.constant 3 : i32
        %add3A_207 = arith.addi %add3A_205, %add3A_206 : i32
        %mul3A_208 = arith.constant 40 : i32
        %mul3A_209 = arith.muli %add3A_207, %mul3A_208 : i32
        %dma_start3A_210 = tpu.memref_slice %arg7[%mul3A_209] : memref<10000xi32, #tpu.memory_space<vmem>> -> memref<40xi32, #tpu.memory_space<vmem>>
        %dma_start3A_211 = arith.constant 0 : i32
        %dma_start3A_212 = arith.constant 0 : i32
        %dma_start3A_213 = tpu.memref_slice %arg2[%dma_start3A_211, %dma_start3A_212] : memref<10240x128xf32, #tpu.memory_space<hbm>> -> memref<10240x128xf32, #tpu.memory_space<hbm>>
        tpu.enqueue_indirect_dma source(%dma_start3A_213 : memref<10240x128xf32, #tpu.memory_space<hbm>>) target(%arg12 : memref<40x128xf32, #tpu.memory_space<vmem>>) offsets(%dma_start3A_210 : memref<40xi32, #tpu.memory_space<vmem>>) semaphore(%arg18 : memref<!tpu.dma_semaphore, #tpu.memory_space<semaphore_mem>>)
      } else {
      }
      %add3A_186 = arith.constant 4 : i32
      %add3A_187 = arith.addi %mul3A_41, %add3A_186 : i32
      %mul3A_188 = arith.constant 40 : i32
      %mul3A_189 = arith.muli %add3A_187, %mul3A_188 : i32
      %dma_wait3A_190 = tpu.memref_slice %arg8[%mul3A_189] : memref<10000xi32, #tpu.memory_space<vmem>> -> memref<40xi32, #tpu.memory_space<vmem>>
      %dma_wait3A_191 = arith.constant 0 : i32
      %dma_wait3A_192 = arith.constant 0 : i32
      %dma_wait3A_193 = tpu.memref_slice %arg14[%dma_wait3A_191, %dma_wait3A_192] : memref<10240x128xf32, #tpu.memory_space<vmem_shared>> -> memref<10240x128xf32, #tpu.memory_space<vmem_shared>>
      tpu.wait_indirect_dma semaphore(%arg24 : memref<!tpu.dma_semaphore, #tpu.memory_space<semaphore_mem>>) src(%arg13 : memref<40x128xf32, #tpu.memory_space<vmem>>) dst(%dma_wait3A_193 : memref<10240x128xf32, #tpu.memory_space<vmem_shared>>)
      %add3A_194 = arith.constant 5 : i32
      %add3A_195 = arith.addi %mul3A_41, %add3A_194 : i32
      %add3A_196 = arith.constant 4 : i32
      %add3A_197 = arith.addi %add3A_195, %add3A_196 : i32
      %lt3A_198 = arith.constant 250 : i32
      %lt3A_199 = arith.cmpi slt, %add3A_197, %lt3A_198 : i32
      %convert_element_type3A_200 = arith.extui %lt3A_199 : i1 to i32
      %cond3A_201 = arith.constant 0 : i32
      %cond3A_202 = arith.cmpi ne, %convert_element_type3A_200, %cond3A_201 : i32
      scf.if %cond3A_202 {
        %add3A_204 = arith.constant 5 : i32
        %add3A_205 = arith.addi %mul3A_41, %add3A_204 : i32
        %add3A_206 = arith.constant 4 : i32
        %add3A_207 = arith.addi %add3A_205, %add3A_206 : i32
        %mul3A_208 = arith.constant 40 : i32
        %mul3A_209 = arith.muli %add3A_207, %mul3A_208 : i32
        %dma_start3A_210 = tpu.memref_slice %arg7[%mul3A_209] : memref<10000xi32, #tpu.memory_space<vmem>> -> memref<40xi32, #tpu.memory_space<vmem>>
        %dma_start3A_211 = arith.constant 0 : i32
        %dma_start3A_212 = arith.constant 0 : i32
        %dma_start3A_213 = tpu.memref_slice %arg2[%dma_start3A_211, %dma_start3A_212] : memref<10240x128xf32, #tpu.memory_space<hbm>> -> memref<10240x128xf32, #tpu.memory_space<hbm>>
        tpu.enqueue_indirect_dma source(%dma_start3A_213 : memref<10240x128xf32, #tpu.memory_space<hbm>>) target(%arg13 : memref<40x128xf32, #tpu.memory_space<vmem>>) offsets(%dma_start3A_210 : memref<40xi32, #tpu.memory_space<vmem>>) semaphore(%arg19 : memref<!tpu.dma_semaphore, #tpu.memory_space<semaphore_mem>>)
      } else {
      }
      %scan3A_203 = arith.constant 0 : i32
      scf.yield %scan3A_203 : i32
    }
    %scan3A_32 = arith.constant 50 : i32
    %barrier3A_33 = arith.constant 0 : index
    tpu.barrier barrier_id(%barrier3A_33)
    %mul3A_34 = arith.constant 640 : i32
    %mul3A_35 = arith.muli %arg1, %mul3A_34 : i32
    %mul3A_36 = arith.constant 640 : i32
    %mul3A_37 = arith.muli %arg1, %mul3A_36 : i32
    "tpu.region"() ({
      %run_scoped3A = tpu.sem_alloc : memref<!tpu.dma_semaphore, #tpu.memory_space<semaphore_mem>>
      %dma_start3A_38 = arith.constant 0 : i32
      %dma_start3A_39 = tpu.memref_slice %arg6[%arg0, %mul3A_37, %dma_start3A_38] : memref<2x10240x128xf32, #tpu.memory_space<hbm>> -> memref<1x640x128xf32, #tpu.memory_space<hbm>>
      %dma_start3A_40 = tpu.memref_squeeze %dma_start3A_39 : memref<1x640x128xf32, #tpu.memory_space<hbm>> -> memref<640x128xf32, #tpu.memory_space<hbm>>
      %dma_start3A_41 = arith.constant 0 : i32
      %dma_start3A_42 = tpu.memref_slice %arg14[%mul3A_35, %dma_start3A_41] : memref<10240x128xf32, #tpu.memory_space<vmem_shared>> -> memref<640x128xf32, #tpu.memory_space<vmem_shared>>
      tpu.enqueue_dma source(%dma_start3A_42 : memref<640x128xf32, #tpu.memory_space<vmem_shared>>) target(%dma_start3A_40 : memref<640x128xf32, #tpu.memory_space<hbm>>) target_semaphore(%run_scoped3A : memref<!tpu.dma_semaphore, #tpu.memory_space<semaphore_mem>>)
      %dma_wait3A = arith.constant 0 : i32
      %dma_wait3A_43 = tpu.memref_slice %arg6[%arg0, %mul3A_37, %dma_wait3A] : memref<2x10240x128xf32, #tpu.memory_space<hbm>> -> memref<1x640x128xf32, #tpu.memory_space<hbm>>
      %dma_wait3A_44 = tpu.memref_squeeze %dma_wait3A_43 : memref<1x640x128xf32, #tpu.memory_space<hbm>> -> memref<640x128xf32, #tpu.memory_space<hbm>>
      %dma_wait3A_45 = arith.constant 0 : i32
      %dma_wait3A_46 = tpu.memref_slice %arg14[%mul3A_35, %dma_wait3A_45] : memref<10240x128xf32, #tpu.memory_space<vmem_shared>> -> memref<640x128xf32, #tpu.memory_space<vmem_shared>>
      tpu.wait_dma2 semaphore(%run_scoped3A : memref<!tpu.dma_semaphore, #tpu.memory_space<semaphore_mem>>) src(%dma_wait3A_46 : memref<640x128xf32, #tpu.memory_space<vmem_shared>>) dst(%dma_wait3A_44 : memref<640x128xf32, #tpu.memory_space<hbm>>)
      tpu.yield
    }) : () -> ()
    return
  }
}

module attributes {stable_mosaic.version = 14 : i64} {
  func.func @_tc_proj_in_body(%arg0: i32, %arg1: memref<1024x128xf32, #tpu.memory_space<vmem>>, %arg2: memref<128x128xf32, #tpu.memory_space<vmem>>, %arg3: memref<1x128xf32, #tpu.memory_space<vmem>>, %arg4: memref<32x1024xf32, #tpu.memory_space<vmem>>, %arg5: memref<1024x128xf32, #tpu.memory_space<vmem>>, %arg6: memref<1024x128xf32, #tpu.memory_space<vmem>>) attributes {dimension_semantics = [#tpu.dimension_semantics<arbitrary>], iteration_bounds = array<i64: 10>, scalar_prefetch = 0 : i64, scratch_operands = 0 : i64, tpu.core_type = #tpu.core_type<tc>, window_params = [{transform_indices = @transform_0, window_bounds = array<i64: 1024, 128>}, {pipeline_mode = #tpu.pipeline_mode<synchronous>, transform_indices = @transform_1, window_bounds = array<i64: 128, 128>}, {pipeline_mode = #tpu.pipeline_mode<synchronous>, transform_indices = @transform_2, window_bounds = array<i64: 1, 128>}, {transform_indices = @transform_3, window_bounds = array<i64: 32, 1024>}, {transform_indices = @transform_4, window_bounds = array<i64: 1024, 128>}, {transform_indices = @transform_5, window_bounds = array<i64: 1024, 128>}]} {
    %get3A = arith.constant 0 : index
    %get3A_0 = arith.constant 0 : index
    %get3A_1 = vector.load %arg4[%get3A, %get3A_0] : memref<32x1024xf32, #tpu.memory_space<vmem>>, vector<32x1024xf32>
    %reduce_sum3A = arith.constant dense<0.000000e+00> : vector<1024xf32>
    %reduce_sum3A_2 = vector.multi_reduction <add>, %get3A_1, %reduce_sum3A [0] : vector<32x1024xf32> to vector<1024xf32>
    %max3A = arith.constant 1.000000e+00 : f32
    %max3A_3 = vector.broadcast %max3A : f32 to vector<1024xf32>
    %max3A_4 = arith.maximumf %reduce_sum3A_2, %max3A_3 : vector<1024xf32>
    %rsqrt3A = math.rsqrt %max3A_4 : vector<1024xf32>
    %get3A_5 = arith.constant 0 : index
    %get3A_6 = arith.constant 0 : index
    %get3A_7 = vector.load %arg1[%get3A_5, %get3A_6] : memref<1024x128xf32, #tpu.memory_space<vmem>>, vector<1024x128xf32>
    %get3A_8 = arith.constant 0 : index
    %get3A_9 = arith.constant 0 : index
    %get3A_10 = vector.load %arg2[%get3A_8, %get3A_9] : memref<128x128xf32, #tpu.memory_space<vmem>>, vector<128x128xf32>
    %dot_general3A = arith.constant dense<0.000000e+00> : vector<1024x128xf32>
    %dot_general3A_11 = tpu.matmul %get3A_7, %get3A_10, %dot_general3A {dimension_numbers = #tpu.dot_dimension_numbers<[1], [0], [0], [1], [0, 0, 1, 1], [], []>, transpose_lhs_hint = false} : vector<1024x128xf32>, vector<128x128xf32>, vector<1024x128xf32> -> vector<1024x128xf32>
    %get3A_12 = arith.constant 0 : index
    %get3A_13 = arith.constant 0 : index
    %get3A_14 = vector.load %arg3[%get3A_12, %get3A_13] : memref<1x128xf32, #tpu.memory_space<vmem>>, vector<1x128xf32>
    %add3A = vector.broadcast %get3A_14 : vector<1x128xf32> to vector<1024x128xf32>
    %add3A_15 = arith.addf %dot_general3A_11, %add3A : vector<1024x128xf32>
    %broadcast_in_dim3A = vector.shape_cast %rsqrt3A : vector<1024xf32> to vector<1024x1xf32>
    %broadcast_in_dim3A_16 = vector.shape_cast %broadcast_in_dim3A : vector<1024x1xf32> to vector<1024x1xf32>
    %broadcast_in_dim3A_17 = vector.broadcast %broadcast_in_dim3A_16 : vector<1024x1xf32> to vector<1024x128xf32>
    %mul3A = arith.mulf %add3A_15, %broadcast_in_dim3A_17 : vector<1024x128xf32>
    %swap3A = arith.constant 0 : index
    %swap3A_18 = arith.constant 0 : index
    %swap3A_19 = vector.load %arg5[%swap3A, %swap3A_18] : memref<1024x128xf32, #tpu.memory_space<vmem>>, vector<1024x128xf32>
    tpu.vector_store %arg5[%swap3A, %swap3A_18], %mul3A {strides = array<i32>} : memref<1024x128xf32, #tpu.memory_space<vmem>>, vector<1024x128xf32>,
    %swap3A_20 = arith.constant 0 : index
    %swap3A_21 = arith.constant 0 : index
    %swap3A_22 = vector.load %arg6[%swap3A_20, %swap3A_21] : memref<1024x128xf32, #tpu.memory_space<vmem>>, vector<1024x128xf32>
    tpu.vector_store %arg6[%swap3A_20, %swap3A_21], %broadcast_in_dim3A_17 {strides = array<i32>} : memref<1024x128xf32, #tpu.memory_space<vmem>>, vector<1024x128xf32>,
    return
  }
  func.func @transform_0(%arg0: i32) -> (i32, i32) {
    %c0_i32 = arith.constant 0 : i32
    %c0_i32_0 = arith.constant 0 : i32
    return %arg0, %c0_i32 : i32, i32
  }
  func.func @transform_1(%arg0: i32) -> (i32, i32) {
    %c0_i32 = arith.constant 0 : i32
    %c0_i32_0 = arith.constant 0 : i32
    %c0_i32_1 = arith.constant 0 : i32
    return %c0_i32, %c0_i32_0 : i32, i32
  }
  func.func @transform_2(%arg0: i32) -> (i32, i32) {
    %c0_i32 = arith.constant 0 : i32
    %c0_i32_0 = arith.constant 0 : i32
    %c0_i32_1 = arith.constant 0 : i32
    return %c0_i32, %c0_i32_0 : i32, i32
  }
  func.func @transform_3(%arg0: i32) -> (i32, i32) {
    %c0_i32 = arith.constant 0 : i32
    %c0_i32_0 = arith.constant 0 : i32
    return %c0_i32, %arg0 : i32, i32
  }
  func.func @transform_4(%arg0: i32) -> (i32, i32) {
    %c0_i32 = arith.constant 0 : i32
    %c0_i32_0 = arith.constant 0 : i32
    return %arg0, %c0_i32 : i32, i32
  }
  func.func @transform_5(%arg0: i32) -> (i32, i32) {
    %c0_i32 = arith.constant 0 : i32
    %c0_i32_0 = arith.constant 0 : i32
    return %arg0, %c0_i32 : i32, i32
  }
}

module attributes {stable_mosaic.version = 14 : i64} {
  func.func @_tc_layer_body(%arg0: i32, %arg1: memref<2x1024x128xf32, #tpu.memory_space<vmem>>, %arg2: memref<1024x128xf32, #tpu.memory_space<vmem>>, %arg3: memref<128x128xf32, #tpu.memory_space<vmem>>, %arg4: memref<1x128xf32, #tpu.memory_space<vmem>>, %arg5: memref<1024x128xf32, #tpu.memory_space<vmem>>) attributes {dimension_semantics = [#tpu.dimension_semantics<arbitrary>], iteration_bounds = array<i64: 10>, scalar_prefetch = 0 : i64, scratch_operands = 0 : i64, tpu.core_type = #tpu.core_type<tc>, window_params = [{transform_indices = @transform_0, window_bounds = array<i64: 2, 1024, 128>}, {transform_indices = @transform_1, window_bounds = array<i64: 1024, 128>}, {pipeline_mode = #tpu.pipeline_mode<synchronous>, transform_indices = @transform_2, window_bounds = array<i64: 128, 128>}, {pipeline_mode = #tpu.pipeline_mode<synchronous>, transform_indices = @transform_3, window_bounds = array<i64: 1, 128>}, {transform_indices = @transform_4, window_bounds = array<i64: 1024, 128>}]} {
    %get3A = arith.constant 0 : index
    %get3A_0 = arith.constant 0 : index
    %get3A_1 = arith.constant 0 : index
    %get3A_2 = vector.load %arg1[%get3A, %get3A_0, %get3A_1] : memref<2x1024x128xf32, #tpu.memory_space<vmem>>, vector<1x1024x128xf32>
    %get3A_3 = vector.shape_cast %get3A_2 : vector<1x1024x128xf32> to vector<1024x128xf32>
    %get3A_4 = arith.constant 1 : index
    %get3A_5 = arith.constant 0 : index
    %get3A_6 = arith.constant 0 : index
    %get3A_7 = vector.load %arg1[%get3A_4, %get3A_5, %get3A_6] : memref<2x1024x128xf32, #tpu.memory_space<vmem>>, vector<1x1024x128xf32>
    %get3A_8 = vector.shape_cast %get3A_7 : vector<1x1024x128xf32> to vector<1024x128xf32>
    %add3A = arith.addf %get3A_3, %get3A_8 : vector<1024x128xf32>
    %get3A_9 = arith.constant 0 : index
    %get3A_10 = arith.constant 0 : index
    %get3A_11 = vector.load %arg2[%get3A_9, %get3A_10] : memref<1024x128xf32, #tpu.memory_space<vmem>>, vector<1024x128xf32>
    %mul3A = arith.mulf %add3A, %get3A_11 : vector<1024x128xf32>
    %get3A_12 = arith.constant 0 : index
    %get3A_13 = arith.constant 0 : index
    %get3A_14 = vector.load %arg3[%get3A_12, %get3A_13] : memref<128x128xf32, #tpu.memory_space<vmem>>, vector<128x128xf32>
    %dot_general3A = arith.constant dense<0.000000e+00> : vector<1024x128xf32>
    %dot_general3A_15 = tpu.matmul %mul3A, %get3A_14, %dot_general3A {dimension_numbers = #tpu.dot_dimension_numbers<[1], [0], [0], [1], [0, 0, 1, 1], [], []>, transpose_lhs_hint = false} : vector<1024x128xf32>, vector<128x128xf32>, vector<1024x128xf32> -> vector<1024x128xf32>
    %get3A_16 = arith.constant 0 : index
    %get3A_17 = arith.constant 0 : index
    %get3A_18 = vector.load %arg4[%get3A_16, %get3A_17] : memref<1x128xf32, #tpu.memory_space<vmem>>, vector<1x128xf32>
    %add3A_19 = vector.broadcast %get3A_18 : vector<1x128xf32> to vector<1024x128xf32>
    %add3A_20 = arith.addf %dot_general3A_15, %add3A_19 : vector<1024x128xf32>
    %logistic3A = arith.negf %add3A_20 : vector<1024x128xf32>
    %logistic3A_21 = math.exp %logistic3A : vector<1024x128xf32>
    %logistic3A_22 = arith.constant 1.000000e+00 : f32
    %logistic3A_23 = vector.broadcast %logistic3A_22 : f32 to vector<1024x128xf32>
    %logistic3A_24 = arith.addf %logistic3A_23, %logistic3A_21 : vector<1024x128xf32>
    %logistic3A_25 = arith.divf %logistic3A_23, %logistic3A_24 : vector<1024x128xf32>
    %mul3A_26 = arith.mulf %add3A_20, %logistic3A_25 : vector<1024x128xf32>
    %get3A_27 = arith.constant 0 : index
    %get3A_28 = arith.constant 0 : index
    %get3A_29 = vector.load %arg2[%get3A_27, %get3A_28] : memref<1024x128xf32, #tpu.memory_space<vmem>>, vector<1024x128xf32>
    %mul3A_30 = arith.mulf %mul3A_26, %get3A_29 : vector<1024x128xf32>
    %swap3A = arith.constant 0 : index
    %swap3A_31 = arith.constant 0 : index
    %swap3A_32 = vector.load %arg5[%swap3A, %swap3A_31] : memref<1024x128xf32, #tpu.memory_space<vmem>>, vector<1024x128xf32>
    tpu.vector_store %arg5[%swap3A, %swap3A_31], %mul3A_30 {strides = array<i32>} : memref<1024x128xf32, #tpu.memory_space<vmem>>, vector<1024x128xf32>,
    return
  }
  func.func @transform_0(%arg0: i32) -> (i32, i32, i32) {
    %c0_i32 = arith.constant 0 : i32
    %c0_i32_0 = arith.constant 0 : i32
    %c0_i32_1 = arith.constant 0 : i32
    return %c0_i32, %arg0, %c0_i32_0 : i32, i32, i32
  }
  func.func @transform_1(%arg0: i32) -> (i32, i32) {
    %c0_i32 = arith.constant 0 : i32
    %c0_i32_0 = arith.constant 0 : i32
    return %arg0, %c0_i32 : i32, i32
  }
  func.func @transform_2(%arg0: i32) -> (i32, i32) {
    %c0_i32 = arith.constant 0 : i32
    %c0_i32_0 = arith.constant 0 : i32
    %c0_i32_1 = arith.constant 0 : i32
    return %c0_i32, %c0_i32_0 : i32, i32
  }
  func.func @transform_3(%arg0: i32) -> (i32, i32) {
    %c0_i32 = arith.constant 0 : i32
    %c0_i32_0 = arith.constant 0 : i32
    %c0_i32_1 = arith.constant 0 : i32
    return %c0_i32, %c0_i32_0 : i32, i32
  }
  func.func @transform_4(%arg0: i32) -> (i32, i32) {
    %c0_i32 = arith.constant 0 : i32
    %c0_i32_0 = arith.constant 0 : i32
    return %arg0, %c0_i32 : i32, i32
  }
}

module attributes {stable_mosaic.version = 14 : i64} {
  func.func @_tc_last_body(%arg0: i32, %arg1: memref<2x1024x128xf32, #tpu.memory_space<vmem>>, %arg2: memref<1024x128xf32, #tpu.memory_space<vmem>>, %arg3: memref<128x128xf32, #tpu.memory_space<vmem>>, %arg4: memref<1x128xf32, #tpu.memory_space<vmem>>, %arg5: memref<128x128xf32, #tpu.memory_space<vmem>>, %arg6: memref<1x128xf32, #tpu.memory_space<vmem>>, %arg7: memref<1024x128xf32, #tpu.memory_space<vmem>>) attributes {dimension_semantics = [#tpu.dimension_semantics<arbitrary>], iteration_bounds = array<i64: 10>, scalar_prefetch = 0 : i64, scratch_operands = 0 : i64, tpu.core_type = #tpu.core_type<tc>, window_params = [{transform_indices = @transform_0, window_bounds = array<i64: 2, 1024, 128>}, {transform_indices = @transform_1, window_bounds = array<i64: 1024, 128>}, {pipeline_mode = #tpu.pipeline_mode<synchronous>, transform_indices = @transform_2, window_bounds = array<i64: 128, 128>}, {pipeline_mode = #tpu.pipeline_mode<synchronous>, transform_indices = @transform_3, window_bounds = array<i64: 1, 128>}, {pipeline_mode = #tpu.pipeline_mode<synchronous>, transform_indices = @transform_4, window_bounds = array<i64: 128, 128>}, {pipeline_mode = #tpu.pipeline_mode<synchronous>, transform_indices = @transform_5, window_bounds = array<i64: 1, 128>}, {transform_indices = @transform_6, window_bounds = array<i64: 1024, 128>}]} {
    %get3A = arith.constant 0 : index
    %get3A_0 = arith.constant 0 : index
    %get3A_1 = arith.constant 0 : index
    %get3A_2 = vector.load %arg1[%get3A, %get3A_0, %get3A_1] : memref<2x1024x128xf32, #tpu.memory_space<vmem>>, vector<1x1024x128xf32>
    %get3A_3 = vector.shape_cast %get3A_2 : vector<1x1024x128xf32> to vector<1024x128xf32>
    %get3A_4 = arith.constant 1 : index
    %get3A_5 = arith.constant 0 : index
    %get3A_6 = arith.constant 0 : index
    %get3A_7 = vector.load %arg1[%get3A_4, %get3A_5, %get3A_6] : memref<2x1024x128xf32, #tpu.memory_space<vmem>>, vector<1x1024x128xf32>
    %get3A_8 = vector.shape_cast %get3A_7 : vector<1x1024x128xf32> to vector<1024x128xf32>
    %add3A = arith.addf %get3A_3, %get3A_8 : vector<1024x128xf32>
    %get3A_9 = arith.constant 0 : index
    %get3A_10 = arith.constant 0 : index
    %get3A_11 = vector.load %arg2[%get3A_9, %get3A_10] : memref<1024x128xf32, #tpu.memory_space<vmem>>, vector<1024x128xf32>
    %mul3A = arith.mulf %add3A, %get3A_11 : vector<1024x128xf32>
    %get3A_12 = arith.constant 0 : index
    %get3A_13 = arith.constant 0 : index
    %get3A_14 = vector.load %arg3[%get3A_12, %get3A_13] : memref<128x128xf32, #tpu.memory_space<vmem>>, vector<128x128xf32>
    %dot_general3A = arith.constant dense<0.000000e+00> : vector<1024x128xf32>
    %dot_general3A_15 = tpu.matmul %mul3A, %get3A_14, %dot_general3A {dimension_numbers = #tpu.dot_dimension_numbers<[1], [0], [0], [1], [0, 0, 1, 1], [], []>, transpose_lhs_hint = false} : vector<1024x128xf32>, vector<128x128xf32>, vector<1024x128xf32> -> vector<1024x128xf32>
    %get3A_16 = arith.constant 0 : index
    %get3A_17 = arith.constant 0 : index
    %get3A_18 = vector.load %arg4[%get3A_16, %get3A_17] : memref<1x128xf32, #tpu.memory_space<vmem>>, vector<1x128xf32>
    %add3A_19 = vector.broadcast %get3A_18 : vector<1x128xf32> to vector<1024x128xf32>
    %add3A_20 = arith.addf %dot_general3A_15, %add3A_19 : vector<1024x128xf32>
    %logistic3A = arith.negf %add3A_20 : vector<1024x128xf32>
    %logistic3A_21 = math.exp %logistic3A : vector<1024x128xf32>
    %logistic3A_22 = arith.constant 1.000000e+00 : f32
    %logistic3A_23 = vector.broadcast %logistic3A_22 : f32 to vector<1024x128xf32>
    %logistic3A_24 = arith.addf %logistic3A_23, %logistic3A_21 : vector<1024x128xf32>
    %logistic3A_25 = arith.divf %logistic3A_23, %logistic3A_24 : vector<1024x128xf32>
    %mul3A_26 = arith.mulf %add3A_20, %logistic3A_25 : vector<1024x128xf32>
    %get3A_27 = arith.constant 0 : index
    %get3A_28 = arith.constant 0 : index
    %get3A_29 = vector.load %arg5[%get3A_27, %get3A_28] : memref<128x128xf32, #tpu.memory_space<vmem>>, vector<128x128xf32>
    %dot_general3A_30 = arith.constant dense<0.000000e+00> : vector<1024x128xf32>
    %dot_general3A_31 = tpu.matmul %mul3A_26, %get3A_29, %dot_general3A_30 {dimension_numbers = #tpu.dot_dimension_numbers<[1], [0], [0], [1], [0, 0, 1, 1], [], []>, transpose_lhs_hint = false} : vector<1024x128xf32>, vector<128x128xf32>, vector<1024x128xf32> -> vector<1024x128xf32>
    %get3A_32 = arith.constant 0 : index
    %get3A_33 = arith.constant 0 : index
    %get3A_34 = vector.load %arg6[%get3A_32, %get3A_33] : memref<1x128xf32, #tpu.memory_space<vmem>>, vector<1x128xf32>
    %add3A_35 = vector.broadcast %get3A_34 : vector<1x128xf32> to vector<1024x128xf32>
    %add3A_36 = arith.addf %dot_general3A_31, %add3A_35 : vector<1024x128xf32>
    %swap3A = arith.constant 0 : index
    %swap3A_37 = arith.constant 0 : index
    %swap3A_38 = vector.load %arg7[%swap3A, %swap3A_37] : memref<1024x128xf32, #tpu.memory_space<vmem>>, vector<1024x128xf32>
    tpu.vector_store %arg7[%swap3A, %swap3A_37], %add3A_36 {strides = array<i32>} : memref<1024x128xf32, #tpu.memory_space<vmem>>, vector<1024x128xf32>,
    return
  }
  func.func @transform_0(%arg0: i32) -> (i32, i32, i32) {
    %c0_i32 = arith.constant 0 : i32
    %c0_i32_0 = arith.constant 0 : i32
    %c0_i32_1 = arith.constant 0 : i32
    return %c0_i32, %arg0, %c0_i32_0 : i32, i32, i32
  }
  func.func @transform_1(%arg0: i32) -> (i32, i32) {
    %c0_i32 = arith.constant 0 : i32
    %c0_i32_0 = arith.constant 0 : i32
    return %arg0, %c0_i32 : i32, i32
  }
  func.func @transform_2(%arg0: i32) -> (i32, i32) {
    %c0_i32 = arith.constant 0 : i32
    %c0_i32_0 = arith.constant 0 : i32
    %c0_i32_1 = arith.constant 0 : i32
    return %c0_i32, %c0_i32_0 : i32, i32
  }
  func.func @transform_3(%arg0: i32) -> (i32, i32) {
    %c0_i32 = arith.constant 0 : i32
    %c0_i32_0 = arith.constant 0 : i32
    %c0_i32_1 = arith.constant 0 : i32
    return %c0_i32, %c0_i32_0 : i32, i32
  }
  func.func @transform_4(%arg0: i32) -> (i32, i32) {
    %c0_i32 = arith.constant 0 : i32
    %c0_i32_0 = arith.constant 0 : i32
    %c0_i32_1 = arith.constant 0 : i32
    return %c0_i32, %c0_i32_0 : i32, i32
  }
  func.func @transform_5(%arg0: i32) -> (i32, i32) {
    %c0_i32 = arith.constant 0 : i32
    %c0_i32_0 = arith.constant 0 : i32
    %c0_i32_1 = arith.constant 0 : i32
    return %c0_i32, %c0_i32_0 : i32, i32
  }
  func.func @transform_6(%arg0: i32) -> (i32, i32) {
    %c0_i32 = arith.constant 0 : i32
    %c0_i32_0 = arith.constant 0 : i32
    return %arg0, %c0_i32 : i32, i32
  }
}

</mosaic_0001>

<sc_bundles>
// kernel: kernel.12.cloned.1.call-start
scs
__scs_entry_jumppad:
0x0: {  	(pc) =	sbr.rel $0x88, $3  }
0x1: {  	(tag) =	ssettag $0x0;
	lr =	simm.s32 $0x1  }
0x2: {  	[smem:$0x3F99] =	sst lr;
	_ =	strace $0xD0000000  }
0x3: {  	_ = 	snop  }
0x4: {  	_ = 	snop  }
0x5: {  	_ = 	snop  }
0x6: {  	_ = 	snop  }
0x7: {  	_ = 	snop  }
__scs_overlays_trampoline_lowered:
0x8: {  	[smem:$0x3FA8] =	sst s0  }
0x9: {  	[smem:$0x3FA9] =	sst s1  }
0xa: {  	[smem:$0x3FAA] =	sst s2  }
0xb: {  	[smem:$0x3FAB] =	sst s3  }
0xc: {  	[smem:$0x3FAC] =	sst s4  }
0xd: {  	[smem:$0x3FAD] =	sst s5  }
0xe: {  	[smem:$0x3FAE] =	sst s6  }
0xf: {  	[smem:$0x3FAF] =	sst s7  }
0x10: {  	[smem:$0x3FB0] =	sst s8  }
0x11: {  	[smem:$0x3FB1] =	sst s9;
	s0 =	simm.s32 @!p0 $0x0  }
0x12: {  	s1 =	sld [smem:$0x3F97];
	s0 =	simm.s32 @p0 $0x1  }
0x13: {  	[smem:$0x3FB2] =	sst s0;
	s0 =	simm.s32 @!p1 $0x0  }
0x14: {  	s2 =	sld [smem:$0x3F96];
	s0 =	simm.s32 @p1 $0x1  }
0x15: {  	[smem:$0x3FB3] =	sst s0;
	s0 =	simm.s32 @!p2 $0x0  }
0x16: {  	s3 =	sld [smem:$0x3FDB];
	s0 =	simm.s32 @p2 $0x1  }
0x17: {  	s4 =	simm.s32 $0x1BF5;
	[smem:$0x3FB5] =	sst s0  }
0x18: {  	s0 =	sld [smem:$0x3F98];
	_ =	swait.ge [sflag:s4], $0x0  }
0x19: {  	s7 =	sld [smem:$0x3F99]  }
0x1a: {  	s8 =	sadd.s32 $0xFFFFE003, lr  }
0x1b: {  	s9 =	sadd.s32 $0xFFFFFEF7, lr;
	s5 =	simm.s32 $0xFFFFFFFF;
	p2 =	slt.u32 s8, $0xFFFFF086  }
0x1c: {  	p1 =	slt.u32 s9, $0xF7A;
	s5 =	simm.s32 @!p2 $0x0  }
0x1d: {  	s5 =	simm.s32 @p1 $0x1;
	p0 =	seq.s32 s7, s2  }
0x1e: {  	s7 =	smul.u32 @!p0 $0xF7A, s2;
	p2 =	seq.s32 @!p0 s5, $0x0  }
0x1f: {  	s9 =	smul.u32 $0xF7A, s1;
	s8 =	simm.s32 @!p0 $0x1BF5;
	p2 =	por !p2, p0  }
0x20: {  	[sflag:s8] =	ssyncset.s32 @!p0 $0xFFFFF086;
	s6 =	sadd.s32 @!p0 s3, s7;
	s7 =	simm.s32 @!p0 $0x108  }
0x21: {  	s3 =	sadd.s32 s3, s9;
	s6 =	sadd.s32 @!p0 $0x88, s6;
	s7 =	simm.s32 @p2 $0x1082  }
0x22: {  	[simem:s7], [sflag:s8] =	dma.local @!p0 [hbm:s6], $0xF7A  }
0x23: {  	s9 =	sor.u32 $0xD0000000, s2;
	s6 =	simm.s32 $0x108;
	_ =	swait.ge @!p0 [sflag:s8], $0x0  }
0x24: {  	s3 =	sadd.s32 $0x88, s3;
	s6 =	simm.s32 @!p1 $0x1082;
	[sflag:s4] =	ssyncset.s32 $0xFFFFF086  }
0x25: {  	[simem:s6], [sflag:s4] =	dma.local [hbm:s3], $0xF7A  }
0x26: {  	[smem:$0x3F99] =	sst s1;
	(tag) =	ssettag s2;
	_ =	strace s9  }
0x27: {  	s1 =	sld [smem:$0x3FA9]  }
0x28: {  	s2 =	sld [smem:$0x3FAA]  }
0x29: {  	s4 =	sld [smem:$0x3FAC]  }
0x2a: {  	p0 =	seq.s32 s5, $0x0;
	s5 =	sld [smem:$0x3FAD]  }
0x2b: {  	s6 =	sld [smem:$0x3FAE]  }
0x2c: {  	s7 =	sld [smem:$0x3FAF]  }
0x2d: {  	s3 =	simm.s32 $0x108;
	s8 =	sld [smem:$0x3FB0]  }
0x2e: {  	s3 =	simm.s32 @!p0 $0x1082;
	s9 =	sld [smem:$0x3FB1]  }
0x2f: {  	lr =	sadd.s32 s0, s3;
	s0 =	sld [smem:$0x3FA8]  }
0x30: {  	s3 =	sld [smem:$0x3FAB]  }
0x31: {  	[smem:$0x3FB4] =	sst s10  }
0x32: {  	s10 =	sld [smem:$0x3FB2];
	_ =	sdelay $0x3  }
0x33: {  	p0 =	seq.s32 s10, $0x1;
	s10 =	sld [smem:$0x3FB4];
	_ =	sdelay $0x3  }
0x34: {  	[smem:$0x3FB4] =	sst s10  }
0x35: {  	s10 =	sld [smem:$0x3FB3];
	_ =	sdelay $0x3  }
0x36: {  	p1 =	seq.s32 s10, $0x1;
	s10 =	sld [smem:$0x3FB4];
	_ =	sdelay $0x3  }
0x37: {  	[smem:$0x3FB4] =	sst s10  }
0x38: {  	s10 =	sld [smem:$0x3FB5]  }
0x39: {  	_ = 	snop;
	(pc) =	sbr.ind lr, $3  }
0x3a: {  	_ = 	snop  }
0x3b: {  	_ = 	snop  }
0x3c: {  	p2 =	seq.s32 s10, $0x1;
	s10 =	sld [smem:$0x3FB4]  }
0x3d: {  	_ =	shalt  }
0x3e: {  	_ =	shalt  }
0x3f: {  	_ =	shalt  }
0x40: {  	_ =	shalt  }
0x41: {  	_ =	shalt  }
0x42: {  	_ =	shalt  }
0x43: {  	_ =	shalt  }
0x44: {  	_ =	shalt  }
0x45: {  	_ =	shalt  }
0x46: {  	_ =	shalt  }
0x47: {  	_ =	shalt  }
0x48: {  	_ =	shalt  }
0x49: {  	_ =	shalt  }
0x4a: {  	_ =	shalt  }
0x4b: {  	_ =	shalt  }
0x4c: {  	_ =	shalt  }
0x4d: {  	_ =	shalt  }
0x4e: {  	_ =	shalt  }
0x4f: {  	_ =	shalt  }
0x50: {  	_ =	shalt  }
0x51: {  	_ =	shalt  }
0x52: {  	_ =	shalt  }
0x53: {  	_ =	shalt  }
0x54: {  	_ =	shalt  }
0x55: {  	_ =	shalt  }
0x56: {  	_ =	shalt  }
0x57: {  	_ =	shalt  }
0x58: {  	_ =	shalt  }
0x59: {  	_ =	shalt  }
0x5a: {  	_ =	shalt  }
0x5b: {  	_ =	shalt  }
0x5c: {  	_ =	shalt  }
0x5d: {  	_ =	shalt  }
0x5e: {  	_ =	shalt  }
0x5f: {  	_ =	shalt  }
0x60: {  	_ =	shalt  }
0x61: {  	_ =	shalt  }
0x62: {  	_ =	shalt  }
0x63: {  	_ =	shalt  }
0x64: {  	_ =	shalt  }
0x65: {  	_ =	shalt  }
0x66: {  	_ =	shalt  }
0x67: {  	_ =	shalt  }
0x68: {  	_ =	shalt  }
0x69: {  	_ =	shalt  }
0x6a: {  	_ =	shalt  }
0x6b: {  	_ =	shalt  }
0x6c: {  	_ =	shalt  }
0x6d: {  	_ =	shalt  }
0x6e: {  	_ =	shalt  }
0x6f: {  	_ =	shalt  }
0x70: {  	_ =	shalt  }
0x71: {  	_ =	shalt  }
0x72: {  	_ =	shalt  }
0x73: {  	_ =	shalt  }
0x74: {  	_ =	shalt  }
0x75: {  	_ =	shalt  }
0x76: {  	_ =	shalt  }
0x77: {  	_ =	shalt  }
0x78: {  	_ =	shalt  }
0x79: {  	_ =	shalt  }
0x7a: {  	_ =	shalt  }
0x7b: {  	_ =	shalt  }
0x7c: {  	_ =	shalt  }
0x7d: {  	_ =	shalt  }
0x7e: {  	_ =	shalt  }
0x7f: {  	_ =	shalt  }
0x80: {  	_ =	shalt  }
0x81: {  	_ =	shalt  }
0x82: {  	_ =	shalt  }
0x83: {  	_ =	shalt  }
0x84: {  	_ =	shalt  }
0x85: {  	_ =	shalt  }
0x86: {  	_ =	shalt  }
0x87: {  	_ =	shalt  }
.Lfunc_end0:
.L_simem_size_0:
called_computation_lowered:
.L_overlay_start_0:
0x88: {  	s2 =	sld [smem:$0x3FD9]  }
0x89: {  	s3 =	sld [smem:$0x3FFE];
	_ =	sdelay $0x1  }
0x8a: {  	s1 =	srdreg.scid  }
0x8b: {  	s0 =	sand.u32 $0x1, s1  }
0x8c: {  	s17 =	sshll.u32 s0, $0xA;
	s2 =	sadd.s32 s3, s2  }
0x8d: {  	s2 =	sadd.s32 s2, s17  }
0x8e: {  	[smem:$0x3FC0] =	sst s2  }
0x8f: {  	_ = 	snop  }
0x90: {  	s2 =	sld [smem:$0x3FD0];
	(tm) =	ssettm $0x1  }
0x91: {  	s18 =	sld [smem:$0x3FFB];
	_ =	sdelay $0x3  }
0x92: {  	_ =	strace s18  }
0x93: {  	s3 =	sld [smem:$0x3FFC];
	_ =	sdelay $0x3  }
0x94: {  	_ =	strace s3  }
0x95: {  	s3 =	sld [smem:$0x3FFD];
	_ =	sdelay $0x3  }
0x96: {  	_ =	strace s3  }
0x97: {  	_ =	strace $0x8FFFFFFF  }
0x98: {  	s19 =	sld [smem:$0x3FDB];
	_ =	sdelay $0x1  }
0x99: {  	s4 =	simm.s32 $_scs_section_size  }
0x9a: {  	s5 =	simm.s32 $_size__tile_overlayer_lowered;
	s6 =	simm.s32 $_tile_overlayer_lowered  }
0x9b: {  	s22 =	simm.s32 $0x1BFF;
	s21 =	sshll.u32 s6, $0x1;
	s3 =	sadd.s32 s4, s19  }
0x9c: {  	s7 =	simm.s32 $0x0;
	s20 =	sshll.u32 s5, $0x1;
	s5 =	sadd.s32 s21, s3  }
0x9d: {  	[timem:s7], [sflag:s22] =	dma.local [hbm:s5], s20  }
0x9e: {  	_ =	swait.ge [sflag:s22], s20  }
0x9f: {  	s4 =	ssub.s32 $0x0, s20;
	[sflag:s22] =	ssyncset.done $0x0  }
0xa0: {  	[sflag:s22] =	ssyncadd.s32 s4;
	_ =	sdelay $0x1  }
0xa1: {  	s23 =	simm.s32 $0x1B8B  }
0xa2: {  	_ =	swait.ge [sflag:s23], $0x1  }
0xa3: {  	[sflag:s23] =	ssyncset.done $0x0  }
0xa4: {  	s25 =	simm.s32 $0x1B8E;
	s24 =	sld [smem:$0x3FFE];
	[sflag:s23] =	ssyncadd.s32 $0xFFFFFFFF  }
0xa5: {  	s26 =	simm.s32 $execute0_lowered;
	[smem:$0x3FD2] =	sst s25  }
0xa6: {  	s5 =	sshll.u32 s26, $0x1;
	_ =	strace $0x80000046;
	[dreg:$0x1] =	wrdreg $0xFFFFFFFF  }
0xa7: {  	s28 =	simm.s32 $_size_execute0_lowered;
	s3 =	sadd.s32 s3, s5;
	[dreg:$0x0] =	wrdreg $0x0  }
0xa8: {  	s5 =	sshll.u32 s28, $0x1;
	[dreg:$0x2] =	wrdreg s3  }
0xa9: {  	[dreg:$0x3] =	wrdreg s5  }
0xaa: {  	[dreg:$0x4] =	wrdreg $0xC0  }
0xab: {  	_ =	task [dreg:s7], $0x5FFFF  }
0xac: {  	[dreg:$0x1] =	wrdreg $0xFFFFFFFF  }
0xad: {  	[dreg:$0x0] =	wrdreg $0x60  }
0xae: {  	[dreg:$0x2] =	wrdreg s24  }
0xaf: {  	[dreg:$0x3] =	wrdreg s2  }
0xb0: {  	[dreg:$0x4] =	wrdreg $0x9  }
0xb1: {  	_ =	task.clear_ibuf [dreg:s7], $0x5FFFF;
	_ =	strace $0x90000046  }
0xb2: {  	s29 =	simm.s32 $0x9;
	_ =	strace $0x80000048  }
0xb3: {  	_ =	swait.ge [sflag:s29], $0x1  }
0xb4: {  	[sflag:s29] =	ssyncadd.s32 $0xFFFFFFFF  }
0xb5: {  	_ =	strace $0x90000048  }
0xb6: {  	_ =	sfence  }
0xb7: {  	s30 =	sld [smem:$0x0];
	_ =	sdelay $0x2  }
0xb8: {  	s31 =	sshll.u32 s1, $0xD;
	s1 =	sshrl.u32 s1, $0x2  }
0xb9: {  	s3 =	sand.u32 $0x4000, s31;
	s1 =	sadd.s32 s1, s30  }
0xba: {  	s0 =	sor.u32 s3, s0;
	s1 =	sshll.u32 s1, $0x11  }
0xbb: {  	s0 =	sor.u32 s1, s0  }
0xbc: {  	s0 =	sadd.s32 $0x8F2B, s0  }
0xbd: {  	[sflag:s0] =	ssyncadd.remote.s32 $0x1  }
0xbe: {  	_ =	sfence.sel $0xFFFF  }
0xbf: {  	[dreg:$0x0] =	wrdreg $0xFFFFFFFF;
	(pc) =	sbr.abs _section_cstart, $3  }
0xc0: {  	[dreg:$0x1] =	wrdreg $0xFFFFFFFF  }
0xc1: {  	_ =	task.clear_ibuf [dreg:s7], $0x2FFFF;
	_ =	strace $0x9FFFFFFF  }
0xc2: {  	(tm) =	ssettm $0x7FFFFFFF  }
0xc3: {  	_ =	shalt  }
tec
execute0_lowered:
.L_overlay_start_1:
0x0: {  	(tag) =	ssettag $0x1  }
0x1: {  	s3 =	rddreg [dreg:$0x0]  }
0x2: {  	s4 =	rddreg [dreg:$0x1]  }
0x3: {  	s0 =	rddreg [dreg:$0x2];
	s2 =	simm.s32 $0x0;
	s5 =	srdreg.scid  }
0x4: {  	s1 =	stileid.u32;
	s10 =	simm.s32 $0x0;
	s5 =	sand.u32 $0x1, s5  }
0x5: {  	s6 =	sshrl.u32 s1, $0x2;
	s7 =	sshll.u32 s1, $0x8;
	[smem:$0x7FF] =	sst s2  }
0x6: {  	s8 =	sshll.u32 s5, $0x7;
	s7 =	sand.u32 $0x300, s7;
	s9 =	smul.u32 $0x13C00, s6  }
0x7: {  	s6 =	smul.u32 $0x14000, s6;
	s5 =	ssub.s32 $0x2, s5;
	s7 =	sor.u32 s8, s7  }
0x8: {  	_ =	strace $0x80000047;
	s31 =	sshrl.u32 s5, $0x1;
	s8 =	sor.u32 s9, s7  }
0x9: {  	s6 =	sor.u32 s6, s7;
	s5 =	ssub.s32 s5, s31;
	s7 =	simm.s32 $0x400  }
0xa: {  	s9 =	simm.s32 $0x2780;
	s8 =	sshrl.u32 s8, $0x3;
	s6 =	sshrl.u32 s6, $0x3  }
0xb: {  	s5 =	smax.u32 s5, $0x1;
	s3 =	sadd.s32 s8, s3;
	s4 =	sadd.s32 s4, s6  }
0xc: {  	v0 =	vimm.f32 $0.0e+00;
	v1 =	vimm.f32 $1.000000000e+00;
	s6 =	simm.s32 $0x80;
	s8 =	simm.s32 $0x1;
	s3 =	sadd.s32 $0x3800, s3  }
.LBB2_1:
0xd: {  	[tilespmem:s2], [sflag:$0x1] =	stream.strided.gather [hbm4b:s3+s6], $0x2780, s7, s6, $0x38;
	[tilespmem:$0x4F80] =	vst v63  }
0xe: {  	_ =	swait.ge [sflag:s8], $0x2780  }
0xf: {  	[sflag:s8] =	ssyncset.done $0x0  }
0x10: {  	s11 =	simm.s32 $0x0;
	[sflag:s8] =	ssyncadd.s32 $0xFFFFD880  }
.LBB2_2:
0x11: {  	p0 =	sne.s32 s11, $0x9FC0  }
.Ltmp0:
0x12: {  	_ = 	snop;
	(pc) =	sbr.rel @p0 .LBB2_2-.Ltmp0, $3  }
0x13: {  	_ =	sdelay $0x1  }
0x14: {  	s12 =	sshra.s32 s11, $0x2  }
0x15: {  	s11 =	sadd.s32 $0x40, s11;
	[tilespmem:s12+$0x2780] =	vst v0  }
0x16: {  	s12 =	simm.s32 $0x0;
	s11 =	simm.s32 $0x40  }
.LBB2_4:
0x17: {  	p0 =	sne.s32 s11, $0x9C00;
	v2 =	vld [tilespmem:s12+$0x0];
	_ =	sdelay $0x3  }
.Ltmp1:
0x18: {  	(pc) =	sbr.rel @p0 .LBB2_4-.Ltmp1, $2  }
0x19: {  	_ =	sdelay $0x2  }
0x1a: {  	s12 =	sshra.s32 s11, $0x2;
	s11 =	sadd.s32 $0x40, s11;
	[tilespmem:v2+s9+$0x0] =	vst.idx.add.f32.msk $0xffff, v1  }
0x1b: {  	v2 =	vld [tilespmem:s12+$0x0];
	_ =	sdelay $0x5  }
0x1c: {  	s10 =	sadd.s32 $0x1, s10  }
0x1d: {  	p0 =	sne.s32 s10, s5  }
.Ltmp2:
0x1e: {  	[tilespmem:v2+s9+$0x0] =	vst.idx.add.f32.msk $0xffff, v1;
	(pc) =	sbr.rel @p0 .LBB2_1-.Ltmp2, $4  }
0x1f: {  	[hbm4b:s4+s6] =	stream.strided.scatter [tilespmem:s9], [sflag:$0x1], $0x2800, s7, s6, $0x38;
	[tilespmem:$0x4F80] =	vst v63  }
0x20: {  	_ =	swait.ge [sflag:s8], $0x2800  }
0x21: {  	[sflag:s8] =	ssyncset.done $0x0  }
0x22: {  	[sflag:s8] =	ssyncadd.s32 $0xFFFFD800  }
0x23: {  	_ =	sfence.sel $0x180000  }
0x24: {  	[bflag:$0x0] =	sbarrier.arrive $0xFFFF  }
0x25: {  	p0 =	sne.s32 s1, $0x0;
	_ =	strace $0x90000047  }
0x26: {  	s0 =	sadd.s32 @!p0 $0x100000, s0;
	[bflag:$0x2] =	sbarrier.arrive $0xFFFF  }
0x27: {  	[sflag:s0] =	ssyncadd.tile.s32 @!p0 $0x1;
	_ =	shalt  }
.Lfunc_end2:
_tile_overlayer_lowered:
.L_overlay_start_2:
0x28: {  	(tag) =	ssettag $0x2  }
0x29: {  	s0 =	rddreg [dreg:$0x0];
	s2 =	stileid.u32  }
0x2a: {  	s1 =	rddreg [dreg:$0x1];
	p0 =	sne.s32 s2, $0x0  }
0x2b: {  	s3 =	rddreg [dreg:$0x2];
	[bflag:$0x3] =	sbarrier.arrive $0xFFFF;
	s2 =	simm.s32 @!p0 $0x1C01  }
0x2c: {  	[timem:s3], [sflag:s2] =	dma.local @!p0 [hbm:s0], s1  }
0x2d: {  	s0 =	simm.s32 @!p0 $0x1  }
0x2e: {  	_ =	swait.ge @!p0 [sflag:s0], s1  }
0x2f: {  	s1 =	ssub.s32 @!p0 $0x0, s1;
	[sflag:s0] =	ssyncset.done @!p0 $0x0  }
0x30: {  	[sflag:s0] =	ssyncadd.s32 @!p0 s1  }
0x31: {  	[bflag:$0x3] =	sbarrier.arrive $0xFFFF  }
0x32: {  	_ =	shalt  }

// kernel: kernel.15.cloned.1.call-start
scs
__scs_entry_jumppad:
0x0: {  	(pc) =	sbr.rel $0x88, $3  }
0x1: {  	(tag) =	ssettag $0x0;
	lr =	simm.s32 $0x1  }
0x2: {  	[smem:$0x3F99] =	sst lr;
	_ =	strace $0xD0000000  }
0x3: {  	_ = 	snop  }
0x4: {  	_ = 	snop  }
0x5: {  	_ = 	snop  }
0x6: {  	_ = 	snop  }
0x7: {  	_ = 	snop  }
__scs_overlays_trampoline_lowered:
0x8: {  	[smem:$0x3FA8] =	sst s0  }
0x9: {  	[smem:$0x3FA9] =	sst s1  }
0xa: {  	[smem:$0x3FAA] =	sst s2  }
0xb: {  	[smem:$0x3FAB] =	sst s3  }
0xc: {  	[smem:$0x3FAC] =	sst s4  }
0xd: {  	[smem:$0x3FAD] =	sst s5  }
0xe: {  	[smem:$0x3FAE] =	sst s6  }
0xf: {  	[smem:$0x3FAF] =	sst s7  }
0x10: {  	[smem:$0x3FB0] =	sst s8  }
0x11: {  	[smem:$0x3FB1] =	sst s9;
	s0 =	simm.s32 @!p0 $0x0  }
0x12: {  	s1 =	sld [smem:$0x3F97];
	s0 =	simm.s32 @p0 $0x1  }
0x13: {  	[smem:$0x3FB2] =	sst s0;
	s0 =	simm.s32 @!p1 $0x0  }
0x14: {  	s2 =	sld [smem:$0x3F96];
	s0 =	simm.s32 @p1 $0x1  }
0x15: {  	[smem:$0x3FB3] =	sst s0;
	s0 =	simm.s32 @!p2 $0x0  }
0x16: {  	s3 =	sld [smem:$0x3FDB];
	s0 =	simm.s32 @p2 $0x1  }
0x17: {  	s4 =	simm.s32 $0x1BF5;
	[smem:$0x3FB5] =	sst s0  }
0x18: {  	s0 =	sld [smem:$0x3F98];
	_ =	swait.ge [sflag:s4], $0x0  }
0x19: {  	s7 =	sld [smem:$0x3F99]  }
0x1a: {  	s8 =	sadd.s32 $0xFFFFE003, lr  }
0x1b: {  	s9 =	sadd.s32 $0xFFFFFEF7, lr;
	s5 =	simm.s32 $0xFFFFFFFF;
	p2 =	slt.u32 s8, $0xFFFFF086  }
0x1c: {  	p1 =	slt.u32 s9, $0xF7A;
	s5 =	simm.s32 @!p2 $0x0  }
0x1d: {  	s5 =	simm.s32 @p1 $0x1;
	p0 =	seq.s32 s7, s2  }
0x1e: {  	s7 =	smul.u32 @!p0 $0xF7A, s2;
	p2 =	seq.s32 @!p0 s5, $0x0  }
0x1f: {  	s9 =	smul.u32 $0xF7A, s1;
	s8 =	simm.s32 @!p0 $0x1BF5;
	p2 =	por !p2, p0  }
0x20: {  	[sflag:s8] =	ssyncset.s32 @!p0 $0xFFFFF086;
	s6 =	sadd.s32 @!p0 s3, s7;
	s7 =	simm.s32 @!p0 $0x108  }
0x21: {  	s3 =	sadd.s32 s3, s9;
	s6 =	sadd.s32 @!p0 $0x88, s6;
	s7 =	simm.s32 @p2 $0x1082  }
0x22: {  	[simem:s7], [sflag:s8] =	dma.local @!p0 [hbm:s6], $0xF7A  }
0x23: {  	s9 =	sor.u32 $0xD0000000, s2;
	s6 =	simm.s32 $0x108;
	_ =	swait.ge @!p0 [sflag:s8], $0x0  }
0x24: {  	s3 =	sadd.s32 $0x88, s3;
	s6 =	simm.s32 @!p1 $0x1082;
	[sflag:s4] =	ssyncset.s32 $0xFFFFF086  }
0x25: {  	[simem:s6], [sflag:s4] =	dma.local [hbm:s3], $0xF7A  }
0x26: {  	[smem:$0x3F99] =	sst s1;
	(tag) =	ssettag s2;
	_ =	strace s9  }
0x27: {  	s1 =	sld [smem:$0x3FA9]  }
0x28: {  	s2 =	sld [smem:$0x3FAA]  }
0x29: {  	s4 =	sld [smem:$0x3FAC]  }
0x2a: {  	p0 =	seq.s32 s5, $0x0;
	s5 =	sld [smem:$0x3FAD]  }
0x2b: {  	s6 =	sld [smem:$0x3FAE]  }
0x2c: {  	s7 =	sld [smem:$0x3FAF]  }
0x2d: {  	s3 =	simm.s32 $0x108;
	s8 =	sld [smem:$0x3FB0]  }
0x2e: {  	s3 =	simm.s32 @!p0 $0x1082;
	s9 =	sld [smem:$0x3FB1]  }
0x2f: {  	lr =	sadd.s32 s0, s3;
	s0 =	sld [smem:$0x3FA8]  }
0x30: {  	s3 =	sld [smem:$0x3FAB]  }
0x31: {  	[smem:$0x3FB4] =	sst s10  }
0x32: {  	s10 =	sld [smem:$0x3FB2];
	_ =	sdelay $0x3  }
0x33: {  	p0 =	seq.s32 s10, $0x1;
	s10 =	sld [smem:$0x3FB4];
	_ =	sdelay $0x3  }
0x34: {  	[smem:$0x3FB4] =	sst s10  }
0x35: {  	s10 =	sld [smem:$0x3FB3];
	_ =	sdelay $0x3  }
0x36: {  	p1 =	seq.s32 s10, $0x1;
	s10 =	sld [smem:$0x3FB4];
	_ =	sdelay $0x3  }
0x37: {  	[smem:$0x3FB4] =	sst s10  }
0x38: {  	s10 =	sld [smem:$0x3FB5]  }
0x39: {  	_ = 	snop;
	(pc) =	sbr.ind lr, $3  }
0x3a: {  	_ = 	snop  }
0x3b: {  	_ = 	snop  }
0x3c: {  	p2 =	seq.s32 s10, $0x1;
	s10 =	sld [smem:$0x3FB4]  }
0x3d: {  	_ =	shalt  }
0x3e: {  	_ =	shalt  }
0x3f: {  	_ =	shalt  }
0x40: {  	_ =	shalt  }
0x41: {  	_ =	shalt  }
0x42: {  	_ =	shalt  }
0x43: {  	_ =	shalt  }
0x44: {  	_ =	shalt  }
0x45: {  	_ =	shalt  }
0x46: {  	_ =	shalt  }
0x47: {  	_ =	shalt  }
0x48: {  	_ =	shalt  }
0x49: {  	_ =	shalt  }
0x4a: {  	_ =	shalt  }
0x4b: {  	_ =	shalt  }
0x4c: {  	_ =	shalt  }
0x4d: {  	_ =	shalt  }
0x4e: {  	_ =	shalt  }
0x4f: {  	_ =	shalt  }
0x50: {  	_ =	shalt  }
0x51: {  	_ =	shalt  }
0x52: {  	_ =	shalt  }
0x53: {  	_ =	shalt  }
0x54: {  	_ =	shalt  }
0x55: {  	_ =	shalt  }
0x56: {  	_ =	shalt  }
0x57: {  	_ =	shalt  }
0x58: {  	_ =	shalt  }
0x59: {  	_ =	shalt  }
0x5a: {  	_ =	shalt  }
0x5b: {  	_ =	shalt  }
0x5c: {  	_ =	shalt  }
0x5d: {  	_ =	shalt  }
0x5e: {  	_ =	shalt  }
0x5f: {  	_ =	shalt  }
0x60: {  	_ =	shalt  }
0x61: {  	_ =	shalt  }
0x62: {  	_ =	shalt  }
0x63: {  	_ =	shalt  }
0x64: {  	_ =	shalt  }
0x65: {  	_ =	shalt  }
0x66: {  	_ =	shalt  }
0x67: {  	_ =	shalt  }
0x68: {  	_ =	shalt  }
0x69: {  	_ =	shalt  }
0x6a: {  	_ =	shalt  }
0x6b: {  	_ =	shalt  }
0x6c: {  	_ =	shalt  }
0x6d: {  	_ =	shalt  }
0x6e: {  	_ =	shalt  }
0x6f: {  	_ =	shalt  }
0x70: {  	_ =	shalt  }
0x71: {  	_ =	shalt  }
0x72: {  	_ =	shalt  }
0x73: {  	_ =	shalt  }
0x74: {  	_ =	shalt  }
0x75: {  	_ =	shalt  }
0x76: {  	_ =	shalt  }
0x77: {  	_ =	shalt  }
0x78: {  	_ =	shalt  }
0x79: {  	_ =	shalt  }
0x7a: {  	_ =	shalt  }
0x7b: {  	_ =	shalt  }
0x7c: {  	_ =	shalt  }
0x7d: {  	_ =	shalt  }
0x7e: {  	_ =	shalt  }
0x7f: {  	_ =	shalt  }
0x80: {  	_ =	shalt  }
0x81: {  	_ =	shalt  }
0x82: {  	_ =	shalt  }
0x83: {  	_ =	shalt  }
0x84: {  	_ =	shalt  }
0x85: {  	_ =	shalt  }
0x86: {  	_ =	shalt  }
0x87: {  	_ =	shalt  }
.Lfunc_end0:
.L_simem_size_0:
called_computation.1_lowered:
.L_overlay_start_0:
0x88: {  	s2 =	sld [smem:$0x3FD9]  }
0x89: {  	s3 =	sld [smem:$0x3FFE];
	_ =	sdelay $0x1  }
0x8a: {  	s1 =	srdreg.scid  }
0x8b: {  	s0 =	sand.u32 $0x1, s1  }
0x8c: {  	s17 =	sshll.u32 s0, $0xA;
	s2 =	sadd.s32 s3, s2  }
0x8d: {  	s2 =	sadd.s32 s2, s17  }
0x8e: {  	[smem:$0x3FC0] =	sst s2  }
0x8f: {  	_ = 	snop  }
0x90: {  	s2 =	sld [smem:$0x3FD0];
	(tm) =	ssettm $0x1  }
0x91: {  	s18 =	sld [smem:$0x3FFB];
	_ =	sdelay $0x3  }
0x92: {  	_ =	strace s18  }
0x93: {  	s3 =	sld [smem:$0x3FFC];
	_ =	sdelay $0x3  }
0x94: {  	_ =	strace s3  }
0x95: {  	s3 =	sld [smem:$0x3FFD];
	_ =	sdelay $0x3  }
0x96: {  	_ =	strace s3  }
0x97: {  	_ =	strace $0x8FFFFFFF  }
0x98: {  	s19 =	sld [smem:$0x3FDB];
	_ =	sdelay $0x1  }
0x99: {  	s4 =	simm.s32 $_scs_section_size  }
0x9a: {  	s5 =	simm.s32 $_size__tile_overlayer_lowered;
	s6 =	simm.s32 $_tile_overlayer_lowered  }
0x9b: {  	s22 =	simm.s32 $0x1BFF;
	s21 =	sshll.u32 s6, $0x1;
	s3 =	sadd.s32 s4, s19  }
0x9c: {  	s7 =	simm.s32 $0x0;
	s20 =	sshll.u32 s5, $0x1;
	s5 =	sadd.s32 s21, s3  }
0x9d: {  	[timem:s7], [sflag:s22] =	dma.local [hbm:s5], s20  }
0x9e: {  	_ =	swait.ge [sflag:s22], s20  }
0x9f: {  	s4 =	ssub.s32 $0x0, s20;
	[sflag:s22] =	ssyncset.done $0x0  }
0xa0: {  	[sflag:s22] =	ssyncadd.s32 s4;
	_ =	sdelay $0x1  }
0xa1: {  	s23 =	simm.s32 $0x1B8B  }
0xa2: {  	_ =	swait.ge [sflag:s23], $0x1  }
0xa3: {  	[sflag:s23] =	ssyncset.done $0x0  }
0xa4: {  	s25 =	simm.s32 $0x1B8E;
	s24 =	sld [smem:$0x3FFE];
	[sflag:s23] =	ssyncadd.s32 $0xFFFFFFFF  }
0xa5: {  	s26 =	simm.s32 $execute0_lowered;
	[smem:$0x3FD2] =	sst s25  }
0xa6: {  	s5 =	sshll.u32 s26, $0x1;
	_ =	strace $0x80000049;
	[dreg:$0x1] =	wrdreg $0xFFFFFFFF  }
0xa7: {  	s28 =	simm.s32 $_size_execute0_lowered;
	s3 =	sadd.s32 s3, s5;
	[dreg:$0x0] =	wrdreg $0x0  }
0xa8: {  	s5 =	sshll.u32 s28, $0x1;
	[dreg:$0x2] =	wrdreg s3  }
0xa9: {  	[dreg:$0x3] =	wrdreg s5  }
0xaa: {  	[dreg:$0x4] =	wrdreg $0xC0  }
0xab: {  	_ =	task [dreg:s7], $0x5FFFF  }
0xac: {  	[dreg:$0x1] =	wrdreg $0xFFFFFFFF  }
0xad: {  	[dreg:$0x0] =	wrdreg $0x60  }
0xae: {  	[dreg:$0x2] =	wrdreg s24  }
0xaf: {  	[dreg:$0x3] =	wrdreg s2  }
0xb0: {  	[dreg:$0x4] =	wrdreg $0xB3000  }
0xb1: {  	[dreg:$0x5] =	wrdreg $0x9  }
0xb2: {  	_ =	task.clear_ibuf [dreg:s7], $0x6FFFF;
	_ =	strace $0x90000049  }
0xb3: {  	s29 =	simm.s32 $0x9;
	_ =	strace $0x8000004B  }
0xb4: {  	_ =	swait.ge [sflag:s29], $0x1  }
0xb5: {  	[sflag:s29] =	ssyncadd.s32 $0xFFFFFFFF  }
0xb6: {  	_ =	strace $0x9000004B  }
0xb7: {  	_ =	sfence  }
0xb8: {  	s30 =	sld [smem:$0x0];
	_ =	sdelay $0x2  }
0xb9: {  	s31 =	sshll.u32 s1, $0xD;
	s1 =	sshrl.u32 s1, $0x2  }
0xba: {  	s3 =	sand.u32 $0x4000, s31;
	s1 =	sadd.s32 s1, s30  }
0xbb: {  	s0 =	sor.u32 s3, s0;
	s1 =	sshll.u32 s1, $0x11  }
0xbc: {  	s0 =	sor.u32 s1, s0  }
0xbd: {  	s0 =	sadd.s32 $0x8F2B, s0  }
0xbe: {  	[sflag:s0] =	ssyncadd.remote.s32 $0x1  }
0xbf: {  	_ =	sfence.sel $0xFFFF  }
0xc0: {  	[dreg:$0x0] =	wrdreg $0xFFFFFFFF;
	(pc) =	sbr.abs _section_cstart, $3  }
0xc1: {  	[dreg:$0x1] =	wrdreg $0xFFFFFFFF  }
0xc2: {  	_ =	task.clear_ibuf [dreg:s7], $0x2FFFF;
	_ =	strace $0x9FFFFFFF  }
0xc3: {  	(tm) =	ssettm $0x7FFFFFFF  }
tec
execute0_lowered:
.L_overlay_start_1:
0x0: {  	(tag) =	ssettag $0x1  }
0x1: {  	s0 =	rddreg [dreg:$0x0]  }
0x2: {  	s3 =	rddreg [dreg:$0x2]  }
0x3: {  	s4 =	stileid.u32;
	s8 =	simm.s32 $0x0;
	s1 =	srdreg.scid  }
0x4: {  	s10 =	simm.s32 $0x80;
	s11 =	simm.s32 $0x400;
	s12 =	simm.s32 $0xB  }
0x5: {  	s13 =	simm.s32 $0x28;
	s14 =	simm.s32 $0x4F00;
	s15 =	simm.s32 $0x6300  }
0x6: {  	s17 =	simm.s32 $0x7700;
	s19 =	simm.s32 $0x8B00;
	s28 =	simm.s32 $0x3  }
0x7: {  	s29 =	simm.s32 $0x4;
	s30 =	simm.s32 $0x5;
	s31 =	simm.s32 $0x6  }
0x8: {  	s16 =	simm.s32 $0xA;
	s2 =	sshrl.u32 s4, $0x2;
	s21 =	smul.u32 $0x14000, s4  }
0x9: {  	s1 =	sand.u32 $0x1, s1;
	s5 =	sshll.u32 s4, $0x8;
	s22 =	smul.u32 $0x50000, s4  }
0xa: {  	[smem:$0x7FF] =	sst s8;
	s26 =	sshll.u32 s4, $0x6;
	s2 =	smul.u32 $0x13C00, s2  }
0xb: {  	s6 =	sshll.u32 s1, $0x7;
	s5 =	sand.u32 $0x300, s5;
	s7 =	smul.u32 $0x140000, s1  }
0xc: {  	_ =	strace $0x8000004A;
	s1 =	ssub.s32 $0x2, s1;
	s5 =	sor.u32 s6, s5  }
0xd: {  	s23 =	sshrl.u32 s1, $0x1;
	s24 =	sshrl.u32 s22, $0x2;
	s22 =	simm.s32 $0x0  }
0xe: {  	s2 =	sor.u32 s2, s5;
	s5 =	sadd.s32 $0x17400, s0;
	s6 =	sadd.s32 s21, s7  }
0xf: {  	s1 =	ssub.s32 s1, s23;
	s25 =	sadd.s32 s24, s3;
	s21 =	simm.s32 $0x9F00  }
0x10: {  	s23 =	sor.u32 $0x1C0B, s26;
	s26 =	simm.s32 $0x2;
	s2 =	sshrl.u32 s2, $0x3  }
0x11: {  	s6 =	sshrl.u32 s6, $0x3;
	s9 =	smax.u32 s1, $0x1;
	s24 =	sshrl.u32 s25, $0x3  }
0x12: {  	s25 =	simm.s32 $0x1;
	s1 =	simm.s32 $0x8;
	s2 =	sadd.s32 s2, s0  }
0x13: {  	s0 =	sadd.s32 s6, s0;
	s6 =	sadd.s32 $0xD600, s2;
	s7 =	sadd.s32 $0x3800, s2  }
0x14: {  	s8 =	sadd.s32 $0x3F400, s0;
	s0 =	simm.s32 $0x7;
	s2 =	simm.s32 $0x9  }
.LBB2_1:
0x15: {  	s4 =	simm.s32 $0x0  }
0x16: {  	[tilespmem:s4], [sflag:$0xB] =	stream.strided.gather [hbm4b:s6+s10], $0x2780, s11, s10, $0x38;
	[tilespmem:$0x1F300] =	vst v63  }
0x17: {  	_ =	swait.ge [sflag:s12], $0x2780  }
0x18: {  	[sflag:s12] =	ssyncset.done $0x0  }
0x19: {  	[sflag:s12] =	ssyncadd.s32 $0xFFFFD880  }
0x1a: {  	[tilespmem:s14], [sflag:$0x1] =	stream.indirect.gather [hbm4b:s5+s13], $0x80, s4, s13, $0xb8;
	[tilespmem:$0x1F300] =	vst v63  }
0x1b: {  	_ = 	snop  }
0x1c: {  	[tilespmem:s15], [sflag:$0x2] =	stream.indirect.gather [hbm4b:s5+s13], $0x80, s13, s13, $0xb8;
	[tilespmem:$0x1F300] =	vst v63  }
0x1d: {  	s20 =	simm.s32 $0x50  }
0x1e: {  	[tilespmem:s17], [sflag:$0x3] =	stream.indirect.gather [hbm4b:s5+s13], $0x80, s20, s13, $0xb8;
	[tilespmem:$0x1F300] =	vst v63  }
0x1f: {  	s18 =	simm.s32 $0x78  }
0x20: {  	[tilespmem:s19], [sflag:$0x4] =	stream.indirect.gather [hbm4b:s5+s13], $0x80, s18, s13, $0xb8;
	[tilespmem:$0x1F300] =	vst v63  }
0x21: {  	s20 =	simm.s32 $0xA0  }
0x22: {  	[tilespmem:s21], [sflag:$0x5] =	stream.indirect.gather [hbm4b:s5+s13], $0x80, s20, s13, $0xb8;
	[tilespmem:$0x1F300] =	vst v63  }
0x23: {  	s18 =	simm.s32 $0x2780  }
0x24: {  	[tilespmem:s18], [sflag:$0xB] =	stream.strided.gather [hbm4b:s7+s10], $0x2780, s11, s10, $0x38;
	[tilespmem:$0x1F300] =	vst v63  }
0x25: {  	_ =	swait.ge [sflag:s12], $0x2780  }
0x26: {  	[sflag:s12] =	ssyncset.done $0x0  }
0x27: {  	[sflag:s12] =	ssyncadd.s32 $0xFFFFD880  }
0x28: {  	s20 =	rddreg [dreg:$0x1]  }
0x29: {  	[spmem:s24], [sflag:s23] =	dma.local [hbm:s20], $0x2800  }
0x2a: {  	_ =	swait.ge [sflag:s12], $0x2800  }
0x2b: {  	[sflag:s12] =	ssyncset.done $0x0  }
0x2c: {  	[sflag:s12] =	ssyncadd.s32 $0xFFFFD800  }
0x2d: {  	[bflag:$0x0] =	sbarrier.arrive $0xFFFF  }
0x2e: {  	_ =	swait.ge [sflag:s25], $0x1400  }
0x2f: {  	[sflag:s25] =	ssyncset.done $0x0  }
0x30: {  	s18 =	simm.s32 $0x2780;
	[sflag:s25] =	ssyncadd.s32 $0xFFFFEC00  }
0x31: {  	[spmem:s3] =	stream.indirect.scatter.add.f32 [tilespmem:s14], [sflag:$0x6], $0x80, s18, s13, $0xb8;
	[tilespmem:$0x1F300] =	vst v63  }
0x32: {  	_ =	swait.ge [sflag:s26], $0x1400  }
0x33: {  	[sflag:s26] =	ssyncset.done $0x0  }
0x34: {  	s4 =	simm.s32 $0x27A8;
	[sflag:s26] =	ssyncadd.s32 $0xFFFFEC00  }
0x35: {  	[spmem:s3] =	stream.indirect.scatter.add.f32 [tilespmem:s15], [sflag:$0x7], $0x80, s4, s13, $0xb8;
	[tilespmem:$0x1F300] =	vst v63  }
0x36: {  	_ =	swait.ge [sflag:s28], $0x1400  }
0x37: {  	[sflag:s28] =	ssyncset.done $0x0  }
0x38: {  	s20 =	simm.s32 $0x27D0;
	[sflag:s28] =	ssyncadd.s32 $0xFFFFEC00  }
0x39: {  	[spmem:s3] =	stream.indirect.scatter.add.f32 [tilespmem:s17], [sflag:$0x8], $0x80, s20, s13, $0xb8;
	[tilespmem:$0x1F300] =	vst v63  }
0x3a: {  	_ =	swait.ge [sflag:s29], $0x1400  }
0x3b: {  	[sflag:s29] =	ssyncset.done $0x0  }
0x3c: {  	s4 =	simm.s32 $0x27F8;
	[sflag:s29] =	ssyncadd.s32 $0xFFFFEC00  }
0x3d: {  	[spmem:s3] =	stream.indirect.scatter.add.f32 [tilespmem:s19], [sflag:$0x9], $0x80, s4, s13, $0xb8;
	[tilespmem:$0x1F300] =	vst v63  }
0x3e: {  	_ =	swait.ge [sflag:s30], $0x1400  }
0x3f: {  	[sflag:s30] =	ssyncset.done $0x0  }
0x40: {  	s20 =	simm.s32 $0x2820;
	[sflag:s30] =	ssyncadd.s32 $0xFFFFEC00  }
0x41: {  	[spmem:s3] =	stream.indirect.scatter.add.f32 [tilespmem:s21], [sflag:$0xA], $0x80, s20, s13, $0xb8;
	[tilespmem:$0x1F300] =	vst v63  }
0x42: {  	_ =	swait.ge [sflag:s31], $0x1400  }
0x43: {  	[sflag:s31] =	ssyncset.done $0x0  }
0x44: {  	s4 =	simm.s32 $0xC8;
	[sflag:s31] =	ssyncadd.s32 $0xFFFFEC00  }
0x45: {  	[tilespmem:s14], [sflag:$0x1] =	stream.indirect.gather [hbm4b:s5+s13], $0x80, s4, s13, $0xb8;
	[tilespmem:$0x1F300] =	vst v63  }
0x46: {  	_ =	swait.ge [sflag:s0], $0x1400  }
0x47: {  	[sflag:s0] =	ssyncset.done $0x0  }
0x48: {  	s20 =	simm.s32 $0xF0;
	[sflag:s0] =	ssyncadd.s32 $0xFFFFEC00  }
0x49: {  	[tilespmem:s15], [sflag:$0x2] =	stream.indirect.gather [hbm4b:s5+s13], $0x80, s20, s13, $0xb8;
	[tilespmem:$0x1F300] =	vst v63  }
0x4a: {  	_ =	swait.ge [sflag:s1], $0x1400  }
0x4b: {  	[sflag:s1] =	ssyncset.done $0x0  }
0x4c: {  	s4 =	simm.s32 $0x118;
	[sflag:s1] =	ssyncadd.s32 $0xFFFFEC00  }
0x4d: {  	[tilespmem:s17], [sflag:$0x3] =	stream.indirect.gather [hbm4b:s5+s13], $0x80, s4, s13, $0xb8;
	[tilespmem:$0x1F300] =	vst v63  }
0x4e: {  	_ =	swait.ge [sflag:s2], $0x1400  }
0x4f: {  	[sflag:s2] =	ssyncset.done $0x0  }
0x50: {  	s20 =	simm.s32 $0x140;
	[sflag:s2] =	ssyncadd.s32 $0xFFFFEC00  }
0x51: {  	[tilespmem:s19], [sflag:$0x4] =	stream.indirect.gather [hbm4b:s5+s13], $0x80, s20, s13, $0xb8;
	[tilespmem:$0x1F300] =	vst v63  }
0x52: {  	_ =	swait.ge [sflag:s16], $0x1400  }
0x53: {  	[sflag:s16] =	ssyncset.done $0x0  }
0x54: {  	s18 =	simm.s32 $0x320;
	s20 =	simm.s32 $0x168;
	[sflag:s16] =	ssyncadd.s32 $0xFFFFEC00  }
.LBB2_2:
0x55: {  	[tilespmem:s21], [sflag:$0x5] =	stream.indirect.gather [hbm4b:s5+s13], $0x80, s20, s13, $0xb8;
	[tilespmem:$0x1F300] =	vst v63  }
0x56: {  	s20 =	smov.u32 s18  }
0x57: {  	p0 =	sne.s32 s18, $0x9600;
	s18 =	sadd.s32 $0x320, s18;
	_ =	swait.ge [sflag:s25], $0x1400  }
0x58: {  	s20 =	sshra.s32 s20, $0x2;
	[sflag:s25] =	ssyncset.done $0x0  }
0x59: {  	s4 =	sadd.s32 $0x2780, s20;
	[sflag:s25] =	ssyncadd.s32 $0xFFFFEC00  }
0x5a: {  	[spmem:s3] =	stream.indirect.scatter.add.f32 [tilespmem:s14], [sflag:$0x6], $0x80, s4, s13, $0xb8;
	[tilespmem:$0x1F300] =	vst v63  }
0x5b: {  	_ =	swait.ge [sflag:s26], $0x1400  }
0x5c: {  	[sflag:s26] =	ssyncset.done $0x0  }
0x5d: {  	s4 =	sadd.s32 $0x27A8, s20;
	[sflag:s26] =	ssyncadd.s32 $0xFFFFEC00  }
0x5e: {  	[spmem:s3] =	stream.indirect.scatter.add.f32 [tilespmem:s15], [sflag:$0x7], $0x80, s4, s13, $0xb8;
	[tilespmem:$0x1F300] =	vst v63  }
0x5f: {  	_ =	swait.ge [sflag:s28], $0x1400  }
0x60: {  	[sflag:s28] =	ssyncset.done $0x0  }
0x61: {  	s4 =	sadd.s32 $0x27D0, s20;
	[sflag:s28] =	ssyncadd.s32 $0xFFFFEC00  }
0x62: {  	[spmem:s3] =	stream.indirect.scatter.add.f32 [tilespmem:s17], [sflag:$0x8], $0x80, s4, s13, $0xb8;
	[tilespmem:$0x1F300] =	vst v63  }
0x63: {  	_ =	swait.ge [sflag:s29], $0x1400  }
0x64: {  	[sflag:s29] =	ssyncset.done $0x0  }
0x65: {  	s4 =	sadd.s32 $0x27F8, s20;
	[sflag:s29] =	ssyncadd.s32 $0xFFFFEC00  }
0x66: {  	[spmem:s3] =	stream.indirect.scatter.add.f32 [tilespmem:s19], [sflag:$0x9], $0x80, s4, s13, $0xb8;
	[tilespmem:$0x1F300] =	vst v63  }
0x67: {  	_ =	swait.ge [sflag:s30], $0x1400  }
0x68: {  	[sflag:s30] =	ssyncset.done $0x0  }
0x69: {  	s4 =	sadd.s32 $0x2820, s20;
	[sflag:s30] =	ssyncadd.s32 $0xFFFFEC00  }
0x6a: {  	[spmem:s3] =	stream.indirect.scatter.add.f32 [tilespmem:s21], [sflag:$0xA], $0x80, s4, s13, $0xb8;
	[tilespmem:$0x1F300] =	vst v63  }
0x6b: {  	_ =	swait.ge [sflag:s31], $0x1400  }
0x6c: {  	[sflag:s31] =	ssyncset.done $0x0  }
0x6d: {  	s4 =	sadd.s32 $0xC8, s20;
	[sflag:s31] =	ssyncadd.s32 $0xFFFFEC00  }
0x6e: {  	[tilespmem:s14], [sflag:$0x1] =	stream.indirect.gather [hbm4b:s5+s13], $0x80, s4, s13, $0xb8;
	[tilespmem:$0x1F300] =	vst v63  }
0x6f: {  	_ =	swait.ge [sflag:s0], $0x1400  }
0x70: {  	[sflag:s0] =	ssyncset.done $0x0  }
0x71: {  	s4 =	sadd.s32 $0xF0, s20;
	[sflag:s0] =	ssyncadd.s32 $0xFFFFEC00  }
0x72: {  	[tilespmem:s15], [sflag:$0x2] =	stream.indirect.gather [hbm4b:s5+s13], $0x80, s4, s13, $0xb8;
	[tilespmem:$0x1F300] =	vst v63  }
0x73: {  	_ =	swait.ge [sflag:s1], $0x1400  }
0x74: {  	[sflag:s1] =	ssyncset.done $0x0  }
0x75: {  	s4 =	sadd.s32 $0x118, s20;
	[sflag:s1] =	ssyncadd.s32 $0xFFFFEC00  }
0x76: {  	[tilespmem:s17], [sflag:$0x3] =	stream.indirect.gather [hbm4b:s5+s13], $0x80, s4, s13, $0xb8;
	[tilespmem:$0x1F300] =	vst v63  }
0x77: {  	_ =	swait.ge [sflag:s2], $0x1400  }
0x78: {  	[sflag:s2] =	ssyncset.done $0x0  }
.Ltmp0:
0x79: {  	s4 =	sadd.s32 $0x140, s20;
	[sflag:s2] =	ssyncadd.s32 $0xFFFFEC00;
	(pc) =	sbr.rel @p0 .LBB2_2-.Ltmp0, $4  }
0x7a: {  	[tilespmem:s19], [sflag:$0x4] =	stream.indirect.gather [hbm4b:s5+s13], $0x80, s4, s13, $0xb8;
	[tilespmem:$0x1F300] =	vst v63  }
0x7b: {  	_ =	swait.ge [sflag:s16], $0x1400  }
0x7c: {  	[sflag:s16] =	ssyncset.done $0x0  }
0x7d: {  	s20 =	sadd.s32 $0x168, s20;
	[sflag:s16] =	ssyncadd.s32 $0xFFFFEC00  }
0x7e: {  	[tilespmem:s21], [sflag:$0x5] =	stream.indirect.gather [hbm4b:s5+s13], $0x80, s20, s13, $0xb8;
	[tilespmem:$0x1F300] =	vst v63  }
0x7f: {  	_ =	swait.ge [sflag:s25], $0x1400  }
0x80: {  	[sflag:s25] =	ssyncset.done $0x0  }
0x81: {  	s4 =	simm.s32 $0x4DC8;
	[sflag:s25] =	ssyncadd.s32 $0xFFFFEC00  }
0x82: {  	[spmem:s3] =	stream.indirect.scatter.add.f32 [tilespmem:s14], [sflag:$0x6], $0x80, s4, s13, $0xb8;
	[tilespmem:$0x1F300] =	vst v63  }
0x83: {  	_ =	swait.ge [sflag:s26], $0x1400  }
0x84: {  	[sflag:s26] =	ssyncset.done $0x0  }
0x85: {  	s18 =	simm.s32 $0x4DF0;
	[sflag:s26] =	ssyncadd.s32 $0xFFFFEC00  }
0x86: {  	[spmem:s3] =	stream.indirect.scatter.add.f32 [tilespmem:s15], [sflag:$0x7], $0x80, s18, s13, $0xb8;
	[tilespmem:$0x1F300] =	vst v63  }
0x87: {  	_ =	swait.ge [sflag:s28], $0x1400  }
0x88: {  	[sflag:s28] =	ssyncset.done $0x0  }
0x89: {  	s20 =	simm.s32 $0x4E18;
	[sflag:s28] =	ssyncadd.s32 $0xFFFFEC00  }
0x8a: {  	[spmem:s3] =	stream.indirect.scatter.add.f32 [tilespmem:s17], [sflag:$0x8], $0x80, s20, s13, $0xb8;
	[tilespmem:$0x1F300] =	vst v63  }
0x8b: {  	_ =	swait.ge [sflag:s29], $0x1400  }
0x8c: {  	[sflag:s29] =	ssyncset.done $0x0  }
0x8d: {  	s18 =	simm.s32 $0x4E40;
	[sflag:s29] =	ssyncadd.s32 $0xFFFFEC00  }
0x8e: {  	[spmem:s3] =	stream.indirect.scatter.add.f32 [tilespmem:s19], [sflag:$0x9], $0x80, s18, s13, $0xb8;
	[tilespmem:$0x1F300] =	vst v63  }
0x8f: {  	_ =	swait.ge [sflag:s30], $0x1400  }
0x90: {  	[sflag:s30] =	ssyncset.done $0x0  }
0x91: {  	s20 =	simm.s32 $0x4E68;
	[sflag:s30] =	ssyncadd.s32 $0xFFFFEC00  }
0x92: {  	[spmem:s3] =	stream.indirect.scatter.add.f32 [tilespmem:s21], [sflag:$0xA], $0x80, s20, s13, $0xb8;
	[tilespmem:$0x1F300] =	vst v63  }
0x93: {  	_ =	swait.ge [sflag:s31], $0x1400  }
0x94: {  	[sflag:s31] =	ssyncset.done $0x0  }
0x95: {  	[sflag:s31] =	ssyncadd.s32 $0xFFFFEC00  }
0x96: {  	_ =	swait.ge [sflag:s0], $0x1400  }
0x97: {  	[sflag:s0] =	ssyncset.done $0x0  }
0x98: {  	[sflag:s0] =	ssyncadd.s32 $0xFFFFEC00  }
0x99: {  	_ =	swait.ge [sflag:s1], $0x1400  }
0x9a: {  	[sflag:s1] =	ssyncset.done $0x0  }
0x9b: {  	[sflag:s1] =	ssyncadd.s32 $0xFFFFEC00  }
0x9c: {  	_ =	swait.ge [sflag:s2], $0x1400  }
0x9d: {  	[sflag:s2] =	ssyncset.done $0x0  }
0x9e: {  	[sflag:s2] =	ssyncadd.s32 $0xFFFFEC00  }
0x9f: {  	_ =	swait.ge [sflag:s16], $0x1400  }
0xa0: {  	s22 =	sadd.s32 $0x1, s22;
	[sflag:s16] =	ssyncset.done $0x0  }
0xa1: {  	p0 =	sne.s32 s22, s9;
	[sflag:s16] =	ssyncadd.s32 $0xFFFFEC00  }
.Ltmp1:
0xa2: {  	[bflag:$0x0] =	sbarrier.arrive $0xFFFF;
	(pc) =	sbr.rel @p0 .LBB2_1-.Ltmp1, $4  }
0xa3: {  	[hbm:s8], [sflag:s23] =	dma.local [spmem:s24], $0x2800  }
0xa4: {  	_ =	swait.ge [sflag:s12], $0x2800  }
0xa5: {  	[sflag:s12] =	ssyncset.done $0x0  }
0xa6: {  	[sflag:s12] =	ssyncadd.s32 $0xFFFFD800  }
0xa7: {  	_ =	sfence.sel $0x180000  }
0xa8: {  	[bflag:$0x0] =	sbarrier.arrive $0xFFFF  }
0xa9: {  	_ =	strace $0x9000004A  }
0xaa: {  	s0 =	stileid.u32;
	[bflag:$0x2] =	sbarrier.arrive $0xFFFF  }
0xab: {  	p0 =	sne.s32 s0, $0x0;
	s0 =	rddreg [dreg:$0x3]  }
0xac: {  	s0 =	sadd.s32 @!p0 $0x100000, s0  }
0xad: {  	[sflag:s0] =	ssyncadd.tile.s32 @!p0 $0x1;
	_ =	shalt  }
.Lfunc_end2:
_tile_overlayer_lowered:
.L_overlay_start_2:
0xae: {  	(tag) =	ssettag $0x2  }
0xaf: {  	s0 =	rddreg [dreg:$0x0];
	s2 =	stileid.u32  }
0xb0: {  	s1 =	rddreg [dreg:$0x1];
	p0 =	sne.s32 s2, $0x0  }
0xb1: {  	s3 =	rddreg [dreg:$0x2];
	[bflag:$0x3] =	sbarrier.arrive $0xFFFF;
	s2 =	simm.s32 @!p0 $0x1C0B  }
0xb2: {  	[timem:s3], [sflag:s2] =	dma.local @!p0 [hbm:s0], s1  }
0xb3: {  	s0 =	simm.s32 @!p0 $0xB  }
0xb4: {  	_ =	swait.ge @!p0 [sflag:s0], s1  }
0xb5: {  	s1 =	ssub.s32 @!p0 $0x0, s1;
	[sflag:s0] =	ssyncset.done @!p0 $0x0  }
0xb6: {  	[sflag:s0] =	ssyncadd.s32 @!p0 s1  }
0xb7: {  	[bflag:$0x3] =	sbarrier.arrive $0xFFFF  }
0xb8: {  	_ =	shalt  }

// kernel: kernel.18.cloned.1.call-start
scs
__scs_entry_jumppad:
0x0: {  	(pc) =	sbr.rel $0x88, $3  }
0x1: {  	(tag) =	ssettag $0x0;
	lr =	simm.s32 $0x1  }
0x2: {  	[smem:$0x3F99] =	sst lr;
	_ =	strace $0xD0000000  }
0x3: {  	_ = 	snop  }
0x4: {  	_ = 	snop  }
0x5: {  	_ = 	snop  }
0x6: {  	_ = 	snop  }
0x7: {  	_ = 	snop  }
__scs_overlays_trampoline_lowered:
0x8: {  	[smem:$0x3FA8] =	sst s0  }
0x9: {  	[smem:$0x3FA9] =	sst s1  }
0xa: {  	[smem:$0x3FAA] =	sst s2  }
0xb: {  	[smem:$0x3FAB] =	sst s3  }
0xc: {  	[smem:$0x3FAC] =	sst s4  }
0xd: {  	[smem:$0x3FAD] =	sst s5  }
0xe: {  	[smem:$0x3FAE] =	sst s6  }
0xf: {  	[smem:$0x3FAF] =	sst s7  }
0x10: {  	[smem:$0x3FB0] =	sst s8  }
0x11: {  	[smem:$0x3FB1] =	sst s9;
	s0 =	simm.s32 @!p0 $0x0  }
0x12: {  	s1 =	sld [smem:$0x3F97];
	s0 =	simm.s32 @p0 $0x1  }
0x13: {  	[smem:$0x3FB2] =	sst s0;
	s0 =	simm.s32 @!p1 $0x0  }
0x14: {  	s2 =	sld [smem:$0x3F96];
	s0 =	simm.s32 @p1 $0x1  }
0x15: {  	[smem:$0x3FB3] =	sst s0;
	s0 =	simm.s32 @!p2 $0x0  }
0x16: {  	s3 =	sld [smem:$0x3FDB];
	s0 =	simm.s32 @p2 $0x1  }
0x17: {  	s4 =	simm.s32 $0x1BF5;
	[smem:$0x3FB5] =	sst s0  }
0x18: {  	s0 =	sld [smem:$0x3F98];
	_ =	swait.ge [sflag:s4], $0x0  }
0x19: {  	s7 =	sld [smem:$0x3F99]  }
0x1a: {  	s8 =	sadd.s32 $0xFFFFE003, lr  }
0x1b: {  	s9 =	sadd.s32 $0xFFFFFEF7, lr;
	s5 =	simm.s32 $0xFFFFFFFF;
	p2 =	slt.u32 s8, $0xFFFFF086  }
0x1c: {  	p1 =	slt.u32 s9, $0xF7A;
	s5 =	simm.s32 @!p2 $0x0  }
0x1d: {  	s5 =	simm.s32 @p1 $0x1;
	p0 =	seq.s32 s7, s2  }
0x1e: {  	s7 =	smul.u32 @!p0 $0xF7A, s2;
	p2 =	seq.s32 @!p0 s5, $0x0  }
0x1f: {  	s9 =	smul.u32 $0xF7A, s1;
	s8 =	simm.s32 @!p0 $0x1BF5;
	p2 =	por !p2, p0  }
0x20: {  	[sflag:s8] =	ssyncset.s32 @!p0 $0xFFFFF086;
	s6 =	sadd.s32 @!p0 s3, s7;
	s7 =	simm.s32 @!p0 $0x108  }
0x21: {  	s3 =	sadd.s32 s3, s9;
	s6 =	sadd.s32 @!p0 $0x88, s6;
	s7 =	simm.s32 @p2 $0x1082  }
0x22: {  	[simem:s7], [sflag:s8] =	dma.local @!p0 [hbm:s6], $0xF7A  }
0x23: {  	s9 =	sor.u32 $0xD0000000, s2;
	s6 =	simm.s32 $0x108;
	_ =	swait.ge @!p0 [sflag:s8], $0x0  }
0x24: {  	s3 =	sadd.s32 $0x88, s3;
	s6 =	simm.s32 @!p1 $0x1082;
	[sflag:s4] =	ssyncset.s32 $0xFFFFF086  }
0x25: {  	[simem:s6], [sflag:s4] =	dma.local [hbm:s3], $0xF7A  }
0x26: {  	[smem:$0x3F99] =	sst s1;
	(tag) =	ssettag s2;
	_ =	strace s9  }
0x27: {  	s1 =	sld [smem:$0x3FA9]  }
0x28: {  	s2 =	sld [smem:$0x3FAA]  }
0x29: {  	s4 =	sld [smem:$0x3FAC]  }
0x2a: {  	p0 =	seq.s32 s5, $0x0;
	s5 =	sld [smem:$0x3FAD]  }
0x2b: {  	s6 =	sld [smem:$0x3FAE]  }
0x2c: {  	s7 =	sld [smem:$0x3FAF]  }
0x2d: {  	s3 =	simm.s32 $0x108;
	s8 =	sld [smem:$0x3FB0]  }
0x2e: {  	s3 =	simm.s32 @!p0 $0x1082;
	s9 =	sld [smem:$0x3FB1]  }
0x2f: {  	lr =	sadd.s32 s0, s3;
	s0 =	sld [smem:$0x3FA8]  }
0x30: {  	s3 =	sld [smem:$0x3FAB]  }
0x31: {  	[smem:$0x3FB4] =	sst s10  }
0x32: {  	s10 =	sld [smem:$0x3FB2];
	_ =	sdelay $0x3  }
0x33: {  	p0 =	seq.s32 s10, $0x1;
	s10 =	sld [smem:$0x3FB4];
	_ =	sdelay $0x3  }
0x34: {  	[smem:$0x3FB4] =	sst s10  }
0x35: {  	s10 =	sld [smem:$0x3FB3];
	_ =	sdelay $0x3  }
0x36: {  	p1 =	seq.s32 s10, $0x1;
	s10 =	sld [smem:$0x3FB4];
	_ =	sdelay $0x3  }
0x37: {  	[smem:$0x3FB4] =	sst s10  }
0x38: {  	s10 =	sld [smem:$0x3FB5]  }
0x39: {  	_ = 	snop;
	(pc) =	sbr.ind lr, $3  }
0x3a: {  	_ = 	snop  }
0x3b: {  	_ = 	snop  }
0x3c: {  	p2 =	seq.s32 s10, $0x1;
	s10 =	sld [smem:$0x3FB4]  }
0x3d: {  	_ =	shalt  }
0x3e: {  	_ =	shalt  }
0x3f: {  	_ =	shalt  }
0x40: {  	_ =	shalt  }
0x41: {  	_ =	shalt  }
0x42: {  	_ =	shalt  }
0x43: {  	_ =	shalt  }
0x44: {  	_ =	shalt  }
0x45: {  	_ =	shalt  }
0x46: {  	_ =	shalt  }
0x47: {  	_ =	shalt  }
0x48: {  	_ =	shalt  }
0x49: {  	_ =	shalt  }
0x4a: {  	_ =	shalt  }
0x4b: {  	_ =	shalt  }
0x4c: {  	_ =	shalt  }
0x4d: {  	_ =	shalt  }
0x4e: {  	_ =	shalt  }
0x4f: {  	_ =	shalt  }
0x50: {  	_ =	shalt  }
0x51: {  	_ =	shalt  }
0x52: {  	_ =	shalt  }
0x53: {  	_ =	shalt  }
0x54: {  	_ =	shalt  }
0x55: {  	_ =	shalt  }
0x56: {  	_ =	shalt  }
0x57: {  	_ =	shalt  }
0x58: {  	_ =	shalt  }
0x59: {  	_ =	shalt  }
0x5a: {  	_ =	shalt  }
0x5b: {  	_ =	shalt  }
0x5c: {  	_ =	shalt  }
0x5d: {  	_ =	shalt  }
0x5e: {  	_ =	shalt  }
0x5f: {  	_ =	shalt  }
0x60: {  	_ =	shalt  }
0x61: {  	_ =	shalt  }
0x62: {  	_ =	shalt  }
0x63: {  	_ =	shalt  }
0x64: {  	_ =	shalt  }
0x65: {  	_ =	shalt  }
0x66: {  	_ =	shalt  }
0x67: {  	_ =	shalt  }
0x68: {  	_ =	shalt  }
0x69: {  	_ =	shalt  }
0x6a: {  	_ =	shalt  }
0x6b: {  	_ =	shalt  }
0x6c: {  	_ =	shalt  }
0x6d: {  	_ =	shalt  }
0x6e: {  	_ =	shalt  }
0x6f: {  	_ =	shalt  }
0x70: {  	_ =	shalt  }
0x71: {  	_ =	shalt  }
0x72: {  	_ =	shalt  }
0x73: {  	_ =	shalt  }
0x74: {  	_ =	shalt  }
0x75: {  	_ =	shalt  }
0x76: {  	_ =	shalt  }
0x77: {  	_ =	shalt  }
0x78: {  	_ =	shalt  }
0x79: {  	_ =	shalt  }
0x7a: {  	_ =	shalt  }
0x7b: {  	_ =	shalt  }
0x7c: {  	_ =	shalt  }
0x7d: {  	_ =	shalt  }
0x7e: {  	_ =	shalt  }
0x7f: {  	_ =	shalt  }
0x80: {  	_ =	shalt  }
0x81: {  	_ =	shalt  }
0x82: {  	_ =	shalt  }
0x83: {  	_ =	shalt  }
0x84: {  	_ =	shalt  }
0x85: {  	_ =	shalt  }
0x86: {  	_ =	shalt  }
0x87: {  	_ =	shalt  }
.Lfunc_end0:
.L_simem_size_0:
called_computation.2_lowered:
.L_overlay_start_0:
0x88: {  	s2 =	sld [smem:$0x3FD9]  }
0x89: {  	s3 =	sld [smem:$0x3FFE];
	_ =	sdelay $0x1  }
0x8a: {  	s1 =	srdreg.scid  }
0x8b: {  	s0 =	sand.u32 $0x1, s1  }
0x8c: {  	s17 =	sshll.u32 s0, $0xA;
	s2 =	sadd.s32 s3, s2  }
0x8d: {  	s2 =	sadd.s32 s2, s17  }
0x8e: {  	[smem:$0x3FC0] =	sst s2  }
0x8f: {  	_ = 	snop  }
0x90: {  	s2 =	sld [smem:$0x3FD0];
	(tm) =	ssettm $0x1  }
0x91: {  	s18 =	sld [smem:$0x3FFB];
	_ =	sdelay $0x3  }
0x92: {  	_ =	strace s18  }
0x93: {  	s3 =	sld [smem:$0x3FFC];
	_ =	sdelay $0x3  }
0x94: {  	_ =	strace s3  }
0x95: {  	s3 =	sld [smem:$0x3FFD];
	_ =	sdelay $0x3  }
0x96: {  	_ =	strace s3  }
0x97: {  	_ =	strace $0x8FFFFFFF  }
0x98: {  	s19 =	sld [smem:$0x3FDB];
	_ =	sdelay $0x1  }
0x99: {  	s4 =	simm.s32 $_scs_section_size  }
0x9a: {  	s5 =	simm.s32 $_size__tile_overlayer_lowered;
	s6 =	simm.s32 $_tile_overlayer_lowered  }
0x9b: {  	s22 =	simm.s32 $0x1BFF;
	s21 =	sshll.u32 s6, $0x1;
	s3 =	sadd.s32 s4, s19  }
0x9c: {  	s7 =	simm.s32 $0x0;
	s20 =	sshll.u32 s5, $0x1;
	s5 =	sadd.s32 s21, s3  }
0x9d: {  	[timem:s7], [sflag:s22] =	dma.local [hbm:s5], s20  }
0x9e: {  	_ =	swait.ge [sflag:s22], s20  }
0x9f: {  	s4 =	ssub.s32 $0x0, s20;
	[sflag:s22] =	ssyncset.done $0x0  }
0xa0: {  	[sflag:s22] =	ssyncadd.s32 s4;
	_ =	sdelay $0x1  }
0xa1: {  	s23 =	simm.s32 $0x1B8B  }
0xa2: {  	_ =	swait.ge [sflag:s23], $0x1  }
0xa3: {  	[sflag:s23] =	ssyncset.done $0x0  }
0xa4: {  	s25 =	simm.s32 $0x1B8E;
	s24 =	sld [smem:$0x3FFE];
	[sflag:s23] =	ssyncadd.s32 $0xFFFFFFFF  }
0xa5: {  	s26 =	simm.s32 $execute0_lowered;
	[smem:$0x3FD2] =	sst s25  }
0xa6: {  	s5 =	sshll.u32 s26, $0x1;
	_ =	strace $0x8000004C;
	[dreg:$0x1] =	wrdreg $0xFFFFFFFF  }
0xa7: {  	s28 =	simm.s32 $_size_execute0_lowered;
	s3 =	sadd.s32 s3, s5;
	[dreg:$0x0] =	wrdreg $0x0  }
0xa8: {  	s5 =	sshll.u32 s28, $0x1;
	[dreg:$0x2] =	wrdreg s3  }
0xa9: {  	[dreg:$0x3] =	wrdreg s5  }
0xaa: {  	[dreg:$0x4] =	wrdreg $0xC0  }
0xab: {  	_ =	task [dreg:s7], $0x5FFFF  }
0xac: {  	[dreg:$0x1] =	wrdreg $0xFFFFFFFF  }
0xad: {  	[dreg:$0x0] =	wrdreg $0x60  }
0xae: {  	[dreg:$0x2] =	wrdreg s24  }
0xaf: {  	[dreg:$0x3] =	wrdreg s2  }
0xb0: {  	[dreg:$0x4] =	wrdreg $0xB3000  }
0xb1: {  	[dreg:$0x5] =	wrdreg $0x9  }
0xb2: {  	_ =	task.clear_ibuf [dreg:s7], $0x6FFFF;
	_ =	strace $0x9000004C  }
0xb3: {  	s29 =	simm.s32 $0x9;
	_ =	strace $0x8000004E  }
0xb4: {  	_ =	swait.ge [sflag:s29], $0x1  }
0xb5: {  	[sflag:s29] =	ssyncadd.s32 $0xFFFFFFFF  }
0xb6: {  	_ =	strace $0x9000004E  }
0xb7: {  	_ =	sfence  }
0xb8: {  	s30 =	sld [smem:$0x0];
	_ =	sdelay $0x2  }
0xb9: {  	s31 =	sshll.u32 s1, $0xD;
	s1 =	sshrl.u32 s1, $0x2  }
0xba: {  	s3 =	sand.u32 $0x4000, s31;
	s1 =	sadd.s32 s1, s30  }
0xbb: {  	s0 =	sor.u32 s3, s0;
	s1 =	sshll.u32 s1, $0x11  }
0xbc: {  	s0 =	sor.u32 s1, s0  }
0xbd: {  	s0 =	sadd.s32 $0x8F2B, s0  }
0xbe: {  	[sflag:s0] =	ssyncadd.remote.s32 $0x1  }
0xbf: {  	_ =	sfence.sel $0xFFFF  }
0xc0: {  	[dreg:$0x0] =	wrdreg $0xFFFFFFFF;
	(pc) =	sbr.abs _section_cstart, $3  }
0xc1: {  	[dreg:$0x1] =	wrdreg $0xFFFFFFFF  }
0xc2: {  	_ =	task.clear_ibuf [dreg:s7], $0x2FFFF;
	_ =	strace $0x9FFFFFFF  }
0xc3: {  	(tm) =	ssettm $0x7FFFFFFF  }
tec
execute0_lowered:
.L_overlay_start_1:
0x0: {  	(tag) =	ssettag $0x1  }
0x1: {  	s0 =	rddreg [dreg:$0x0]  }
0x2: {  	s3 =	rddreg [dreg:$0x2]  }
0x3: {  	s4 =	stileid.u32;
	s8 =	simm.s32 $0x0;
	s1 =	srdreg.scid  }
0x4: {  	s10 =	simm.s32 $0x80;
	s11 =	simm.s32 $0x400;
	s12 =	simm.s32 $0xB  }
0x5: {  	s13 =	simm.s32 $0x28;
	s14 =	simm.s32 $0x4F00;
	s15 =	simm.s32 $0x6300  }
0x6: {  	s17 =	simm.s32 $0x7700;
	s19 =	simm.s32 $0x8B00;
	s28 =	simm.s32 $0x3  }
0x7: {  	s29 =	simm.s32 $0x4;
	s30 =	simm.s32 $0x5;
	s31 =	simm.s32 $0x6  }
0x8: {  	s16 =	simm.s32 $0xA;
	s2 =	sshrl.u32 s4, $0x2;
	s21 =	smul.u32 $0x14000, s4  }
0x9: {  	s1 =	sand.u32 $0x1, s1;
	s5 =	sshll.u32 s4, $0x8;
	s22 =	smul.u32 $0x50000, s4  }
0xa: {  	[smem:$0x7FF] =	sst s8;
	s26 =	sshll.u32 s4, $0x6;
	s2 =	smul.u32 $0x13C00, s2  }
0xb: {  	s6 =	sshll.u32 s1, $0x7;
	s5 =	sand.u32 $0x300, s5;
	s7 =	smul.u32 $0x140000, s1  }
0xc: {  	_ =	strace $0x8000004D;
	s1 =	ssub.s32 $0x2, s1;
	s5 =	sor.u32 s6, s5  }
0xd: {  	s23 =	sshrl.u32 s1, $0x1;
	s24 =	sshrl.u32 s22, $0x2;
	s22 =	simm.s32 $0x0  }
0xe: {  	s2 =	sor.u32 s2, s5;
	s5 =	sadd.s32 $0x17400, s0;
	s6 =	sadd.s32 s21, s7  }
0xf: {  	s1 =	ssub.s32 s1, s23;
	s25 =	sadd.s32 s24, s3;
	s21 =	simm.s32 $0x9F00  }
0x10: {  	s23 =	sor.u32 $0x1C0B, s26;
	s26 =	simm.s32 $0x2;
	s2 =	sshrl.u32 s2, $0x3  }
0x11: {  	s6 =	sshrl.u32 s6, $0x3;
	s9 =	smax.u32 s1, $0x1;
	s24 =	sshrl.u32 s25, $0x3  }
0x12: {  	s25 =	simm.s32 $0x1;
	s1 =	simm.s32 $0x8;
	s2 =	sadd.s32 s2, s0  }
0x13: {  	s0 =	sadd.s32 s6, s0;
	s6 =	sadd.s32 $0xD600, s2;
	s7 =	sadd.s32 $0x3800, s2  }
0x14: {  	s8 =	sadd.s32 $0x3F400, s0;
	s0 =	simm.s32 $0x7;
	s2 =	simm.s32 $0x9  }
.LBB2_1:
0x15: {  	s4 =	simm.s32 $0x0  }
0x16: {  	[tilespmem:s4], [sflag:$0xB] =	stream.strided.gather [hbm4b:s6+s10], $0x2780, s11, s10, $0x38;
	[tilespmem:$0x1F300] =	vst v63  }
0x17: {  	_ =	swait.ge [sflag:s12], $0x2780  }
0x18: {  	[sflag:s12] =	ssyncset.done $0x0  }
0x19: {  	[sflag:s12] =	ssyncadd.s32 $0xFFFFD880  }
0x1a: {  	[tilespmem:s14], [sflag:$0x1] =	stream.indirect.gather [hbm4b:s5+s13], $0x80, s4, s13, $0xb8;
	[tilespmem:$0x1F300] =	vst v63  }
0x1b: {  	_ = 	snop  }
0x1c: {  	[tilespmem:s15], [sflag:$0x2] =	stream.indirect.gather [hbm4b:s5+s13], $0x80, s13, s13, $0xb8;
	[tilespmem:$0x1F300] =	vst v63  }
0x1d: {  	s20 =	simm.s32 $0x50  }
0x1e: {  	[tilespmem:s17], [sflag:$0x3] =	stream.indirect.gather [hbm4b:s5+s13], $0x80, s20, s13, $0xb8;
	[tilespmem:$0x1F300] =	vst v63  }
0x1f: {  	s18 =	simm.s32 $0x78  }
0x20: {  	[tilespmem:s19], [sflag:$0x4] =	stream.indirect.gather [hbm4b:s5+s13], $0x80, s18, s13, $0xb8;
	[tilespmem:$0x1F300] =	vst v63  }
0x21: {  	s20 =	simm.s32 $0xA0  }
0x22: {  	[tilespmem:s21], [sflag:$0x5] =	stream.indirect.gather [hbm4b:s5+s13], $0x80, s20, s13, $0xb8;
	[tilespmem:$0x1F300] =	vst v63  }
0x23: {  	s18 =	simm.s32 $0x2780  }
0x24: {  	[tilespmem:s18], [sflag:$0xB] =	stream.strided.gather [hbm4b:s7+s10], $0x2780, s11, s10, $0x38;
	[tilespmem:$0x1F300] =	vst v63  }
0x25: {  	_ =	swait.ge [sflag:s12], $0x2780  }
0x26: {  	[sflag:s12] =	ssyncset.done $0x0  }
0x27: {  	[sflag:s12] =	ssyncadd.s32 $0xFFFFD880  }
0x28: {  	s20 =	rddreg [dreg:$0x1]  }
0x29: {  	[spmem:s24], [sflag:s23] =	dma.local [hbm:s20], $0x2800  }
0x2a: {  	_ =	swait.ge [sflag:s12], $0x2800  }
0x2b: {  	[sflag:s12] =	ssyncset.done $0x0  }
0x2c: {  	[sflag:s12] =	ssyncadd.s32 $0xFFFFD800  }
0x2d: {  	[bflag:$0x0] =	sbarrier.arrive $0xFFFF  }
0x2e: {  	_ =	swait.ge [sflag:s25], $0x1400  }
0x2f: {  	[sflag:s25] =	ssyncset.done $0x0  }
0x30: {  	s18 =	simm.s32 $0x2780;
	[sflag:s25] =	ssyncadd.s32 $0xFFFFEC00  }
0x31: {  	[spmem:s3] =	stream.indirect.scatter.add.f32 [tilespmem:s14], [sflag:$0x6], $0x80, s18, s13, $0xb8;
	[tilespmem:$0x1F300] =	vst v63  }
0x32: {  	_ =	swait.ge [sflag:s26], $0x1400  }
0x33: {  	[sflag:s26] =	ssyncset.done $0x0  }
0x34: {  	s4 =	simm.s32 $0x27A8;
	[sflag:s26] =	ssyncadd.s32 $0xFFFFEC00  }
0x35: {  	[spmem:s3] =	stream.indirect.scatter.add.f32 [tilespmem:s15], [sflag:$0x7], $0x80, s4, s13, $0xb8;
	[tilespmem:$0x1F300] =	vst v63  }
0x36: {  	_ =	swait.ge [sflag:s28], $0x1400  }
0x37: {  	[sflag:s28] =	ssyncset.done $0x0  }
0x38: {  	s20 =	simm.s32 $0x27D0;
	[sflag:s28] =	ssyncadd.s32 $0xFFFFEC00  }
0x39: {  	[spmem:s3] =	stream.indirect.scatter.add.f32 [tilespmem:s17], [sflag:$0x8], $0x80, s20, s13, $0xb8;
	[tilespmem:$0x1F300] =	vst v63  }
0x3a: {  	_ =	swait.ge [sflag:s29], $0x1400  }
0x3b: {  	[sflag:s29] =	ssyncset.done $0x0  }
0x3c: {  	s4 =	simm.s32 $0x27F8;
	[sflag:s29] =	ssyncadd.s32 $0xFFFFEC00  }
0x3d: {  	[spmem:s3] =	stream.indirect.scatter.add.f32 [tilespmem:s19], [sflag:$0x9], $0x80, s4, s13, $0xb8;
	[tilespmem:$0x1F300] =	vst v63  }
0x3e: {  	_ =	swait.ge [sflag:s30], $0x1400  }
0x3f: {  	[sflag:s30] =	ssyncset.done $0x0  }
0x40: {  	s20 =	simm.s32 $0x2820;
	[sflag:s30] =	ssyncadd.s32 $0xFFFFEC00  }
0x41: {  	[spmem:s3] =	stream.indirect.scatter.add.f32 [tilespmem:s21], [sflag:$0xA], $0x80, s20, s13, $0xb8;
	[tilespmem:$0x1F300] =	vst v63  }
0x42: {  	_ =	swait.ge [sflag:s31], $0x1400  }
0x43: {  	[sflag:s31] =	ssyncset.done $0x0  }
0x44: {  	s4 =	simm.s32 $0xC8;
	[sflag:s31] =	ssyncadd.s32 $0xFFFFEC00  }
0x45: {  	[tilespmem:s14], [sflag:$0x1] =	stream.indirect.gather [hbm4b:s5+s13], $0x80, s4, s13, $0xb8;
	[tilespmem:$0x1F300] =	vst v63  }
0x46: {  	_ =	swait.ge [sflag:s0], $0x1400  }
0x47: {  	[sflag:s0] =	ssyncset.done $0x0  }
0x48: {  	s20 =	simm.s32 $0xF0;
	[sflag:s0] =	ssyncadd.s32 $0xFFFFEC00  }
0x49: {  	[tilespmem:s15], [sflag:$0x2] =	stream.indirect.gather [hbm4b:s5+s13], $0x80, s20, s13, $0xb8;
	[tilespmem:$0x1F300] =	vst v63  }
0x4a: {  	_ =	swait.ge [sflag:s1], $0x1400  }
0x4b: {  	[sflag:s1] =	ssyncset.done $0x0  }
0x4c: {  	s4 =	simm.s32 $0x118;
	[sflag:s1] =	ssyncadd.s32 $0xFFFFEC00  }
0x4d: {  	[tilespmem:s17], [sflag:$0x3] =	stream.indirect.gather [hbm4b:s5+s13], $0x80, s4, s13, $0xb8;
	[tilespmem:$0x1F300] =	vst v63  }
0x4e: {  	_ =	swait.ge [sflag:s2], $0x1400  }
0x4f: {  	[sflag:s2] =	ssyncset.done $0x0  }
0x50: {  	s20 =	simm.s32 $0x140;
	[sflag:s2] =	ssyncadd.s32 $0xFFFFEC00  }
0x51: {  	[tilespmem:s19], [sflag:$0x4] =	stream.indirect.gather [hbm4b:s5+s13], $0x80, s20, s13, $0xb8;
	[tilespmem:$0x1F300] =	vst v63  }
0x52: {  	_ =	swait.ge [sflag:s16], $0x1400  }
0x53: {  	[sflag:s16] =	ssyncset.done $0x0  }
0x54: {  	s18 =	simm.s32 $0x320;
	s20 =	simm.s32 $0x168;
	[sflag:s16] =	ssyncadd.s32 $0xFFFFEC00  }
.LBB2_2:
0x55: {  	[tilespmem:s21], [sflag:$0x5] =	stream.indirect.gather [hbm4b:s5+s13], $0x80, s20, s13, $0xb8;
	[tilespmem:$0x1F300] =	vst v63  }
0x56: {  	s20 =	smov.u32 s18  }
0x57: {  	p0 =	sne.s32 s18, $0x9600;
	s18 =	sadd.s32 $0x320, s18;
	_ =	swait.ge [sflag:s25], $0x1400  }
0x58: {  	s20 =	sshra.s32 s20, $0x2;
	[sflag:s25] =	ssyncset.done $0x0  }
0x59: {  	s4 =	sadd.s32 $0x2780, s20;
	[sflag:s25] =	ssyncadd.s32 $0xFFFFEC00  }
0x5a: {  	[spmem:s3] =	stream.indirect.scatter.add.f32 [tilespmem:s14], [sflag:$0x6], $0x80, s4, s13, $0xb8;
	[tilespmem:$0x1F300] =	vst v63  }
0x5b: {  	_ =	swait.ge [sflag:s26], $0x1400  }
0x5c: {  	[sflag:s26] =	ssyncset.done $0x0  }
0x5d: {  	s4 =	sadd.s32 $0x27A8, s20;
	[sflag:s26] =	ssyncadd.s32 $0xFFFFEC00  }
0x5e: {  	[spmem:s3] =	stream.indirect.scatter.add.f32 [tilespmem:s15], [sflag:$0x7], $0x80, s4, s13, $0xb8;
	[tilespmem:$0x1F300] =	vst v63  }
0x5f: {  	_ =	swait.ge [sflag:s28], $0x1400  }
0x60: {  	[sflag:s28] =	ssyncset.done $0x0  }
0x61: {  	s4 =	sadd.s32 $0x27D0, s20;
	[sflag:s28] =	ssyncadd.s32 $0xFFFFEC00  }
0x62: {  	[spmem:s3] =	stream.indirect.scatter.add.f32 [tilespmem:s17], [sflag:$0x8], $0x80, s4, s13, $0xb8;
	[tilespmem:$0x1F300] =	vst v63  }
0x63: {  	_ =	swait.ge [sflag:s29], $0x1400  }
0x64: {  	[sflag:s29] =	ssyncset.done $0x0  }
0x65: {  	s4 =	sadd.s32 $0x27F8, s20;
	[sflag:s29] =	ssyncadd.s32 $0xFFFFEC00  }
0x66: {  	[spmem:s3] =	stream.indirect.scatter.add.f32 [tilespmem:s19], [sflag:$0x9], $0x80, s4, s13, $0xb8;
	[tilespmem:$0x1F300] =	vst v63  }
0x67: {  	_ =	swait.ge [sflag:s30], $0x1400  }
0x68: {  	[sflag:s30] =	ssyncset.done $0x0  }
0x69: {  	s4 =	sadd.s32 $0x2820, s20;
	[sflag:s30] =	ssyncadd.s32 $0xFFFFEC00  }
0x6a: {  	[spmem:s3] =	stream.indirect.scatter.add.f32 [tilespmem:s21], [sflag:$0xA], $0x80, s4, s13, $0xb8;
	[tilespmem:$0x1F300] =	vst v63  }
0x6b: {  	_ =	swait.ge [sflag:s31], $0x1400  }
0x6c: {  	[sflag:s31] =	ssyncset.done $0x0  }
0x6d: {  	s4 =	sadd.s32 $0xC8, s20;
	[sflag:s31] =	ssyncadd.s32 $0xFFFFEC00  }
0x6e: {  	[tilespmem:s14], [sflag:$0x1] =	stream.indirect.gather [hbm4b:s5+s13], $0x80, s4, s13, $0xb8;
	[tilespmem:$0x1F300] =	vst v63  }
0x6f: {  	_ =	swait.ge [sflag:s0], $0x1400  }
0x70: {  	[sflag:s0] =	ssyncset.done $0x0  }
0x71: {  	s4 =	sadd.s32 $0xF0, s20;
	[sflag:s0] =	ssyncadd.s32 $0xFFFFEC00  }
0x72: {  	[tilespmem:s15], [sflag:$0x2] =	stream.indirect.gather [hbm4b:s5+s13], $0x80, s4, s13, $0xb8;
	[tilespmem:$0x1F300] =	vst v63  }
0x73: {  	_ =	swait.ge [sflag:s1], $0x1400  }
0x74: {  	[sflag:s1] =	ssyncset.done $0x0  }
0x75: {  	s4 =	sadd.s32 $0x118, s20;
	[sflag:s1] =	ssyncadd.s32 $0xFFFFEC00  }
0x76: {  	[tilespmem:s17], [sflag:$0x3] =	stream.indirect.gather [hbm4b:s5+s13], $0x80, s4, s13, $0xb8;
	[tilespmem:$0x1F300] =	vst v63  }
0x77: {  	_ =	swait.ge [sflag:s2], $0x1400  }
0x78: {  	[sflag:s2] =	ssyncset.done $0x0  }
.Ltmp0:
0x79: {  	s4 =	sadd.s32 $0x140, s20;
	[sflag:s2] =	ssyncadd.s32 $0xFFFFEC00;
	(pc) =	sbr.rel @p0 .LBB2_2-.Ltmp0, $4  }
0x7a: {  	[tilespmem:s19], [sflag:$0x4] =	stream.indirect.gather [hbm4b:s5+s13], $0x80, s4, s13, $0xb8;
	[tilespmem:$0x1F300] =	vst v63  }
0x7b: {  	_ =	swait.ge [sflag:s16], $0x1400  }
0x7c: {  	[sflag:s16] =	ssyncset.done $0x0  }
0x7d: {  	s20 =	sadd.s32 $0x168, s20;
	[sflag:s16] =	ssyncadd.s32 $0xFFFFEC00  }
0x7e: {  	[tilespmem:s21], [sflag:$0x5] =	stream.indirect.gather [hbm4b:s5+s13], $0x80, s20, s13, $0xb8;
	[tilespmem:$0x1F300] =	vst v63  }
0x7f: {  	_ =	swait.ge [sflag:s25], $0x1400  }
0x80: {  	[sflag:s25] =	ssyncset.done $0x0  }
0x81: {  	s4 =	simm.s32 $0x4DC8;
	[sflag:s25] =	ssyncadd.s32 $0xFFFFEC00  }
0x82: {  	[spmem:s3] =	stream.indirect.scatter.add.f32 [tilespmem:s14], [sflag:$0x6], $0x80, s4, s13, $0xb8;
	[tilespmem:$0x1F300] =	vst v63  }
0x83: {  	_ =	swait.ge [sflag:s26], $0x1400  }
0x84: {  	[sflag:s26] =	ssyncset.done $0x0  }
0x85: {  	s18 =	simm.s32 $0x4DF0;
	[sflag:s26] =	ssyncadd.s32 $0xFFFFEC00  }
0x86: {  	[spmem:s3] =	stream.indirect.scatter.add.f32 [tilespmem:s15], [sflag:$0x7], $0x80, s18, s13, $0xb8;
	[tilespmem:$0x1F300] =	vst v63  }
0x87: {  	_ =	swait.ge [sflag:s28], $0x1400  }
0x88: {  	[sflag:s28] =	ssyncset.done $0x0  }
0x89: {  	s20 =	simm.s32 $0x4E18;
	[sflag:s28] =	ssyncadd.s32 $0xFFFFEC00  }
0x8a: {  	[spmem:s3] =	stream.indirect.scatter.add.f32 [tilespmem:s17], [sflag:$0x8], $0x80, s20, s13, $0xb8;
	[tilespmem:$0x1F300] =	vst v63  }
0x8b: {  	_ =	swait.ge [sflag:s29], $0x1400  }
0x8c: {  	[sflag:s29] =	ssyncset.done $0x0  }
0x8d: {  	s18 =	simm.s32 $0x4E40;
	[sflag:s29] =	ssyncadd.s32 $0xFFFFEC00  }
0x8e: {  	[spmem:s3] =	stream.indirect.scatter.add.f32 [tilespmem:s19], [sflag:$0x9], $0x80, s18, s13, $0xb8;
	[tilespmem:$0x1F300] =	vst v63  }
0x8f: {  	_ =	swait.ge [sflag:s30], $0x1400  }
0x90: {  	[sflag:s30] =	ssyncset.done $0x0  }
0x91: {  	s20 =	simm.s32 $0x4E68;
	[sflag:s30] =	ssyncadd.s32 $0xFFFFEC00  }
0x92: {  	[spmem:s3] =	stream.indirect.scatter.add.f32 [tilespmem:s21], [sflag:$0xA], $0x80, s20, s13, $0xb8;
	[tilespmem:$0x1F300] =	vst v63  }
0x93: {  	_ =	swait.ge [sflag:s31], $0x1400  }
0x94: {  	[sflag:s31] =	ssyncset.done $0x0  }
0x95: {  	[sflag:s31] =	ssyncadd.s32 $0xFFFFEC00  }
0x96: {  	_ =	swait.ge [sflag:s0], $0x1400  }
0x97: {  	[sflag:s0] =	ssyncset.done $0x0  }
0x98: {  	[sflag:s0] =	ssyncadd.s32 $0xFFFFEC00  }
0x99: {  	_ =	swait.ge [sflag:s1], $0x1400  }
0x9a: {  	[sflag:s1] =	ssyncset.done $0x0  }
0x9b: {  	[sflag:s1] =	ssyncadd.s32 $0xFFFFEC00  }
0x9c: {  	_ =	swait.ge [sflag:s2], $0x1400  }
0x9d: {  	[sflag:s2] =	ssyncset.done $0x0  }
0x9e: {  	[sflag:s2] =	ssyncadd.s32 $0xFFFFEC00  }
0x9f: {  	_ =	swait.ge [sflag:s16], $0x1400  }
0xa0: {  	s22 =	sadd.s32 $0x1, s22;
	[sflag:s16] =	ssyncset.done $0x0  }
0xa1: {  	p0 =	sne.s32 s22, s9;
	[sflag:s16] =	ssyncadd.s32 $0xFFFFEC00  }
.Ltmp1:
0xa2: {  	[bflag:$0x0] =	sbarrier.arrive $0xFFFF;
	(pc) =	sbr.rel @p0 .LBB2_1-.Ltmp1, $4  }
0xa3: {  	[hbm:s8], [sflag:s23] =	dma.local [spmem:s24], $0x2800  }
0xa4: {  	_ =	swait.ge [sflag:s12], $0x2800  }
0xa5: {  	[sflag:s12] =	ssyncset.done $0x0  }
0xa6: {  	[sflag:s12] =	ssyncadd.s32 $0xFFFFD800  }
0xa7: {  	_ =	sfence.sel $0x180000  }
0xa8: {  	[bflag:$0x0] =	sbarrier.arrive $0xFFFF  }
0xa9: {  	_ =	strace $0x9000004D  }
0xaa: {  	s0 =	stileid.u32;
	[bflag:$0x2] =	sbarrier.arrive $0xFFFF  }
0xab: {  	p0 =	sne.s32 s0, $0x0;
	s0 =	rddreg [dreg:$0x3]  }
0xac: {  	s0 =	sadd.s32 @!p0 $0x100000, s0  }
0xad: {  	[sflag:s0] =	ssyncadd.tile.s32 @!p0 $0x1;
	_ =	shalt  }
.Lfunc_end2:
_tile_overlayer_lowered:
.L_overlay_start_2:
0xae: {  	(tag) =	ssettag $0x2  }
0xaf: {  	s0 =	rddreg [dreg:$0x0];
	s2 =	stileid.u32  }
0xb0: {  	s1 =	rddreg [dreg:$0x1];
	p0 =	sne.s32 s2, $0x0  }
0xb1: {  	s3 =	rddreg [dreg:$0x2];
	[bflag:$0x3] =	sbarrier.arrive $0xFFFF;
	s2 =	simm.s32 @!p0 $0x1C0B  }
0xb2: {  	[timem:s3], [sflag:s2] =	dma.local @!p0 [hbm:s0], s1  }
0xb3: {  	s0 =	simm.s32 @!p0 $0xB  }
0xb4: {  	_ =	swait.ge @!p0 [sflag:s0], s1  }
0xb5: {  	s1 =	ssub.s32 @!p0 $0x0, s1;
	[sflag:s0] =	ssyncset.done @!p0 $0x0  }
0xb6: {  	[sflag:s0] =	ssyncadd.s32 @!p0 s1  }
0xb7: {  	[bflag:$0x3] =	sbarrier.arrive $0xFFFF  }
0xb8: {  	_ =	shalt  }

// kernel: kernel.21.cloned.1.call-start
scs
__scs_entry_jumppad:
0x0: {  	(pc) =	sbr.rel $0x88, $3  }
0x1: {  	(tag) =	ssettag $0x0;
	lr =	simm.s32 $0x1  }
0x2: {  	[smem:$0x3F99] =	sst lr;
	_ =	strace $0xD0000000  }
0x3: {  	_ = 	snop  }
0x4: {  	_ = 	snop  }
0x5: {  	_ = 	snop  }
0x6: {  	_ = 	snop  }
0x7: {  	_ = 	snop  }
__scs_overlays_trampoline_lowered:
0x8: {  	[smem:$0x3FA8] =	sst s0  }
0x9: {  	[smem:$0x3FA9] =	sst s1  }
0xa: {  	[smem:$0x3FAA] =	sst s2  }
0xb: {  	[smem:$0x3FAB] =	sst s3  }
0xc: {  	[smem:$0x3FAC] =	sst s4  }
0xd: {  	[smem:$0x3FAD] =	sst s5  }
0xe: {  	[smem:$0x3FAE] =	sst s6  }
0xf: {  	[smem:$0x3FAF] =	sst s7  }
0x10: {  	[smem:$0x3FB0] =	sst s8  }
0x11: {  	[smem:$0x3FB1] =	sst s9;
	s0 =	simm.s32 @!p0 $0x0  }
0x12: {  	s1 =	sld [smem:$0x3F97];
	s0 =	simm.s32 @p0 $0x1  }
0x13: {  	[smem:$0x3FB2] =	sst s0;
	s0 =	simm.s32 @!p1 $0x0  }
0x14: {  	s2 =	sld [smem:$0x3F96];
	s0 =	simm.s32 @p1 $0x1  }
0x15: {  	[smem:$0x3FB3] =	sst s0;
	s0 =	simm.s32 @!p2 $0x0  }
0x16: {  	s3 =	sld [smem:$0x3FDB];
	s0 =	simm.s32 @p2 $0x1  }
0x17: {  	s4 =	simm.s32 $0x1BF5;
	[smem:$0x3FB5] =	sst s0  }
0x18: {  	s0 =	sld [smem:$0x3F98];
	_ =	swait.ge [sflag:s4], $0x0  }
0x19: {  	s7 =	sld [smem:$0x3F99]  }
0x1a: {  	s8 =	sadd.s32 $0xFFFFE003, lr  }
0x1b: {  	s9 =	sadd.s32 $0xFFFFFEF7, lr;
	s5 =	simm.s32 $0xFFFFFFFF;
	p2 =	slt.u32 s8, $0xFFFFF086  }
0x1c: {  	p1 =	slt.u32 s9, $0xF7A;
	s5 =	simm.s32 @!p2 $0x0  }
0x1d: {  	s5 =	simm.s32 @p1 $0x1;
	p0 =	seq.s32 s7, s2  }
0x1e: {  	s7 =	smul.u32 @!p0 $0xF7A, s2;
	p2 =	seq.s32 @!p0 s5, $0x0  }
0x1f: {  	s9 =	smul.u32 $0xF7A, s1;
	s8 =	simm.s32 @!p0 $0x1BF5;
	p2 =	por !p2, p0  }
0x20: {  	[sflag:s8] =	ssyncset.s32 @!p0 $0xFFFFF086;
	s6 =	sadd.s32 @!p0 s3, s7;
	s7 =	simm.s32 @!p0 $0x108  }
0x21: {  	s3 =	sadd.s32 s3, s9;
	s6 =	sadd.s32 @!p0 $0x88, s6;
	s7 =	simm.s32 @p2 $0x1082  }
0x22: {  	[simem:s7], [sflag:s8] =	dma.local @!p0 [hbm:s6], $0xF7A  }
0x23: {  	s9 =	sor.u32 $0xD0000000, s2;
	s6 =	simm.s32 $0x108;
	_ =	swait.ge @!p0 [sflag:s8], $0x0  }
0x24: {  	s3 =	sadd.s32 $0x88, s3;
	s6 =	simm.s32 @!p1 $0x1082;
	[sflag:s4] =	ssyncset.s32 $0xFFFFF086  }
0x25: {  	[simem:s6], [sflag:s4] =	dma.local [hbm:s3], $0xF7A  }
0x26: {  	[smem:$0x3F99] =	sst s1;
	(tag) =	ssettag s2;
	_ =	strace s9  }
0x27: {  	s1 =	sld [smem:$0x3FA9]  }
0x28: {  	s2 =	sld [smem:$0x3FAA]  }
0x29: {  	s4 =	sld [smem:$0x3FAC]  }
0x2a: {  	p0 =	seq.s32 s5, $0x0;
	s5 =	sld [smem:$0x3FAD]  }
0x2b: {  	s6 =	sld [smem:$0x3FAE]  }
0x2c: {  	s7 =	sld [smem:$0x3FAF]  }
0x2d: {  	s3 =	simm.s32 $0x108;
	s8 =	sld [smem:$0x3FB0]  }
0x2e: {  	s3 =	simm.s32 @!p0 $0x1082;
	s9 =	sld [smem:$0x3FB1]  }
0x2f: {  	lr =	sadd.s32 s0, s3;
	s0 =	sld [smem:$0x3FA8]  }
0x30: {  	s3 =	sld [smem:$0x3FAB]  }
0x31: {  	[smem:$0x3FB4] =	sst s10  }
0x32: {  	s10 =	sld [smem:$0x3FB2];
	_ =	sdelay $0x3  }
0x33: {  	p0 =	seq.s32 s10, $0x1;
	s10 =	sld [smem:$0x3FB4];
	_ =	sdelay $0x3  }
0x34: {  	[smem:$0x3FB4] =	sst s10  }
0x35: {  	s10 =	sld [smem:$0x3FB3];
	_ =	sdelay $0x3  }
0x36: {  	p1 =	seq.s32 s10, $0x1;
	s10 =	sld [smem:$0x3FB4];
	_ =	sdelay $0x3  }
0x37: {  	[smem:$0x3FB4] =	sst s10  }
0x38: {  	s10 =	sld [smem:$0x3FB5]  }
0x39: {  	_ = 	snop;
	(pc) =	sbr.ind lr, $3  }
0x3a: {  	_ = 	snop  }
0x3b: {  	_ = 	snop  }
0x3c: {  	p2 =	seq.s32 s10, $0x1;
	s10 =	sld [smem:$0x3FB4]  }
0x3d: {  	_ =	shalt  }
0x3e: {  	_ =	shalt  }
0x3f: {  	_ =	shalt  }
0x40: {  	_ =	shalt  }
0x41: {  	_ =	shalt  }
0x42: {  	_ =	shalt  }
0x43: {  	_ =	shalt  }
0x44: {  	_ =	shalt  }
0x45: {  	_ =	shalt  }
0x46: {  	_ =	shalt  }
0x47: {  	_ =	shalt  }
0x48: {  	_ =	shalt  }
0x49: {  	_ =	shalt  }
0x4a: {  	_ =	shalt  }
0x4b: {  	_ =	shalt  }
0x4c: {  	_ =	shalt  }
0x4d: {  	_ =	shalt  }
0x4e: {  	_ =	shalt  }
0x4f: {  	_ =	shalt  }
0x50: {  	_ =	shalt  }
0x51: {  	_ =	shalt  }
0x52: {  	_ =	shalt  }
0x53: {  	_ =	shalt  }
0x54: {  	_ =	shalt  }
0x55: {  	_ =	shalt  }
0x56: {  	_ =	shalt  }
0x57: {  	_ =	shalt  }
0x58: {  	_ =	shalt  }
0x59: {  	_ =	shalt  }
0x5a: {  	_ =	shalt  }
0x5b: {  	_ =	shalt  }
0x5c: {  	_ =	shalt  }
0x5d: {  	_ =	shalt  }
0x5e: {  	_ =	shalt  }
0x5f: {  	_ =	shalt  }
0x60: {  	_ =	shalt  }
0x61: {  	_ =	shalt  }
0x62: {  	_ =	shalt  }
0x63: {  	_ =	shalt  }
0x64: {  	_ =	shalt  }
0x65: {  	_ =	shalt  }
0x66: {  	_ =	shalt  }
0x67: {  	_ =	shalt  }
0x68: {  	_ =	shalt  }
0x69: {  	_ =	shalt  }
0x6a: {  	_ =	shalt  }
0x6b: {  	_ =	shalt  }
0x6c: {  	_ =	shalt  }
0x6d: {  	_ =	shalt  }
0x6e: {  	_ =	shalt  }
0x6f: {  	_ =	shalt  }
0x70: {  	_ =	shalt  }
0x71: {  	_ =	shalt  }
0x72: {  	_ =	shalt  }
0x73: {  	_ =	shalt  }
0x74: {  	_ =	shalt  }
0x75: {  	_ =	shalt  }
0x76: {  	_ =	shalt  }
0x77: {  	_ =	shalt  }
0x78: {  	_ =	shalt  }
0x79: {  	_ =	shalt  }
0x7a: {  	_ =	shalt  }
0x7b: {  	_ =	shalt  }
0x7c: {  	_ =	shalt  }
0x7d: {  	_ =	shalt  }
0x7e: {  	_ =	shalt  }
0x7f: {  	_ =	shalt  }
0x80: {  	_ =	shalt  }
0x81: {  	_ =	shalt  }
0x82: {  	_ =	shalt  }
0x83: {  	_ =	shalt  }
0x84: {  	_ =	shalt  }
0x85: {  	_ =	shalt  }
0x86: {  	_ =	shalt  }
0x87: {  	_ =	shalt  }
.Lfunc_end0:
.L_simem_size_0:
called_computation.3_lowered:
.L_overlay_start_0:
0x88: {  	s2 =	sld [smem:$0x3FD9]  }
0x89: {  	s3 =	sld [smem:$0x3FFE];
	_ =	sdelay $0x1  }
0x8a: {  	s1 =	srdreg.scid  }
0x8b: {  	s0 =	sand.u32 $0x1, s1  }
0x8c: {  	s17 =	sshll.u32 s0, $0xA;
	s2 =	sadd.s32 s3, s2  }
0x8d: {  	s2 =	sadd.s32 s2, s17  }
0x8e: {  	[smem:$0x3FC0] =	sst s2  }
0x8f: {  	_ = 	snop  }
0x90: {  	s2 =	sld [smem:$0x3FD0];
	(tm) =	ssettm $0x1  }
0x91: {  	s18 =	sld [smem:$0x3FFB];
	_ =	sdelay $0x3  }
0x92: {  	_ =	strace s18  }
0x93: {  	s3 =	sld [smem:$0x3FFC];
	_ =	sdelay $0x3  }
0x94: {  	_ =	strace s3  }
0x95: {  	s3 =	sld [smem:$0x3FFD];
	_ =	sdelay $0x3  }
0x96: {  	_ =	strace s3  }
0x97: {  	_ =	strace $0x8FFFFFFF  }
0x98: {  	s19 =	sld [smem:$0x3FDB];
	_ =	sdelay $0x1  }
0x99: {  	s4 =	simm.s32 $_scs_section_size  }
0x9a: {  	s5 =	simm.s32 $_size__tile_overlayer_lowered;
	s6 =	simm.s32 $_tile_overlayer_lowered  }
0x9b: {  	s22 =	simm.s32 $0x1BFF;
	s21 =	sshll.u32 s6, $0x1;
	s3 =	sadd.s32 s4, s19  }
0x9c: {  	s7 =	simm.s32 $0x0;
	s20 =	sshll.u32 s5, $0x1;
	s5 =	sadd.s32 s21, s3  }
0x9d: {  	[timem:s7], [sflag:s22] =	dma.local [hbm:s5], s20  }
0x9e: {  	_ =	swait.ge [sflag:s22], s20  }
0x9f: {  	s4 =	ssub.s32 $0x0, s20;
	[sflag:s22] =	ssyncset.done $0x0  }
0xa0: {  	[sflag:s22] =	ssyncadd.s32 s4;
	_ =	sdelay $0x1  }
0xa1: {  	s23 =	simm.s32 $0x1B8B  }
0xa2: {  	_ =	swait.ge [sflag:s23], $0x1  }
0xa3: {  	[sflag:s23] =	ssyncset.done $0x0  }
0xa4: {  	s25 =	simm.s32 $0x1B8E;
	s24 =	sld [smem:$0x3FFE];
	[sflag:s23] =	ssyncadd.s32 $0xFFFFFFFF  }
0xa5: {  	s26 =	simm.s32 $execute0_lowered;
	[smem:$0x3FD2] =	sst s25  }
0xa6: {  	s5 =	sshll.u32 s26, $0x1;
	_ =	strace $0x8000004F;
	[dreg:$0x1] =	wrdreg $0xFFFFFFFF  }
0xa7: {  	s28 =	simm.s32 $_size_execute0_lowered;
	s3 =	sadd.s32 s3, s5;
	[dreg:$0x0] =	wrdreg $0x0  }
0xa8: {  	s5 =	sshll.u32 s28, $0x1;
	[dreg:$0x2] =	wrdreg s3  }
0xa9: {  	[dreg:$0x3] =	wrdreg s5  }
0xaa: {  	[dreg:$0x4] =	wrdreg $0xC0  }
0xab: {  	_ =	task [dreg:s7], $0x5FFFF  }
0xac: {  	[dreg:$0x1] =	wrdreg $0xFFFFFFFF  }
0xad: {  	[dreg:$0x0] =	wrdreg $0x60  }
0xae: {  	[dreg:$0x2] =	wrdreg s24  }
0xaf: {  	[dreg:$0x3] =	wrdreg s2  }
0xb0: {  	[dreg:$0x4] =	wrdreg $0xB3000  }
0xb1: {  	[dreg:$0x5] =	wrdreg $0x9  }
0xb2: {  	_ =	task.clear_ibuf [dreg:s7], $0x6FFFF;
	_ =	strace $0x9000004F  }
0xb3: {  	s29 =	simm.s32 $0x9;
	_ =	strace $0x80000051  }
0xb4: {  	_ =	swait.ge [sflag:s29], $0x1  }
0xb5: {  	[sflag:s29] =	ssyncadd.s32 $0xFFFFFFFF  }
0xb6: {  	_ =	strace $0x90000051  }
0xb7: {  	_ =	sfence  }
0xb8: {  	s30 =	sld [smem:$0x0];
	_ =	sdelay $0x2  }
0xb9: {  	s31 =	sshll.u32 s1, $0xD;
	s1 =	sshrl.u32 s1, $0x2  }
0xba: {  	s3 =	sand.u32 $0x4000, s31;
	s1 =	sadd.s32 s1, s30  }
0xbb: {  	s0 =	sor.u32 s3, s0;
	s1 =	sshll.u32 s1, $0x11  }
0xbc: {  	s0 =	sor.u32 s1, s0  }
0xbd: {  	s0 =	sadd.s32 $0x8F2B, s0  }
0xbe: {  	[sflag:s0] =	ssyncadd.remote.s32 $0x1  }
0xbf: {  	_ =	sfence.sel $0xFFFF  }
0xc0: {  	[dreg:$0x0] =	wrdreg $0xFFFFFFFF;
	(pc) =	sbr.abs _section_cstart, $3  }
0xc1: {  	[dreg:$0x1] =	wrdreg $0xFFFFFFFF  }
0xc2: {  	_ =	task.clear_ibuf [dreg:s7], $0x2FFFF;
	_ =	strace $0x9FFFFFFF  }
0xc3: {  	(tm) =	ssettm $0x7FFFFFFF  }
tec
execute0_lowered:
.L_overlay_start_1:
0x0: {  	(tag) =	ssettag $0x1  }
0x1: {  	s0 =	rddreg [dreg:$0x0]  }
0x2: {  	s3 =	rddreg [dreg:$0x2]  }
0x3: {  	s4 =	stileid.u32;
	s8 =	simm.s32 $0x0;
	s1 =	srdreg.scid  }
0x4: {  	s10 =	simm.s32 $0x80;
	s11 =	simm.s32 $0x400;
	s12 =	simm.s32 $0xB  }
0x5: {  	s13 =	simm.s32 $0x28;
	s14 =	simm.s32 $0x4F00;
	s15 =	simm.s32 $0x6300  }
0x6: {  	s17 =	simm.s32 $0x7700;
	s19 =	simm.s32 $0x8B00;
	s28 =	simm.s32 $0x3  }
0x7: {  	s29 =	simm.s32 $0x4;
	s30 =	simm.s32 $0x5;
	s31 =	simm.s32 $0x6  }
0x8: {  	s16 =	simm.s32 $0xA;
	s2 =	sshrl.u32 s4, $0x2;
	s21 =	smul.u32 $0x14000, s4  }
0x9: {  	s1 =	sand.u32 $0x1, s1;
	s5 =	sshll.u32 s4, $0x8;
	s22 =	smul.u32 $0x50000, s4  }
0xa: {  	[smem:$0x7FF] =	sst s8;
	s26 =	sshll.u32 s4, $0x6;
	s2 =	smul.u32 $0x13C00, s2  }
0xb: {  	s6 =	sshll.u32 s1, $0x7;
	s5 =	sand.u32 $0x300, s5;
	s7 =	smul.u32 $0x140000, s1  }
0xc: {  	_ =	strace $0x80000050;
	s1 =	ssub.s32 $0x2, s1;
	s5 =	sor.u32 s6, s5  }
0xd: {  	s23 =	sshrl.u32 s1, $0x1;
	s24 =	sshrl.u32 s22, $0x2;
	s22 =	simm.s32 $0x0  }
0xe: {  	s2 =	sor.u32 s2, s5;
	s5 =	sadd.s32 $0x17400, s0;
	s6 =	sadd.s32 s21, s7  }
0xf: {  	s1 =	ssub.s32 s1, s23;
	s25 =	sadd.s32 s24, s3;
	s21 =	simm.s32 $0x9F00  }
0x10: {  	s23 =	sor.u32 $0x1C0B, s26;
	s26 =	simm.s32 $0x2;
	s2 =	sshrl.u32 s2, $0x3  }
0x11: {  	s6 =	sshrl.u32 s6, $0x3;
	s9 =	smax.u32 s1, $0x1;
	s24 =	sshrl.u32 s25, $0x3  }
0x12: {  	s25 =	simm.s32 $0x1;
	s1 =	simm.s32 $0x8;
	s2 =	sadd.s32 s2, s0  }
0x13: {  	s0 =	sadd.s32 s6, s0;
	s6 =	sadd.s32 $0xD600, s2;
	s7 =	sadd.s32 $0x3800, s2  }
0x14: {  	s8 =	sadd.s32 $0x3F400, s0;
	s0 =	simm.s32 $0x7;
	s2 =	simm.s32 $0x9  }
.LBB2_1:
0x15: {  	s4 =	simm.s32 $0x0  }
0x16: {  	[tilespmem:s4], [sflag:$0xB] =	stream.strided.gather [hbm4b:s6+s10], $0x2780, s11, s10, $0x38;
	[tilespmem:$0x1F300] =	vst v63  }
0x17: {  	_ =	swait.ge [sflag:s12], $0x2780  }
0x18: {  	[sflag:s12] =	ssyncset.done $0x0  }
0x19: {  	[sflag:s12] =	ssyncadd.s32 $0xFFFFD880  }
0x1a: {  	[tilespmem:s14], [sflag:$0x1] =	stream.indirect.gather [hbm4b:s5+s13], $0x80, s4, s13, $0xb8;
	[tilespmem:$0x1F300] =	vst v63  }
0x1b: {  	_ = 	snop  }
0x1c: {  	[tilespmem:s15], [sflag:$0x2] =	stream.indirect.gather [hbm4b:s5+s13], $0x80, s13, s13, $0xb8;
	[tilespmem:$0x1F300] =	vst v63  }
0x1d: {  	s20 =	simm.s32 $0x50  }
0x1e: {  	[tilespmem:s17], [sflag:$0x3] =	stream.indirect.gather [hbm4b:s5+s13], $0x80, s20, s13, $0xb8;
	[tilespmem:$0x1F300] =	vst v63  }
0x1f: {  	s18 =	simm.s32 $0x78  }
0x20: {  	[tilespmem:s19], [sflag:$0x4] =	stream.indirect.gather [hbm4b:s5+s13], $0x80, s18, s13, $0xb8;
	[tilespmem:$0x1F300] =	vst v63  }
0x21: {  	s20 =	simm.s32 $0xA0  }
0x22: {  	[tilespmem:s21], [sflag:$0x5] =	stream.indirect.gather [hbm4b:s5+s13], $0x80, s20, s13, $0xb8;
	[tilespmem:$0x1F300] =	vst v63  }
0x23: {  	s18 =	simm.s32 $0x2780  }
0x24: {  	[tilespmem:s18], [sflag:$0xB] =	stream.strided.gather [hbm4b:s7+s10], $0x2780, s11, s10, $0x38;
	[tilespmem:$0x1F300] =	vst v63  }
0x25: {  	_ =	swait.ge [sflag:s12], $0x2780  }
0x26: {  	[sflag:s12] =	ssyncset.done $0x0  }
0x27: {  	[sflag:s12] =	ssyncadd.s32 $0xFFFFD880  }
0x28: {  	s20 =	rddreg [dreg:$0x1]  }
0x29: {  	[spmem:s24], [sflag:s23] =	dma.local [hbm:s20], $0x2800  }
0x2a: {  	_ =	swait.ge [sflag:s12], $0x2800  }
0x2b: {  	[sflag:s12] =	ssyncset.done $0x0  }
0x2c: {  	[sflag:s12] =	ssyncadd.s32 $0xFFFFD800  }
0x2d: {  	[bflag:$0x0] =	sbarrier.arrive $0xFFFF  }
0x2e: {  	_ =	swait.ge [sflag:s25], $0x1400  }
0x2f: {  	[sflag:s25] =	ssyncset.done $0x0  }
0x30: {  	s18 =	simm.s32 $0x2780;
	[sflag:s25] =	ssyncadd.s32 $0xFFFFEC00  }
0x31: {  	[spmem:s3] =	stream.indirect.scatter.add.f32 [tilespmem:s14], [sflag:$0x6], $0x80, s18, s13, $0xb8;
	[tilespmem:$0x1F300] =	vst v63  }
0x32: {  	_ =	swait.ge [sflag:s26], $0x1400  }
0x33: {  	[sflag:s26] =	ssyncset.done $0x0  }
0x34: {  	s4 =	simm.s32 $0x27A8;
	[sflag:s26] =	ssyncadd.s32 $0xFFFFEC00  }
0x35: {  	[spmem:s3] =	stream.indirect.scatter.add.f32 [tilespmem:s15], [sflag:$0x7], $0x80, s4, s13, $0xb8;
	[tilespmem:$0x1F300] =	vst v63  }
0x36: {  	_ =	swait.ge [sflag:s28], $0x1400  }
0x37: {  	[sflag:s28] =	ssyncset.done $0x0  }
0x38: {  	s20 =	simm.s32 $0x27D0;
	[sflag:s28] =	ssyncadd.s32 $0xFFFFEC00  }
0x39: {  	[spmem:s3] =	stream.indirect.scatter.add.f32 [tilespmem:s17], [sflag:$0x8], $0x80, s20, s13, $0xb8;
	[tilespmem:$0x1F300] =	vst v63  }
0x3a: {  	_ =	swait.ge [sflag:s29], $0x1400  }
0x3b: {  	[sflag:s29] =	ssyncset.done $0x0  }
0x3c: {  	s4 =	simm.s32 $0x27F8;
	[sflag:s29] =	ssyncadd.s32 $0xFFFFEC00  }
0x3d: {  	[spmem:s3] =	stream.indirect.scatter.add.f32 [tilespmem:s19], [sflag:$0x9], $0x80, s4, s13, $0xb8;
	[tilespmem:$0x1F300] =	vst v63  }
0x3e: {  	_ =	swait.ge [sflag:s30], $0x1400  }
0x3f: {  	[sflag:s30] =	ssyncset.done $0x0  }
0x40: {  	s20 =	simm.s32 $0x2820;
	[sflag:s30] =	ssyncadd.s32 $0xFFFFEC00  }
0x41: {  	[spmem:s3] =	stream.indirect.scatter.add.f32 [tilespmem:s21], [sflag:$0xA], $0x80, s20, s13, $0xb8;
	[tilespmem:$0x1F300] =	vst v63  }
0x42: {  	_ =	swait.ge [sflag:s31], $0x1400  }
0x43: {  	[sflag:s31] =	ssyncset.done $0x0  }
0x44: {  	s4 =	simm.s32 $0xC8;
	[sflag:s31] =	ssyncadd.s32 $0xFFFFEC00  }
0x45: {  	[tilespmem:s14], [sflag:$0x1] =	stream.indirect.gather [hbm4b:s5+s13], $0x80, s4, s13, $0xb8;
	[tilespmem:$0x1F300] =	vst v63  }
0x46: {  	_ =	swait.ge [sflag:s0], $0x1400  }
0x47: {  	[sflag:s0] =	ssyncset.done $0x0  }
0x48: {  	s20 =	simm.s32 $0xF0;
	[sflag:s0] =	ssyncadd.s32 $0xFFFFEC00  }
0x49: {  	[tilespmem:s15], [sflag:$0x2] =	stream.indirect.gather [hbm4b:s5+s13], $0x80, s20, s13, $0xb8;
	[tilespmem:$0x1F300] =	vst v63  }
0x4a: {  	_ =	swait.ge [sflag:s1], $0x1400  }
0x4b: {  	[sflag:s1] =	ssyncset.done $0x0  }
0x4c: {  	s4 =	simm.s32 $0x118;
	[sflag:s1] =	ssyncadd.s32 $0xFFFFEC00  }
0x4d: {  	[tilespmem:s17], [sflag:$0x3] =	stream.indirect.gather [hbm4b:s5+s13], $0x80, s4, s13, $0xb8;
	[tilespmem:$0x1F300] =	vst v63  }
0x4e: {  	_ =	swait.ge [sflag:s2], $0x1400  }
0x4f: {  	[sflag:s2] =	ssyncset.done $0x0  }
0x50: {  	s20 =	simm.s32 $0x140;
	[sflag:s2] =	ssyncadd.s32 $0xFFFFEC00  }
0x51: {  	[tilespmem:s19], [sflag:$0x4] =	stream.indirect.gather [hbm4b:s5+s13], $0x80, s20, s13, $0xb8;
	[tilespmem:$0x1F300] =	vst v63  }
0x52: {  	_ =	swait.ge [sflag:s16], $0x1400  }
0x53: {  	[sflag:s16] =	ssyncset.done $0x0  }
0x54: {  	s18 =	simm.s32 $0x320;
	s20 =	simm.s32 $0x168;
	[sflag:s16] =	ssyncadd.s32 $0xFFFFEC00  }
.LBB2_2:
0x55: {  	[tilespmem:s21], [sflag:$0x5] =	stream.indirect.gather [hbm4b:s5+s13], $0x80, s20, s13, $0xb8;
	[tilespmem:$0x1F300] =	vst v63  }
0x56: {  	s20 =	smov.u32 s18  }
0x57: {  	p0 =	sne.s32 s18, $0x9600;
	s18 =	sadd.s32 $0x320, s18;
	_ =	swait.ge [sflag:s25], $0x1400  }
0x58: {  	s20 =	sshra.s32 s20, $0x2;
	[sflag:s25] =	ssyncset.done $0x0  }
0x59: {  	s4 =	sadd.s32 $0x2780, s20;
	[sflag:s25] =	ssyncadd.s32 $0xFFFFEC00  }
0x5a: {  	[spmem:s3] =	stream.indirect.scatter.add.f32 [tilespmem:s14], [sflag:$0x6], $0x80, s4, s13, $0xb8;
	[tilespmem:$0x1F300] =	vst v63  }
0x5b: {  	_ =	swait.ge [sflag:s26], $0x1400  }
0x5c: {  	[sflag:s26] =	ssyncset.done $0x0  }
0x5d: {  	s4 =	sadd.s32 $0x27A8, s20;
	[sflag:s26] =	ssyncadd.s32 $0xFFFFEC00  }
0x5e: {  	[spmem:s3] =	stream.indirect.scatter.add.f32 [tilespmem:s15], [sflag:$0x7], $0x80, s4, s13, $0xb8;
	[tilespmem:$0x1F300] =	vst v63  }
0x5f: {  	_ =	swait.ge [sflag:s28], $0x1400  }
0x60: {  	[sflag:s28] =	ssyncset.done $0x0  }
0x61: {  	s4 =	sadd.s32 $0x27D0, s20;
	[sflag:s28] =	ssyncadd.s32 $0xFFFFEC00  }
0x62: {  	[spmem:s3] =	stream.indirect.scatter.add.f32 [tilespmem:s17], [sflag:$0x8], $0x80, s4, s13, $0xb8;
	[tilespmem:$0x1F300] =	vst v63  }
0x63: {  	_ =	swait.ge [sflag:s29], $0x1400  }
0x64: {  	[sflag:s29] =	ssyncset.done $0x0  }
0x65: {  	s4 =	sadd.s32 $0x27F8, s20;
	[sflag:s29] =	ssyncadd.s32 $0xFFFFEC00  }
0x66: {  	[spmem:s3] =	stream.indirect.scatter.add.f32 [tilespmem:s19], [sflag:$0x9], $0x80, s4, s13, $0xb8;
	[tilespmem:$0x1F300] =	vst v63  }
0x67: {  	_ =	swait.ge [sflag:s30], $0x1400  }
0x68: {  	[sflag:s30] =	ssyncset.done $0x0  }
0x69: {  	s4 =	sadd.s32 $0x2820, s20;
	[sflag:s30] =	ssyncadd.s32 $0xFFFFEC00  }
0x6a: {  	[spmem:s3] =	stream.indirect.scatter.add.f32 [tilespmem:s21], [sflag:$0xA], $0x80, s4, s13, $0xb8;
	[tilespmem:$0x1F300] =	vst v63  }
0x6b: {  	_ =	swait.ge [sflag:s31], $0x1400  }
0x6c: {  	[sflag:s31] =	ssyncset.done $0x0  }
0x6d: {  	s4 =	sadd.s32 $0xC8, s20;
	[sflag:s31] =	ssyncadd.s32 $0xFFFFEC00  }
0x6e: {  	[tilespmem:s14], [sflag:$0x1] =	stream.indirect.gather [hbm4b:s5+s13], $0x80, s4, s13, $0xb8;
	[tilespmem:$0x1F300] =	vst v63  }
0x6f: {  	_ =	swait.ge [sflag:s0], $0x1400  }
0x70: {  	[sflag:s0] =	ssyncset.done $0x0  }
0x71: {  	s4 =	sadd.s32 $0xF0, s20;
	[sflag:s0] =	ssyncadd.s32 $0xFFFFEC00  }
0x72: {  	[tilespmem:s15], [sflag:$0x2] =	stream.indirect.gather [hbm4b:s5+s13], $0x80, s4, s13, $0xb8;
	[tilespmem:$0x1F300] =	vst v63  }
0x73: {  	_ =	swait.ge [sflag:s1], $0x1400  }
0x74: {  	[sflag:s1] =	ssyncset.done $0x0  }
0x75: {  	s4 =	sadd.s32 $0x118, s20;
	[sflag:s1] =	ssyncadd.s32 $0xFFFFEC00  }
0x76: {  	[tilespmem:s17], [sflag:$0x3] =	stream.indirect.gather [hbm4b:s5+s13], $0x80, s4, s13, $0xb8;
	[tilespmem:$0x1F300] =	vst v63  }
0x77: {  	_ =	swait.ge [sflag:s2], $0x1400  }
0x78: {  	[sflag:s2] =	ssyncset.done $0x0  }
.Ltmp0:
0x79: {  	s4 =	sadd.s32 $0x140, s20;
	[sflag:s2] =	ssyncadd.s32 $0xFFFFEC00;
	(pc) =	sbr.rel @p0 .LBB2_2-.Ltmp0, $4  }
0x7a: {  	[tilespmem:s19], [sflag:$0x4] =	stream.indirect.gather [hbm4b:s5+s13], $0x80, s4, s13, $0xb8;
	[tilespmem:$0x1F300] =	vst v63  }
0x7b: {  	_ =	swait.ge [sflag:s16], $0x1400  }
0x7c: {  	[sflag:s16] =	ssyncset.done $0x0  }
0x7d: {  	s20 =	sadd.s32 $0x168, s20;
	[sflag:s16] =	ssyncadd.s32 $0xFFFFEC00  }
0x7e: {  	[tilespmem:s21], [sflag:$0x5] =	stream.indirect.gather [hbm4b:s5+s13], $0x80, s20, s13, $0xb8;
	[tilespmem:$0x1F300] =	vst v63  }
0x7f: {  	_ =	swait.ge [sflag:s25], $0x1400  }
0x80: {  	[sflag:s25] =	ssyncset.done $0x0  }
0x81: {  	s4 =	simm.s32 $0x4DC8;
	[sflag:s25] =	ssyncadd.s32 $0xFFFFEC00  }
0x82: {  	[spmem:s3] =	stream.indirect.scatter.add.f32 [tilespmem:s14], [sflag:$0x6], $0x80, s4, s13, $0xb8;
	[tilespmem:$0x1F300] =	vst v63  }
0x83: {  	_ =	swait.ge [sflag:s26], $0x1400  }
0x84: {  	[sflag:s26] =	ssyncset.done $0x0  }
0x85: {  	s18 =	simm.s32 $0x4DF0;
	[sflag:s26] =	ssyncadd.s32 $0xFFFFEC00  }
0x86: {  	[spmem:s3] =	stream.indirect.scatter.add.f32 [tilespmem:s15], [sflag:$0x7], $0x80, s18, s13, $0xb8;
	[tilespmem:$0x1F300] =	vst v63  }
0x87: {  	_ =	swait.ge [sflag:s28], $0x1400  }
0x88: {  	[sflag:s28] =	ssyncset.done $0x0  }
0x89: {  	s20 =	simm.s32 $0x4E18;
	[sflag:s28] =	ssyncadd.s32 $0xFFFFEC00  }
0x8a: {  	[spmem:s3] =	stream.indirect.scatter.add.f32 [tilespmem:s17], [sflag:$0x8], $0x80, s20, s13, $0xb8;
	[tilespmem:$0x1F300] =	vst v63  }
0x8b: {  	_ =	swait.ge [sflag:s29], $0x1400  }
0x8c: {  	[sflag:s29] =	ssyncset.done $0x0  }
0x8d: {  	s18 =	simm.s32 $0x4E40;
	[sflag:s29] =	ssyncadd.s32 $0xFFFFEC00  }
0x8e: {  	[spmem:s3] =	stream.indirect.scatter.add.f32 [tilespmem:s19], [sflag:$0x9], $0x80, s18, s13, $0xb8;
	[tilespmem:$0x1F300] =	vst v63  }
0x8f: {  	_ =	swait.ge [sflag:s30], $0x1400  }
0x90: {  	[sflag:s30] =	ssyncset.done $0x0  }
0x91: {  	s20 =	simm.s32 $0x4E68;
	[sflag:s30] =	ssyncadd.s32 $0xFFFFEC00  }
0x92: {  	[spmem:s3] =	stream.indirect.scatter.add.f32 [tilespmem:s21], [sflag:$0xA], $0x80, s20, s13, $0xb8;
	[tilespmem:$0x1F300] =	vst v63  }
0x93: {  	_ =	swait.ge [sflag:s31], $0x1400  }
0x94: {  	[sflag:s31] =	ssyncset.done $0x0  }
0x95: {  	[sflag:s31] =	ssyncadd.s32 $0xFFFFEC00  }
0x96: {  	_ =	swait.ge [sflag:s0], $0x1400  }
0x97: {  	[sflag:s0] =	ssyncset.done $0x0  }
0x98: {  	[sflag:s0] =	ssyncadd.s32 $0xFFFFEC00  }
0x99: {  	_ =	swait.ge [sflag:s1], $0x1400  }
0x9a: {  	[sflag:s1] =	ssyncset.done $0x0  }
0x9b: {  	[sflag:s1] =	ssyncadd.s32 $0xFFFFEC00  }
0x9c: {  	_ =	swait.ge [sflag:s2], $0x1400  }
0x9d: {  	[sflag:s2] =	ssyncset.done $0x0  }
0x9e: {  	[sflag:s2] =	ssyncadd.s32 $0xFFFFEC00  }
0x9f: {  	_ =	swait.ge [sflag:s16], $0x1400  }
0xa0: {  	s22 =	sadd.s32 $0x1, s22;
	[sflag:s16] =	ssyncset.done $0x0  }
0xa1: {  	p0 =	sne.s32 s22, s9;
	[sflag:s16] =	ssyncadd.s32 $0xFFFFEC00  }
.Ltmp1:
0xa2: {  	[bflag:$0x0] =	sbarrier.arrive $0xFFFF;
	(pc) =	sbr.rel @p0 .LBB2_1-.Ltmp1, $4  }
0xa3: {  	[hbm:s8], [sflag:s23] =	dma.local [spmem:s24], $0x2800  }
0xa4: {  	_ =	swait.ge [sflag:s12], $0x2800  }
0xa5: {  	[sflag:s12] =	ssyncset.done $0x0  }
0xa6: {  	[sflag:s12] =	ssyncadd.s32 $0xFFFFD800  }
0xa7: {  	_ =	sfence.sel $0x180000  }
0xa8: {  	[bflag:$0x0] =	sbarrier.arrive $0xFFFF  }
0xa9: {  	_ =	strace $0x90000050  }
0xaa: {  	s0 =	stileid.u32;
	[bflag:$0x2] =	sbarrier.arrive $0xFFFF  }
0xab: {  	p0 =	sne.s32 s0, $0x0;
	s0 =	rddreg [dreg:$0x3]  }
0xac: {  	s0 =	sadd.s32 @!p0 $0x100000, s0  }
0xad: {  	[sflag:s0] =	ssyncadd.tile.s32 @!p0 $0x1;
	_ =	shalt  }
.Lfunc_end2:
_tile_overlayer_lowered:
.L_overlay_start_2:
0xae: {  	(tag) =	ssettag $0x2  }
0xaf: {  	s0 =	rddreg [dreg:$0x0];
	s2 =	stileid.u32  }
0xb0: {  	s1 =	rddreg [dreg:$0x1];
	p0 =	sne.s32 s2, $0x0  }
0xb1: {  	s3 =	rddreg [dreg:$0x2];
	[bflag:$0x3] =	sbarrier.arrive $0xFFFF;
	s2 =	simm.s32 @!p0 $0x1C0B  }
0xb2: {  	[timem:s3], [sflag:s2] =	dma.local @!p0 [hbm:s0], s1  }
0xb3: {  	s0 =	simm.s32 @!p0 $0xB  }
0xb4: {  	_ =	swait.ge @!p0 [sflag:s0], s1  }
0xb5: {  	s1 =	ssub.s32 @!p0 $0x0, s1;
	[sflag:s0] =	ssyncset.done @!p0 $0x0  }
0xb6: {  	[sflag:s0] =	ssyncadd.s32 @!p0 s1  }
0xb7: {  	[bflag:$0x3] =	sbarrier.arrive $0xFFFF  }
0xb8: {  	_ =	shalt  }

// kernel: kernel.24.cloned.1.call-start
scs
__scs_entry_jumppad:
0x0: {  	(pc) =	sbr.rel $0x88, $3  }
0x1: {  	(tag) =	ssettag $0x0;
	lr =	simm.s32 $0x1  }
0x2: {  	[smem:$0x3F99] =	sst lr;
	_ =	strace $0xD0000000  }
0x3: {  	_ = 	snop  }
0x4: {  	_ = 	snop  }
0x5: {  	_ = 	snop  }
0x6: {  	_ = 	snop  }
0x7: {  	_ = 	snop  }
__scs_overlays_trampoline_lowered:
0x8: {  	[smem:$0x3FA8] =	sst s0  }
0x9: {  	[smem:$0x3FA9] =	sst s1  }
0xa: {  	[smem:$0x3FAA] =	sst s2  }
0xb: {  	[smem:$0x3FAB] =	sst s3  }
0xc: {  	[smem:$0x3FAC] =	sst s4  }
0xd: {  	[smem:$0x3FAD] =	sst s5  }
0xe: {  	[smem:$0x3FAE] =	sst s6  }
0xf: {  	[smem:$0x3FAF] =	sst s7  }
0x10: {  	[smem:$0x3FB0] =	sst s8  }
0x11: {  	[smem:$0x3FB1] =	sst s9;
	s0 =	simm.s32 @!p0 $0x0  }
0x12: {  	s1 =	sld [smem:$0x3F97];
	s0 =	simm.s32 @p0 $0x1  }
0x13: {  	[smem:$0x3FB2] =	sst s0;
	s0 =	simm.s32 @!p1 $0x0  }
0x14: {  	s2 =	sld [smem:$0x3F96];
	s0 =	simm.s32 @p1 $0x1  }
0x15: {  	[smem:$0x3FB3] =	sst s0;
	s0 =	simm.s32 @!p2 $0x0  }
0x16: {  	s3 =	sld [smem:$0x3FDB];
	s0 =	simm.s32 @p2 $0x1  }
0x17: {  	s4 =	simm.s32 $0x1BF5;
	[smem:$0x3FB5] =	sst s0  }
0x18: {  	s0 =	sld [smem:$0x3F98];
	_ =	swait.ge [sflag:s4], $0x0  }
0x19: {  	s7 =	sld [smem:$0x3F99]  }
0x1a: {  	s8 =	sadd.s32 $0xFFFFE003, lr  }
0x1b: {  	s9 =	sadd.s32 $0xFFFFFEF7, lr;
	s5 =	simm.s32 $0xFFFFFFFF;
	p2 =	slt.u32 s8, $0xFFFFF086  }
0x1c: {  	p1 =	slt.u32 s9, $0xF7A;
	s5 =	simm.s32 @!p2 $0x0  }
0x1d: {  	s5 =	simm.s32 @p1 $0x1;
	p0 =	seq.s32 s7, s2  }
0x1e: {  	s7 =	smul.u32 @!p0 $0xF7A, s2;
	p2 =	seq.s32 @!p0 s5, $0x0  }
0x1f: {  	s9 =	smul.u32 $0xF7A, s1;
	s8 =	simm.s32 @!p0 $0x1BF5;
	p2 =	por !p2, p0  }
0x20: {  	[sflag:s8] =	ssyncset.s32 @!p0 $0xFFFFF086;
	s6 =	sadd.s32 @!p0 s3, s7;
	s7 =	simm.s32 @!p0 $0x108  }
0x21: {  	s3 =	sadd.s32 s3, s9;
	s6 =	sadd.s32 @!p0 $0x88, s6;
	s7 =	simm.s32 @p2 $0x1082  }
0x22: {  	[simem:s7], [sflag:s8] =	dma.local @!p0 [hbm:s6], $0xF7A  }
0x23: {  	s9 =	sor.u32 $0xD0000000, s2;
	s6 =	simm.s32 $0x108;
	_ =	swait.ge @!p0 [sflag:s8], $0x0  }
0x24: {  	s3 =	sadd.s32 $0x88, s3;
	s6 =	simm.s32 @!p1 $0x1082;
	[sflag:s4] =	ssyncset.s32 $0xFFFFF086  }
0x25: {  	[simem:s6], [sflag:s4] =	dma.local [hbm:s3], $0xF7A  }
0x26: {  	[smem:$0x3F99] =	sst s1;
	(tag) =	ssettag s2;
	_ =	strace s9  }
0x27: {  	s1 =	sld [smem:$0x3FA9]  }
0x28: {  	s2 =	sld [smem:$0x3FAA]  }
0x29: {  	s4 =	sld [smem:$0x3FAC]  }
0x2a: {  	p0 =	seq.s32 s5, $0x0;
	s5 =	sld [smem:$0x3FAD]  }
0x2b: {  	s6 =	sld [smem:$0x3FAE]  }
0x2c: {  	s7 =	sld [smem:$0x3FAF]  }
0x2d: {  	s3 =	simm.s32 $0x108;
	s8 =	sld [smem:$0x3FB0]  }
0x2e: {  	s3 =	simm.s32 @!p0 $0x1082;
	s9 =	sld [smem:$0x3FB1]  }
0x2f: {  	lr =	sadd.s32 s0, s3;
	s0 =	sld [smem:$0x3FA8]  }
0x30: {  	s3 =	sld [smem:$0x3FAB]  }
0x31: {  	[smem:$0x3FB4] =	sst s10  }
0x32: {  	s10 =	sld [smem:$0x3FB2];
	_ =	sdelay $0x3  }
0x33: {  	p0 =	seq.s32 s10, $0x1;
	s10 =	sld [smem:$0x3FB4];
	_ =	sdelay $0x3  }
0x34: {  	[smem:$0x3FB4] =	sst s10  }
0x35: {  	s10 =	sld [smem:$0x3FB3];
	_ =	sdelay $0x3  }
0x36: {  	p1 =	seq.s32 s10, $0x1;
	s10 =	sld [smem:$0x3FB4];
	_ =	sdelay $0x3  }
0x37: {  	[smem:$0x3FB4] =	sst s10  }
0x38: {  	s10 =	sld [smem:$0x3FB5]  }
0x39: {  	_ = 	snop;
	(pc) =	sbr.ind lr, $3  }
0x3a: {  	_ = 	snop  }
0x3b: {  	_ = 	snop  }
0x3c: {  	p2 =	seq.s32 s10, $0x1;
	s10 =	sld [smem:$0x3FB4]  }
0x3d: {  	_ =	shalt  }
0x3e: {  	_ =	shalt  }
0x3f: {  	_ =	shalt  }
0x40: {  	_ =	shalt  }
0x41: {  	_ =	shalt  }
0x42: {  	_ =	shalt  }
0x43: {  	_ =	shalt  }
0x44: {  	_ =	shalt  }
0x45: {  	_ =	shalt  }
0x46: {  	_ =	shalt  }
0x47: {  	_ =	shalt  }
0x48: {  	_ =	shalt  }
0x49: {  	_ =	shalt  }
0x4a: {  	_ =	shalt  }
0x4b: {  	_ =	shalt  }
0x4c: {  	_ =	shalt  }
0x4d: {  	_ =	shalt  }
0x4e: {  	_ =	shalt  }
0x4f: {  	_ =	shalt  }
0x50: {  	_ =	shalt  }
0x51: {  	_ =	shalt  }
0x52: {  	_ =	shalt  }
0x53: {  	_ =	shalt  }
0x54: {  	_ =	shalt  }
0x55: {  	_ =	shalt  }
0x56: {  	_ =	shalt  }
0x57: {  	_ =	shalt  }
0x58: {  	_ =	shalt  }
0x59: {  	_ =	shalt  }
0x5a: {  	_ =	shalt  }
0x5b: {  	_ =	shalt  }
0x5c: {  	_ =	shalt  }
0x5d: {  	_ =	shalt  }
0x5e: {  	_ =	shalt  }
0x5f: {  	_ =	shalt  }
0x60: {  	_ =	shalt  }
0x61: {  	_ =	shalt  }
0x62: {  	_ =	shalt  }
0x63: {  	_ =	shalt  }
0x64: {  	_ =	shalt  }
0x65: {  	_ =	shalt  }
0x66: {  	_ =	shalt  }
0x67: {  	_ =	shalt  }
0x68: {  	_ =	shalt  }
0x69: {  	_ =	shalt  }
0x6a: {  	_ =	shalt  }
0x6b: {  	_ =	shalt  }
0x6c: {  	_ =	shalt  }
0x6d: {  	_ =	shalt  }
0x6e: {  	_ =	shalt  }
0x6f: {  	_ =	shalt  }
0x70: {  	_ =	shalt  }
0x71: {  	_ =	shalt  }
0x72: {  	_ =	shalt  }
0x73: {  	_ =	shalt  }
0x74: {  	_ =	shalt  }
0x75: {  	_ =	shalt  }
0x76: {  	_ =	shalt  }
0x77: {  	_ =	shalt  }
0x78: {  	_ =	shalt  }
0x79: {  	_ =	shalt  }
0x7a: {  	_ =	shalt  }
0x7b: {  	_ =	shalt  }
0x7c: {  	_ =	shalt  }
0x7d: {  	_ =	shalt  }
0x7e: {  	_ =	shalt  }
0x7f: {  	_ =	shalt  }
0x80: {  	_ =	shalt  }
0x81: {  	_ =	shalt  }
0x82: {  	_ =	shalt  }
0x83: {  	_ =	shalt  }
0x84: {  	_ =	shalt  }
0x85: {  	_ =	shalt  }
0x86: {  	_ =	shalt  }
0x87: {  	_ =	shalt  }
.Lfunc_end0:
.L_simem_size_0:
called_computation.4_lowered:
.L_overlay_start_0:
0x88: {  	s2 =	sld [smem:$0x3FD9]  }
0x89: {  	s3 =	sld [smem:$0x3FFE];
	_ =	sdelay $0x1  }
0x8a: {  	s1 =	srdreg.scid  }
0x8b: {  	s0 =	sand.u32 $0x1, s1  }
0x8c: {  	s17 =	sshll.u32 s0, $0xA;
	s2 =	sadd.s32 s3, s2  }
0x8d: {  	s2 =	sadd.s32 s2, s17  }
0x8e: {  	[smem:$0x3FC0] =	sst s2  }
0x8f: {  	_ = 	snop  }
0x90: {  	s2 =	sld [smem:$0x3FD0];
	(tm) =	ssettm $0x1  }
0x91: {  	s18 =	sld [smem:$0x3FFB];
	_ =	sdelay $0x3  }
0x92: {  	_ =	strace s18  }
0x93: {  	s3 =	sld [smem:$0x3FFC];
	_ =	sdelay $0x3  }
0x94: {  	_ =	strace s3  }
0x95: {  	s3 =	sld [smem:$0x3FFD];
	_ =	sdelay $0x3  }
0x96: {  	_ =	strace s3  }
0x97: {  	_ =	strace $0x8FFFFFFF  }
0x98: {  	s19 =	sld [smem:$0x3FDB];
	_ =	sdelay $0x1  }
0x99: {  	s4 =	simm.s32 $_scs_section_size  }
0x9a: {  	s5 =	simm.s32 $_size__tile_overlayer_lowered;
	s6 =	simm.s32 $_tile_overlayer_lowered  }
0x9b: {  	s22 =	simm.s32 $0x1BFF;
	s21 =	sshll.u32 s6, $0x1;
	s3 =	sadd.s32 s4, s19  }
0x9c: {  	s7 =	simm.s32 $0x0;
	s20 =	sshll.u32 s5, $0x1;
	s5 =	sadd.s32 s21, s3  }
0x9d: {  	[timem:s7], [sflag:s22] =	dma.local [hbm:s5], s20  }
0x9e: {  	_ =	swait.ge [sflag:s22], s20  }
0x9f: {  	s4 =	ssub.s32 $0x0, s20;
	[sflag:s22] =	ssyncset.done $0x0  }
0xa0: {  	[sflag:s22] =	ssyncadd.s32 s4;
	_ =	sdelay $0x1  }
0xa1: {  	s23 =	simm.s32 $0x1B8B  }
0xa2: {  	_ =	swait.ge [sflag:s23], $0x1  }
0xa3: {  	[sflag:s23] =	ssyncset.done $0x0  }
0xa4: {  	s25 =	simm.s32 $0x1B8E;
	s24 =	sld [smem:$0x3FFE];
	[sflag:s23] =	ssyncadd.s32 $0xFFFFFFFF  }
0xa5: {  	s26 =	simm.s32 $execute0_lowered;
	[smem:$0x3FD2] =	sst s25  }
0xa6: {  	s5 =	sshll.u32 s26, $0x1;
	_ =	strace $0x80000052;
	[dreg:$0x1] =	wrdreg $0xFFFFFFFF  }
0xa7: {  	s28 =	simm.s32 $_size_execute0_lowered;
	s3 =	sadd.s32 s3, s5;
	[dreg:$0x0] =	wrdreg $0x0  }
0xa8: {  	s5 =	sshll.u32 s28, $0x1;
	[dreg:$0x2] =	wrdreg s3  }
0xa9: {  	[dreg:$0x3] =	wrdreg s5  }
0xaa: {  	[dreg:$0x4] =	wrdreg $0xC0  }
0xab: {  	_ =	task [dreg:s7], $0x5FFFF  }
0xac: {  	[dreg:$0x1] =	wrdreg $0xFFFFFFFF  }
0xad: {  	[dreg:$0x0] =	wrdreg $0x60  }
0xae: {  	[dreg:$0x2] =	wrdreg s24  }
0xaf: {  	[dreg:$0x3] =	wrdreg s2  }
0xb0: {  	[dreg:$0x4] =	wrdreg $0xB3000  }
0xb1: {  	[dreg:$0x5] =	wrdreg $0x9  }
0xb2: {  	_ =	task.clear_ibuf [dreg:s7], $0x6FFFF;
	_ =	strace $0x90000052  }
0xb3: {  	s29 =	simm.s32 $0x9;
	_ =	strace $0x80000054  }
0xb4: {  	_ =	swait.ge [sflag:s29], $0x1  }
0xb5: {  	[sflag:s29] =	ssyncadd.s32 $0xFFFFFFFF  }
0xb6: {  	_ =	strace $0x90000054  }
0xb7: {  	_ =	sfence  }
0xb8: {  	s30 =	sld [smem:$0x0];
	_ =	sdelay $0x2  }
0xb9: {  	s31 =	sshll.u32 s1, $0xD;
	s1 =	sshrl.u32 s1, $0x2  }
0xba: {  	s3 =	sand.u32 $0x4000, s31;
	s1 =	sadd.s32 s1, s30  }
0xbb: {  	s0 =	sor.u32 s3, s0;
	s1 =	sshll.u32 s1, $0x11  }
0xbc: {  	s0 =	sor.u32 s1, s0  }
0xbd: {  	s0 =	sadd.s32 $0x8F2B, s0  }
0xbe: {  	[sflag:s0] =	ssyncadd.remote.s32 $0x1  }
0xbf: {  	_ =	sfence.sel $0xFFFF  }
0xc0: {  	[dreg:$0x0] =	wrdreg $0xFFFFFFFF;
	(pc) =	sbr.abs _section_cstart, $3  }
0xc1: {  	[dreg:$0x1] =	wrdreg $0xFFFFFFFF  }
0xc2: {  	_ =	task.clear_ibuf [dreg:s7], $0x2FFFF;
	_ =	strace $0x9FFFFFFF  }
0xc3: {  	(tm) =	ssettm $0x7FFFFFFF  }
tec
execute0_lowered:
.L_overlay_start_1:
0x0: {  	(tag) =	ssettag $0x1  }
0x1: {  	s0 =	rddreg [dreg:$0x0]  }
0x2: {  	s3 =	rddreg [dreg:$0x2]  }
0x3: {  	s4 =	stileid.u32;
	s8 =	simm.s32 $0x0;
	s1 =	srdreg.scid  }
0x4: {  	s10 =	simm.s32 $0x80;
	s11 =	simm.s32 $0x400;
	s12 =	simm.s32 $0xB  }
0x5: {  	s13 =	simm.s32 $0x28;
	s14 =	simm.s32 $0x4F00;
	s15 =	simm.s32 $0x6300  }
0x6: {  	s17 =	simm.s32 $0x7700;
	s19 =	simm.s32 $0x8B00;
	s28 =	simm.s32 $0x3  }
0x7: {  	s29 =	simm.s32 $0x4;
	s30 =	simm.s32 $0x5;
	s31 =	simm.s32 $0x6  }
0x8: {  	s16 =	simm.s32 $0xA;
	s2 =	sshrl.u32 s4, $0x2;
	s21 =	smul.u32 $0x14000, s4  }
0x9: {  	s1 =	sand.u32 $0x1, s1;
	s5 =	sshll.u32 s4, $0x8;
	s22 =	smul.u32 $0x50000, s4  }
0xa: {  	[smem:$0x7FF] =	sst s8;
	s26 =	sshll.u32 s4, $0x6;
	s2 =	smul.u32 $0x13C00, s2  }
0xb: {  	s6 =	sshll.u32 s1, $0x7;
	s5 =	sand.u32 $0x300, s5;
	s7 =	smul.u32 $0x140000, s1  }
0xc: {  	_ =	strace $0x80000053;
	s1 =	ssub.s32 $0x2, s1;
	s5 =	sor.u32 s6, s5  }
0xd: {  	s23 =	sshrl.u32 s1, $0x1;
	s24 =	sshrl.u32 s22, $0x2;
	s22 =	simm.s32 $0x0  }
0xe: {  	s2 =	sor.u32 s2, s5;
	s5 =	sadd.s32 $0x17400, s0;
	s6 =	sadd.s32 s21, s7  }
0xf: {  	s1 =	ssub.s32 s1, s23;
	s25 =	sadd.s32 s24, s3;
	s21 =	simm.s32 $0x9F00  }
0x10: {  	s23 =	sor.u32 $0x1C0B, s26;
	s26 =	simm.s32 $0x2;
	s2 =	sshrl.u32 s2, $0x3  }
0x11: {  	s6 =	sshrl.u32 s6, $0x3;
	s9 =	smax.u32 s1, $0x1;
	s24 =	sshrl.u32 s25, $0x3  }
0x12: {  	s25 =	simm.s32 $0x1;
	s1 =	simm.s32 $0x8;
	s2 =	sadd.s32 s2, s0  }
0x13: {  	s0 =	sadd.s32 s6, s0;
	s6 =	sadd.s32 $0xD600, s2;
	s7 =	sadd.s32 $0x3800, s2  }
0x14: {  	s8 =	sadd.s32 $0x3F400, s0;
	s0 =	simm.s32 $0x7;
	s2 =	simm.s32 $0x9  }
.LBB2_1:
0x15: {  	s4 =	simm.s32 $0x0  }
0x16: {  	[tilespmem:s4], [sflag:$0xB] =	stream.strided.gather [hbm4b:s6+s10], $0x2780, s11, s10, $0x38;
	[tilespmem:$0x1F300] =	vst v63  }
0x17: {  	_ =	swait.ge [sflag:s12], $0x2780  }
0x18: {  	[sflag:s12] =	ssyncset.done $0x0  }
0x19: {  	[sflag:s12] =	ssyncadd.s32 $0xFFFFD880  }
0x1a: {  	[tilespmem:s14], [sflag:$0x1] =	stream.indirect.gather [hbm4b:s5+s13], $0x80, s4, s13, $0xb8;
	[tilespmem:$0x1F300] =	vst v63  }
0x1b: {  	_ = 	snop  }
0x1c: {  	[tilespmem:s15], [sflag:$0x2] =	stream.indirect.gather [hbm4b:s5+s13], $0x80, s13, s13, $0xb8;
	[tilespmem:$0x1F300] =	vst v63  }
0x1d: {  	s20 =	simm.s32 $0x50  }
0x1e: {  	[tilespmem:s17], [sflag:$0x3] =	stream.indirect.gather [hbm4b:s5+s13], $0x80, s20, s13, $0xb8;
	[tilespmem:$0x1F300] =	vst v63  }
0x1f: {  	s18 =	simm.s32 $0x78  }
0x20: {  	[tilespmem:s19], [sflag:$0x4] =	stream.indirect.gather [hbm4b:s5+s13], $0x80, s18, s13, $0xb8;
	[tilespmem:$0x1F300] =	vst v63  }
0x21: {  	s20 =	simm.s32 $0xA0  }
0x22: {  	[tilespmem:s21], [sflag:$0x5] =	stream.indirect.gather [hbm4b:s5+s13], $0x80, s20, s13, $0xb8;
	[tilespmem:$0x1F300] =	vst v63  }
0x23: {  	s18 =	simm.s32 $0x2780  }
0x24: {  	[tilespmem:s18], [sflag:$0xB] =	stream.strided.gather [hbm4b:s7+s10], $0x2780, s11, s10, $0x38;
	[tilespmem:$0x1F300] =	vst v63  }
0x25: {  	_ =	swait.ge [sflag:s12], $0x2780  }
0x26: {  	[sflag:s12] =	ssyncset.done $0x0  }
0x27: {  	[sflag:s12] =	ssyncadd.s32 $0xFFFFD880  }
0x28: {  	s20 =	rddreg [dreg:$0x1]  }
0x29: {  	[spmem:s24], [sflag:s23] =	dma.local [hbm:s20], $0x2800  }
0x2a: {  	_ =	swait.ge [sflag:s12], $0x2800  }
0x2b: {  	[sflag:s12] =	ssyncset.done $0x0  }
0x2c: {  	[sflag:s12] =	ssyncadd.s32 $0xFFFFD800  }
0x2d: {  	[bflag:$0x0] =	sbarrier.arrive $0xFFFF  }
0x2e: {  	_ =	swait.ge [sflag:s25], $0x1400  }
0x2f: {  	[sflag:s25] =	ssyncset.done $0x0  }
0x30: {  	s18 =	simm.s32 $0x2780;
	[sflag:s25] =	ssyncadd.s32 $0xFFFFEC00  }
0x31: {  	[spmem:s3] =	stream.indirect.scatter.add.f32 [tilespmem:s14], [sflag:$0x6], $0x80, s18, s13, $0xb8;
	[tilespmem:$0x1F300] =	vst v63  }
0x32: {  	_ =	swait.ge [sflag:s26], $0x1400  }
0x33: {  	[sflag:s26] =	ssyncset.done $0x0  }
0x34: {  	s4 =	simm.s32 $0x27A8;
	[sflag:s26] =	ssyncadd.s32 $0xFFFFEC00  }
0x35: {  	[spmem:s3] =	stream.indirect.scatter.add.f32 [tilespmem:s15], [sflag:$0x7], $0x80, s4, s13, $0xb8;
	[tilespmem:$0x1F300] =	vst v63  }
0x36: {  	_ =	swait.ge [sflag:s28], $0x1400  }
0x37: {  	[sflag:s28] =	ssyncset.done $0x0  }
0x38: {  	s20 =	simm.s32 $0x27D0;
	[sflag:s28] =	ssyncadd.s32 $0xFFFFEC00  }
0x39: {  	[spmem:s3] =	stream.indirect.scatter.add.f32 [tilespmem:s17], [sflag:$0x8], $0x80, s20, s13, $0xb8;
	[tilespmem:$0x1F300] =	vst v63  }
0x3a: {  	_ =	swait.ge [sflag:s29], $0x1400  }
0x3b: {  	[sflag:s29] =	ssyncset.done $0x0  }
0x3c: {  	s4 =	simm.s32 $0x27F8;
	[sflag:s29] =	ssyncadd.s32 $0xFFFFEC00  }
0x3d: {  	[spmem:s3] =	stream.indirect.scatter.add.f32 [tilespmem:s19], [sflag:$0x9], $0x80, s4, s13, $0xb8;
	[tilespmem:$0x1F300] =	vst v63  }
0x3e: {  	_ =	swait.ge [sflag:s30], $0x1400  }
0x3f: {  	[sflag:s30] =	ssyncset.done $0x0  }
0x40: {  	s20 =	simm.s32 $0x2820;
	[sflag:s30] =	ssyncadd.s32 $0xFFFFEC00  }
0x41: {  	[spmem:s3] =	stream.indirect.scatter.add.f32 [tilespmem:s21], [sflag:$0xA], $0x80, s20, s13, $0xb8;
	[tilespmem:$0x1F300] =	vst v63  }
0x42: {  	_ =	swait.ge [sflag:s31], $0x1400  }
0x43: {  	[sflag:s31] =	ssyncset.done $0x0  }
0x44: {  	s4 =	simm.s32 $0xC8;
	[sflag:s31] =	ssyncadd.s32 $0xFFFFEC00  }
0x45: {  	[tilespmem:s14], [sflag:$0x1] =	stream.indirect.gather [hbm4b:s5+s13], $0x80, s4, s13, $0xb8;
	[tilespmem:$0x1F300] =	vst v63  }
0x46: {  	_ =	swait.ge [sflag:s0], $0x1400  }
0x47: {  	[sflag:s0] =	ssyncset.done $0x0  }
0x48: {  	s20 =	simm.s32 $0xF0;
	[sflag:s0] =	ssyncadd.s32 $0xFFFFEC00  }
0x49: {  	[tilespmem:s15], [sflag:$0x2] =	stream.indirect.gather [hbm4b:s5+s13], $0x80, s20, s13, $0xb8;
	[tilespmem:$0x1F300] =	vst v63  }
0x4a: {  	_ =	swait.ge [sflag:s1], $0x1400  }
0x4b: {  	[sflag:s1] =	ssyncset.done $0x0  }
0x4c: {  	s4 =	simm.s32 $0x118;
	[sflag:s1] =	ssyncadd.s32 $0xFFFFEC00  }
0x4d: {  	[tilespmem:s17], [sflag:$0x3] =	stream.indirect.gather [hbm4b:s5+s13], $0x80, s4, s13, $0xb8;
	[tilespmem:$0x1F300] =	vst v63  }
0x4e: {  	_ =	swait.ge [sflag:s2], $0x1400  }
0x4f: {  	[sflag:s2] =	ssyncset.done $0x0  }
0x50: {  	s20 =	simm.s32 $0x140;
	[sflag:s2] =	ssyncadd.s32 $0xFFFFEC00  }
0x51: {  	[tilespmem:s19], [sflag:$0x4] =	stream.indirect.gather [hbm4b:s5+s13], $0x80, s20, s13, $0xb8;
	[tilespmem:$0x1F300] =	vst v63  }
0x52: {  	_ =	swait.ge [sflag:s16], $0x1400  }
0x53: {  	[sflag:s16] =	ssyncset.done $0x0  }
0x54: {  	s18 =	simm.s32 $0x320;
	s20 =	simm.s32 $0x168;
	[sflag:s16] =	ssyncadd.s32 $0xFFFFEC00  }
.LBB2_2:
0x55: {  	[tilespmem:s21], [sflag:$0x5] =	stream.indirect.gather [hbm4b:s5+s13], $0x80, s20, s13, $0xb8;
	[tilespmem:$0x1F300] =	vst v63  }
0x56: {  	s20 =	smov.u32 s18  }
0x57: {  	p0 =	sne.s32 s18, $0x9600;
	s18 =	sadd.s32 $0x320, s18;
	_ =	swait.ge [sflag:s25], $0x1400  }
0x58: {  	s20 =	sshra.s32 s20, $0x2;
	[sflag:s25] =	ssyncset.done $0x0  }
0x59: {  	s4 =	sadd.s32 $0x2780, s20;
	[sflag:s25] =	ssyncadd.s32 $0xFFFFEC00  }
0x5a: {  	[spmem:s3] =	stream.indirect.scatter.add.f32 [tilespmem:s14], [sflag:$0x6], $0x80, s4, s13, $0xb8;
	[tilespmem:$0x1F300] =	vst v63  }
0x5b: {  	_ =	swait.ge [sflag:s26], $0x1400  }
0x5c: {  	[sflag:s26] =	ssyncset.done $0x0  }
0x5d: {  	s4 =	sadd.s32 $0x27A8, s20;
	[sflag:s26] =	ssyncadd.s32 $0xFFFFEC00  }
0x5e: {  	[spmem:s3] =	stream.indirect.scatter.add.f32 [tilespmem:s15], [sflag:$0x7], $0x80, s4, s13, $0xb8;
	[tilespmem:$0x1F300] =	vst v63  }
0x5f: {  	_ =	swait.ge [sflag:s28], $0x1400  }
0x60: {  	[sflag:s28] =	ssyncset.done $0x0  }
0x61: {  	s4 =	sadd.s32 $0x27D0, s20;
	[sflag:s28] =	ssyncadd.s32 $0xFFFFEC00  }
0x62: {  	[spmem:s3] =	stream.indirect.scatter.add.f32 [tilespmem:s17], [sflag:$0x8], $0x80, s4, s13, $0xb8;
	[tilespmem:$0x1F300] =	vst v63  }
0x63: {  	_ =	swait.ge [sflag:s29], $0x1400  }
0x64: {  	[sflag:s29] =	ssyncset.done $0x0  }
0x65: {  	s4 =	sadd.s32 $0x27F8, s20;
	[sflag:s29] =	ssyncadd.s32 $0xFFFFEC00  }
0x66: {  	[spmem:s3] =	stream.indirect.scatter.add.f32 [tilespmem:s19], [sflag:$0x9], $0x80, s4, s13, $0xb8;
	[tilespmem:$0x1F300] =	vst v63  }
0x67: {  	_ =	swait.ge [sflag:s30], $0x1400  }
0x68: {  	[sflag:s30] =	ssyncset.done $0x0  }
0x69: {  	s4 =	sadd.s32 $0x2820, s20;
	[sflag:s30] =	ssyncadd.s32 $0xFFFFEC00  }
0x6a: {  	[spmem:s3] =	stream.indirect.scatter.add.f32 [tilespmem:s21], [sflag:$0xA], $0x80, s4, s13, $0xb8;
	[tilespmem:$0x1F300] =	vst v63  }
0x6b: {  	_ =	swait.ge [sflag:s31], $0x1400  }
0x6c: {  	[sflag:s31] =	ssyncset.done $0x0  }
0x6d: {  	s4 =	sadd.s32 $0xC8, s20;
	[sflag:s31] =	ssyncadd.s32 $0xFFFFEC00  }
0x6e: {  	[tilespmem:s14], [sflag:$0x1] =	stream.indirect.gather [hbm4b:s5+s13], $0x80, s4, s13, $0xb8;
	[tilespmem:$0x1F300] =	vst v63  }
0x6f: {  	_ =	swait.ge [sflag:s0], $0x1400  }
0x70: {  	[sflag:s0] =	ssyncset.done $0x0  }
0x71: {  	s4 =	sadd.s32 $0xF0, s20;
	[sflag:s0] =	ssyncadd.s32 $0xFFFFEC00  }
0x72: {  	[tilespmem:s15], [sflag:$0x2] =	stream.indirect.gather [hbm4b:s5+s13], $0x80, s4, s13, $0xb8;
	[tilespmem:$0x1F300] =	vst v63  }
0x73: {  	_ =	swait.ge [sflag:s1], $0x1400  }
0x74: {  	[sflag:s1] =	ssyncset.done $0x0  }
0x75: {  	s4 =	sadd.s32 $0x118, s20;
	[sflag:s1] =	ssyncadd.s32 $0xFFFFEC00  }
0x76: {  	[tilespmem:s17], [sflag:$0x3] =	stream.indirect.gather [hbm4b:s5+s13], $0x80, s4, s13, $0xb8;
	[tilespmem:$0x1F300] =	vst v63  }
0x77: {  	_ =	swait.ge [sflag:s2], $0x1400  }
0x78: {  	[sflag:s2] =	ssyncset.done $0x0  }
.Ltmp0:
0x79: {  	s4 =	sadd.s32 $0x140, s20;
	[sflag:s2] =	ssyncadd.s32 $0xFFFFEC00;
	(pc) =	sbr.rel @p0 .LBB2_2-.Ltmp0, $4  }
0x7a: {  	[tilespmem:s19], [sflag:$0x4] =	stream.indirect.gather [hbm4b:s5+s13], $0x80, s4, s13, $0xb8;
	[tilespmem:$0x1F300] =	vst v63  }
0x7b: {  	_ =	swait.ge [sflag:s16], $0x1400  }
0x7c: {  	[sflag:s16] =	ssyncset.done $0x0  }
0x7d: {  	s20 =	sadd.s32 $0x168, s20;
	[sflag:s16] =	ssyncadd.s32 $0xFFFFEC00  }
0x7e: {  	[tilespmem:s21], [sflag:$0x5] =	stream.indirect.gather [hbm4b:s5+s13], $0x80, s20, s13, $0xb8;
	[tilespmem:$0x1F300] =	vst v63  }
0x7f: {  	_ =	swait.ge [sflag:s25], $0x1400  }
0x80: {  	[sflag:s25] =	ssyncset.done $0x0  }
0x81: {  	s4 =	simm.s32 $0x4DC8;
	[sflag:s25] =	ssyncadd.s32 $0xFFFFEC00  }
0x82: {  	[spmem:s3] =	stream.indirect.scatter.add.f32 [tilespmem:s14], [sflag:$0x6], $0x80, s4, s13, $0xb8;
	[tilespmem:$0x1F300] =	vst v63  }
0x83: {  	_ =	swait.ge [sflag:s26], $0x1400  }
0x84: {  	[sflag:s26] =	ssyncset.done $0x0  }
0x85: {  	s18 =	simm.s32 $0x4DF0;
	[sflag:s26] =	ssyncadd.s32 $0xFFFFEC00  }
0x86: {  	[spmem:s3] =	stream.indirect.scatter.add.f32 [tilespmem:s15], [sflag:$0x7], $0x80, s18, s13, $0xb8;
	[tilespmem:$0x1F300] =	vst v63  }
0x87: {  	_ =	swait.ge [sflag:s28], $0x1400  }
0x88: {  	[sflag:s28] =	ssyncset.done $0x0  }
0x89: {  	s20 =	simm.s32 $0x4E18;
	[sflag:s28] =	ssyncadd.s32 $0xFFFFEC00  }
0x8a: {  	[spmem:s3] =	stream.indirect.scatter.add.f32 [tilespmem:s17], [sflag:$0x8], $0x80, s20, s13, $0xb8;
	[tilespmem:$0x1F300] =	vst v63  }
0x8b: {  	_ =	swait.ge [sflag:s29], $0x1400  }
0x8c: {  	[sflag:s29] =	ssyncset.done $0x0  }
0x8d: {  	s18 =	simm.s32 $0x4E40;
	[sflag:s29] =	ssyncadd.s32 $0xFFFFEC00  }
0x8e: {  	[spmem:s3] =	stream.indirect.scatter.add.f32 [tilespmem:s19], [sflag:$0x9], $0x80, s18, s13, $0xb8;
	[tilespmem:$0x1F300] =	vst v63  }
0x8f: {  	_ =	swait.ge [sflag:s30], $0x1400  }
0x90: {  	[sflag:s30] =	ssyncset.done $0x0  }
0x91: {  	s20 =	simm.s32 $0x4E68;
	[sflag:s30] =	ssyncadd.s32 $0xFFFFEC00  }
0x92: {  	[spmem:s3] =	stream.indirect.scatter.add.f32 [tilespmem:s21], [sflag:$0xA], $0x80, s20, s13, $0xb8;
	[tilespmem:$0x1F300] =	vst v63  }
0x93: {  	_ =	swait.ge [sflag:s31], $0x1400  }
0x94: {  	[sflag:s31] =	ssyncset.done $0x0  }
0x95: {  	[sflag:s31] =	ssyncadd.s32 $0xFFFFEC00  }
0x96: {  	_ =	swait.ge [sflag:s0], $0x1400  }
0x97: {  	[sflag:s0] =	ssyncset.done $0x0  }
0x98: {  	[sflag:s0] =	ssyncadd.s32 $0xFFFFEC00  }
0x99: {  	_ =	swait.ge [sflag:s1], $0x1400  }
0x9a: {  	[sflag:s1] =	ssyncset.done $0x0  }
0x9b: {  	[sflag:s1] =	ssyncadd.s32 $0xFFFFEC00  }
0x9c: {  	_ =	swait.ge [sflag:s2], $0x1400  }
0x9d: {  	[sflag:s2] =	ssyncset.done $0x0  }
0x9e: {  	[sflag:s2] =	ssyncadd.s32 $0xFFFFEC00  }
0x9f: {  	_ =	swait.ge [sflag:s16], $0x1400  }
0xa0: {  	s22 =	sadd.s32 $0x1, s22;
	[sflag:s16] =	ssyncset.done $0x0  }
0xa1: {  	p0 =	sne.s32 s22, s9;
	[sflag:s16] =	ssyncadd.s32 $0xFFFFEC00  }
.Ltmp1:
0xa2: {  	[bflag:$0x0] =	sbarrier.arrive $0xFFFF;
	(pc) =	sbr.rel @p0 .LBB2_1-.Ltmp1, $4  }
0xa3: {  	[hbm:s8], [sflag:s23] =	dma.local [spmem:s24], $0x2800  }
0xa4: {  	_ =	swait.ge [sflag:s12], $0x2800  }
0xa5: {  	[sflag:s12] =	ssyncset.done $0x0  }
0xa6: {  	[sflag:s12] =	ssyncadd.s32 $0xFFFFD800  }
0xa7: {  	_ =	sfence.sel $0x180000  }
0xa8: {  	[bflag:$0x0] =	sbarrier.arrive $0xFFFF  }
0xa9: {  	_ =	strace $0x90000053  }
0xaa: {  	s0 =	stileid.u32;
	[bflag:$0x2] =	sbarrier.arrive $0xFFFF  }
0xab: {  	p0 =	sne.s32 s0, $0x0;
	s0 =	rddreg [dreg:$0x3]  }
0xac: {  	s0 =	sadd.s32 @!p0 $0x100000, s0  }
0xad: {  	[sflag:s0] =	ssyncadd.tile.s32 @!p0 $0x1;
	_ =	shalt  }
.Lfunc_end2:
_tile_overlayer_lowered:
.L_overlay_start_2:
0xae: {  	(tag) =	ssettag $0x2  }
0xaf: {  	s0 =	rddreg [dreg:$0x0];
	s2 =	stileid.u32  }
0xb0: {  	s1 =	rddreg [dreg:$0x1];
	p0 =	sne.s32 s2, $0x0  }
0xb1: {  	s3 =	rddreg [dreg:$0x2];
	[bflag:$0x3] =	sbarrier.arrive $0xFFFF;
	s2 =	simm.s32 @!p0 $0x1C0B  }
0xb2: {  	[timem:s3], [sflag:s2] =	dma.local @!p0 [hbm:s0], s1  }
0xb3: {  	s0 =	simm.s32 @!p0 $0xB  }
0xb4: {  	_ =	swait.ge @!p0 [sflag:s0], s1  }
0xb5: {  	s1 =	ssub.s32 @!p0 $0x0, s1;
	[sflag:s0] =	ssyncset.done @!p0 $0x0  }
0xb6: {  	[sflag:s0] =	ssyncadd.s32 @!p0 s1  }
0xb7: {  	[bflag:$0x3] =	sbarrier.arrive $0xFFFF  }
0xb8: {  	_ =	shalt  }

</sc_bundles>
